<compile_context>
chip_gen: v7x
topology: tpu7x:2x2x1
jax: 0.10.2.dev20260603
libtpu: 0.0.44.dev20260713+nightly
codegen_flags: <defaults>
</compile_context>

<pallas_src>
import jax
import jax.numpy as jnp
from jax import lax
from jax.experimental import pallas as pl
from jax.experimental.pallas import tpu as pltpu
from jax.experimental.pallas import tpu_sc as plsc

D = 256
B = 8 * 1024
NC, NS, L = 2, 16, 16
NW = NC * NS
ROWS_PER_W = B // NW
CHUNK = 64
NCHUNK = ROWS_PER_W // CHUNK
NVREG = D // L


def _rsqrt(ss):
    i = lax.bitcast_convert_type(ss, jnp.int32)
    i = jnp.int32(0x5F3759DF) - (i >> 1)
    y = lax.bitcast_convert_type(i, jnp.float32)
    y = y * (jnp.float32(1.5) - jnp.float32(0.5) * ss * y * y)
    return y


def _lane_sum(v):
    perm = lax.iota(jnp.int32, L)
    dnums = lax.GatherDimensionNumbers(
        offset_dims=(), collapsed_slice_dims=(0,), start_index_map=(0,))
    for s in (8, 4, 2, 1):
        shuf = lax.gather(
            v, (perm ^ s)[:, None], dnums, slice_sizes=(1,),
            unique_indices=True,
            mode=lax.GatherScatterMode.PROMISE_IN_BOUNDS)
        v = v + shuf
    return v


W_PER_ROW = 1024 // ROWS_PER_W


def _sc_body(idx_hbm, table_hbm, out_hbm, idx_v, rows_v, gsems, wsem):
    wid = lax.axis_index("s") * NC + lax.axis_index("c")
    b = wid // W_PER_ROW
    col0 = (wid % W_PER_ROW) * ROWS_PER_W

    pltpu.sync_copy(idx_hbm.at[b, pl.ds(col0, ROWS_PER_W)], idx_v)

    gathers = [
        pltpu.async_copy(
            table_hbm.at[idx_v.at[pl.ds(c * CHUNK, CHUNK)]],
            rows_v.at[pl.ds(c * CHUNK, CHUNK)], gsems.at[c])
        for c in range(NCHUNK)
    ]
    writes = []
    for c in range(NCHUNK):
        gathers[c].wait()
        norm_chunk(rows_v, c)
        writes.append(pltpu.async_copy(
            rows_v.at[pl.ds(c * CHUNK, CHUNK)],
            out_hbm.at[b, pl.ds(col0 + c * CHUNK, CHUNK)], wsem))
    for w in writes:
        w.wait()


def norm_chunk(rows_v, c):
    @plsc.parallel_loop(c * CHUNK, (c + 1) * CHUNK, unroll=2)
    def norm_row(r):
        acc0 = jnp.zeros((L,), jnp.float32)
        acc1 = jnp.zeros((L,), jnp.float32)
        vs = []
        for j in range(NVREG):
            v = rows_v[r, pl.ds(j * L, L)]
            vs.append(v)
            if j % 2 == 0:
                acc0 = acc0 + v * v
            else:
                acc1 = acc1 + v * v
        ss = _lane_sum(acc0 + acc1)
        scale = _rsqrt(jnp.maximum(ss, jnp.float32(1e-24)))
        for j in range(NVREG):
            rows_v[r, pl.ds(j * L, L)] = vs[j] * scale


@jax.jit
def _lookup_normalize(idx_grid, table):
    mesh = plsc.VectorSubcoreMesh(core_axis_name="c", subcore_axis_name="s")
    run = pl.kernel(
        _sc_body,
        mesh=mesh,
        out_type=jax.ShapeDtypeStruct((8, 1024, D), jnp.float32),
        scratch_types=[
            pltpu.VMEM((ROWS_PER_W,), jnp.int32),
            pltpu.VMEM((ROWS_PER_W, D), jnp.float32),
            pltpu.SemaphoreType.DMA((NCHUNK,)),
            pltpu.SemaphoreType.DMA,
        ],
    )
    return run(idx_grid, table)


def kernel(idx, embeddings):
    return _lookup_normalize(idx.astype(jnp.int32), embeddings)

# --- scband reference (transcript-rebuilt; emitter-appended) ---
"""Pipeline reference for scband-codebook-91096256348595 (READ-ONLY COPY).

The authoritative reference and input builder live on the scoring server;
editing this copy changes nothing except your own understanding.
"""

import jax, jax.numpy as jnp
import numpy as np

NUM_EMBEDDINGS = 8192
EMBEDDING_DIM = 256
NORMALIZE_EMB = True


def setup_inputs(seed: int = 0) -> dict:
    key = jax.random.key(seed)
    k_idx, k_emb = jax.random.split(key)
    idx = jax.random.randint(k_idx, (8, 1024), 0, NUM_EMBEDDINGS, dtype=jnp.int64 if jax.config.jax_enable_x64 else jnp.int32)
    embeddings = jax.random.normal(k_emb, (NUM_EMBEDDINGS, EMBEDDING_DIM), dtype=jnp.float32)
    return {"idx": idx, "embeddings": embeddings}


def reference(idx, embeddings):
    # nn.Embedding lookup -> gather
    emb = jnp.take(embeddings, idx, axis=0)
    if NORMALIZE_EMB:
        # F.normalize(emb, dim=-1): v / max(||v||_2, eps)
        norm = jnp.linalg.norm(emb, ord=2, axis=-1, keepdims=True)
        emb = emb / jnp.maximum(norm, 1e-12)
    return emb

if __name__ == "__main__":
    import jax
    _d = setup_inputs()
    print(jax.jit(kernel)(*tuple(_d.values())))

</pallas_src>

<mosaic_0001>
#map = affine_map<(d0, d1) -> (0, 0)>
#map1 = affine_map<(d0, d1) -> (0, 0, 0)>
module attributes {stable_mosaic.version = 14 : i64} {
  func.func @_sc_body(%arg0: i32, %arg1: i32, %arg2: memref<8x1024xi32, #tpu.memory_space<hbm>>, %arg3: memref<8192x256xf32, #tpu.memory_space<hbm>>, %arg4: memref<8x1024x256xf32, #tpu.memory_space<hbm>>, %arg5: memref<256xi32, #tpu.memory_space<vmem>>, %arg6: memref<256x256xf32, #tpu.memory_space<vmem>>, %arg7: memref<4x!tpu.dma_semaphore, #tpu.memory_space<semaphore_mem>>, %arg8: memref<!tpu.dma_semaphore, #tpu.memory_space<semaphore_mem>>) attributes {dimension_semantics = [#tpu.dimension_semantics<core_parallel>, #tpu.dimension_semantics<subcore_parallel>], iteration_bounds = array<i64: 2, 16>, scalar_prefetch = 0 : i64, scratch_operands = 4 : i64, tpu.core_type = #tpu.core_type<sc_vector_subcore>, window_params = [{transform_indices = #map}, {transform_indices = #map}, {transform_indices = #map1}]} {
    %mul3A = arith.constant 2 : i32
    %mul3A_0 = arith.muli %arg1, %mul3A : i32
    %add3A = arith.addi %mul3A_0, %arg0 : i32
    %jit3A = arith.constant 4 : i32
    %div3A = arith.divsi %add3A, %jit3A : i32
    %sign3A = arith.constant 0 : i32
    %sign3A_1 = arith.cmpi sgt, %add3A, %sign3A : i32
    %sign3A_2 = arith.extui %sign3A_1 : i1 to i32
    %sign3A_3 = arith.constant 0 : i32
    %sign3A_4 = arith.cmpi slt, %add3A, %sign3A_3 : i32
    %sign3A_5 = arith.extui %sign3A_4 : i1 to i32
    %sign3A_6 = arith.subi %sign3A_2, %sign3A_5 : i32
    %sign3A_7 = arith.constant 0 : i32
    %sign3A_8 = arith.cmpi sgt, %jit3A, %sign3A_7 : i32
    %sign3A_9 = arith.extui %sign3A_8 : i1 to i32
    %sign3A_10 = arith.constant 0 : i32
    %sign3A_11 = arith.cmpi slt, %jit3A, %sign3A_10 : i32
    %sign3A_12 = arith.extui %sign3A_11 : i1 to i32
    %sign3A_13 = arith.subi %sign3A_9, %sign3A_12 : i32
    %ne3A = arith.cmpi ne, %sign3A_6, %sign3A_13 : i32
    %rem3A = arith.remsi %add3A, %jit3A : i32
    %ne3A_14 = arith.constant 0 : i32
    %ne3A_15 = arith.cmpi ne, %rem3A, %ne3A_14 : i32
    %and3A = arith.andi %ne3A, %ne3A_15 : i1
    %sub3A = arith.constant 1 : i32
    %sub3A_16 = arith.subi %div3A, %sub3A : i32
    %select_n3A = arith.select %and3A, %sub3A_16, %div3A : i32
    %jit3A_17 = arith.constant 4 : i32
    %eq3A = arith.constant 0 : i32
    %eq3A_18 = arith.cmpi eq, %jit3A_17, %eq3A : i32
    %jit3A_19 = arith.constant 1 : i32
    %select_n3A_20 = arith.select %eq3A_18, %jit3A_19, %jit3A_17 : i32
    %rem3A_21 = arith.remsi %add3A, %select_n3A_20 : i32
    %ne3A_22 = arith.constant 0 : i32
    %ne3A_23 = arith.cmpi ne, %rem3A_21, %ne3A_22 : i32
    %lt3A = arith.constant 0 : i32
    %lt3A_24 = arith.cmpi slt, %rem3A_21, %lt3A : i32
    %lt3A_25 = arith.constant 0 : i32
    %lt3A_26 = arith.cmpi slt, %select_n3A_20, %lt3A_25 : i32
    %ne3A_27 = arith.xori %lt3A_24, %lt3A_26 : i1
    %and3A_28 = arith.andi %ne3A_27, %ne3A_23 : i1
    %add3A_29 = arith.addi %rem3A_21, %select_n3A_20 : i32
    %select_n3A_30 = arith.select %and3A_28, %add3A_29, %rem3A_21 : i32
    %mul3A_31 = arith.constant 256 : i32
    %mul3A_32 = arith.muli %select_n3A_30, %mul3A_31 : i32
    "tpu.region"() ({
      %run_scoped3A = tpu.sem_alloc : memref<!tpu.dma_semaphore, #tpu.memory_space<semaphore_mem>>
      %dma_start3A_234 = tpu.memref_slice %arg2[%select_n3A, %mul3A_32] : memref<8x1024xi32, #tpu.memory_space<hbm>> -> memref<1x256xi32, #tpu.memory_space<hbm>>
      %dma_start3A_235 = tpu.memref_squeeze %dma_start3A_234 : memref<1x256xi32, #tpu.memory_space<hbm>> -> memref<256xi32, #tpu.memory_space<hbm>>
      %dma_start3A_236 = tpu.memref_slice %arg2[%select_n3A, %mul3A_32] : memref<8x1024xi32, #tpu.memory_space<hbm>> -> memref<1x256xi32, #tpu.memory_space<hbm>>
      %dma_start3A_237 = tpu.memref_squeeze %dma_start3A_236 : memref<1x256xi32, #tpu.memory_space<hbm>> -> memref<256xi32, #tpu.memory_space<hbm>>
      tpu.enqueue_dma source(%dma_start3A_237 : memref<256xi32, #tpu.memory_space<hbm>>) target(%arg5 : memref<256xi32, #tpu.memory_space<vmem>>) target_semaphore(%run_scoped3A : memref<!tpu.dma_semaphore, #tpu.memory_space<semaphore_mem>>)
      %dma_wait3A_238 = tpu.memref_slice %arg2[%select_n3A, %mul3A_32] : memref<8x1024xi32, #tpu.memory_space<hbm>> -> memref<1x256xi32, #tpu.memory_space<hbm>>
      %dma_wait3A_239 = tpu.memref_squeeze %dma_wait3A_238 : memref<1x256xi32, #tpu.memory_space<hbm>> -> memref<256xi32, #tpu.memory_space<hbm>>
      %dma_wait3A_240 = tpu.memref_slice %arg2[%select_n3A, %mul3A_32] : memref<8x1024xi32, #tpu.memory_space<hbm>> -> memref<1x256xi32, #tpu.memory_space<hbm>>
      %dma_wait3A_241 = tpu.memref_squeeze %dma_wait3A_240 : memref<1x256xi32, #tpu.memory_space<hbm>> -> memref<256xi32, #tpu.memory_space<hbm>>
      tpu.wait_dma2 semaphore(%run_scoped3A : memref<!tpu.dma_semaphore, #tpu.memory_space<semaphore_mem>>) src(%dma_wait3A_241 : memref<256xi32, #tpu.memory_space<hbm>>) dst(%arg5 : memref<256xi32, #tpu.memory_space<vmem>>)
      tpu.yield
    }) : () -> ()
    %dma_start3A = arith.constant 0 : i32
    %dma_start3A_33 = arith.constant 0 : i32
    %dma_start3A_34 = arith.constant 0 : i32
    %dma_start3A_35 = tpu.memref_slice %arg6[%dma_start3A_33, %dma_start3A_34] : memref<256x256xf32, #tpu.memory_space<vmem>> -> memref<64x256xf32, #tpu.memory_space<vmem>>
    %dma_start3A_36 = arith.constant 0 : i32
    %dma_start3A_37 = tpu.memref_slice %arg5[%dma_start3A_36] : memref<256xi32, #tpu.memory_space<vmem>> -> memref<64xi32, #tpu.memory_space<vmem>>
    %dma_start3A_38 = arith.constant 0 : i32
    %dma_start3A_39 = arith.constant 0 : i32
    %dma_start3A_40 = tpu.memref_slice %arg3[%dma_start3A_38, %dma_start3A_39] : memref<8192x256xf32, #tpu.memory_space<hbm>> -> memref<8192x256xf32, #tpu.memory_space<hbm>>
    %dma_start3A_41 = tpu.memref_slice %arg7[%dma_start3A] : memref<4x!tpu.dma_semaphore, #tpu.memory_space<semaphore_mem>> -> memref<1x!tpu.dma_semaphore, #tpu.memory_space<semaphore_mem>>
    %dma_start3A_42 = tpu.memref_squeeze %dma_start3A_41 : memref<1x!tpu.dma_semaphore, #tpu.memory_space<semaphore_mem>> -> memref<!tpu.dma_semaphore, #tpu.memory_space<semaphore_mem>>
    tpu.enqueue_indirect_dma source(%dma_start3A_40 : memref<8192x256xf32, #tpu.memory_space<hbm>>) target(%dma_start3A_35 : memref<64x256xf32, #tpu.memory_space<vmem>>) offsets(%dma_start3A_37 : memref<64xi32, #tpu.memory_space<vmem>>) semaphore(%dma_start3A_42 : memref<!tpu.dma_semaphore, #tpu.memory_space<semaphore_mem>>)
    %dma_start3A_43 = arith.constant 1 : i32
    %dma_start3A_44 = arith.constant 64 : i32
    %dma_start3A_45 = arith.constant 0 : i32
    %dma_start3A_46 = tpu.memref_slice %arg6[%dma_start3A_44, %dma_start3A_45] : memref<256x256xf32, #tpu.memory_space<vmem>> -> memref<64x256xf32, #tpu.memory_space<vmem>>
    %dma_start3A_47 = arith.constant 64 : i32
    %dma_start3A_48 = tpu.memref_slice %arg5[%dma_start3A_47] : memref<256xi32, #tpu.memory_space<vmem>> -> memref<64xi32, #tpu.memory_space<vmem>>
    %dma_start3A_49 = arith.constant 0 : i32
    %dma_start3A_50 = arith.constant 0 : i32
    %dma_start3A_51 = tpu.memref_slice %arg3[%dma_start3A_49, %dma_start3A_50] : memref<8192x256xf32, #tpu.memory_space<hbm>> -> memref<8192x256xf32, #tpu.memory_space<hbm>>
    %dma_start3A_52 = tpu.memref_slice %arg7[%dma_start3A_43] : memref<4x!tpu.dma_semaphore, #tpu.memory_space<semaphore_mem>> -> memref<1x!tpu.dma_semaphore, #tpu.memory_space<semaphore_mem>>
    %dma_start3A_53 = tpu.memref_squeeze %dma_start3A_52 : memref<1x!tpu.dma_semaphore, #tpu.memory_space<semaphore_mem>> -> memref<!tpu.dma_semaphore, #tpu.memory_space<semaphore_mem>>
    tpu.enqueue_indirect_dma source(%dma_start3A_51 : memref<8192x256xf32, #tpu.memory_space<hbm>>) target(%dma_start3A_46 : memref<64x256xf32, #tpu.memory_space<vmem>>) offsets(%dma_start3A_48 : memref<64xi32, #tpu.memory_space<vmem>>) semaphore(%dma_start3A_53 : memref<!tpu.dma_semaphore, #tpu.memory_space<semaphore_mem>>)
    %dma_start3A_54 = arith.constant 2 : i32
    %dma_start3A_55 = arith.constant 128 : i32
    %dma_start3A_56 = arith.constant 0 : i32
    %dma_start3A_57 = tpu.memref_slice %arg6[%dma_start3A_55, %dma_start3A_56] : memref<256x256xf32, #tpu.memory_space<vmem>> -> memref<64x256xf32, #tpu.memory_space<vmem>>
    %dma_start3A_58 = arith.constant 128 : i32
    %dma_start3A_59 = tpu.memref_slice %arg5[%dma_start3A_58] : memref<256xi32, #tpu.memory_space<vmem>> -> memref<64xi32, #tpu.memory_space<vmem>>
    %dma_start3A_60 = arith.constant 0 : i32
    %dma_start3A_61 = arith.constant 0 : i32
    %dma_start3A_62 = tpu.memref_slice %arg3[%dma_start3A_60, %dma_start3A_61] : memref<8192x256xf32, #tpu.memory_space<hbm>> -> memref<8192x256xf32, #tpu.memory_space<hbm>>
    %dma_start3A_63 = tpu.memref_slice %arg7[%dma_start3A_54] : memref<4x!tpu.dma_semaphore, #tpu.memory_space<semaphore_mem>> -> memref<1x!tpu.dma_semaphore, #tpu.memory_space<semaphore_mem>>
    %dma_start3A_64 = tpu.memref_squeeze %dma_start3A_63 : memref<1x!tpu.dma_semaphore, #tpu.memory_space<semaphore_mem>> -> memref<!tpu.dma_semaphore, #tpu.memory_space<semaphore_mem>>
    tpu.enqueue_indirect_dma source(%dma_start3A_62 : memref<8192x256xf32, #tpu.memory_space<hbm>>) target(%dma_start3A_57 : memref<64x256xf32, #tpu.memory_space<vmem>>) offsets(%dma_start3A_59 : memref<64xi32, #tpu.memory_space<vmem>>) semaphore(%dma_start3A_64 : memref<!tpu.dma_semaphore, #tpu.memory_space<semaphore_mem>>)
    %dma_start3A_65 = arith.constant 3 : i32
    %dma_start3A_66 = arith.constant 192 : i32
    %dma_start3A_67 = arith.constant 0 : i32
    %dma_start3A_68 = tpu.memref_slice %arg6[%dma_start3A_66, %dma_start3A_67] : memref<256x256xf32, #tpu.memory_space<vmem>> -> memref<64x256xf32, #tpu.memory_space<vmem>>
    %dma_start3A_69 = arith.constant 192 : i32
    %dma_start3A_70 = tpu.memref_slice %arg5[%dma_start3A_69] : memref<256xi32, #tpu.memory_space<vmem>> -> memref<64xi32, #tpu.memory_space<vmem>>
    %dma_start3A_71 = arith.constant 0 : i32
    %dma_start3A_72 = arith.constant 0 : i32
    %dma_start3A_73 = tpu.memref_slice %arg3[%dma_start3A_71, %dma_start3A_72] : memref<8192x256xf32, #tpu.memory_space<hbm>> -> memref<8192x256xf32, #tpu.memory_space<hbm>>
    %dma_start3A_74 = tpu.memref_slice %arg7[%dma_start3A_65] : memref<4x!tpu.dma_semaphore, #tpu.memory_space<semaphore_mem>> -> memref<1x!tpu.dma_semaphore, #tpu.memory_space<semaphore_mem>>
    %dma_start3A_75 = tpu.memref_squeeze %dma_start3A_74 : memref<1x!tpu.dma_semaphore, #tpu.memory_space<semaphore_mem>> -> memref<!tpu.dma_semaphore, #tpu.memory_space<semaphore_mem>>
    tpu.enqueue_indirect_dma source(%dma_start3A_73 : memref<8192x256xf32, #tpu.memory_space<hbm>>) target(%dma_start3A_68 : memref<64x256xf32, #tpu.memory_space<vmem>>) offsets(%dma_start3A_70 : memref<64xi32, #tpu.memory_space<vmem>>) semaphore(%dma_start3A_75 : memref<!tpu.dma_semaphore, #tpu.memory_space<semaphore_mem>>)
    %dma_wait3A = arith.constant 0 : i32
    %dma_wait3A_76 = arith.constant 0 : i32
    %dma_wait3A_77 = arith.constant 0 : i32
    %dma_wait3A_78 = tpu.memref_slice %arg6[%dma_wait3A_76, %dma_wait3A_77] : memref<256x256xf32, #tpu.memory_space<vmem>> -> memref<64x256xf32, #tpu.memory_space<vmem>>
    %dma_wait3A_79 = arith.constant 0 : i32
    %dma_wait3A_80 = tpu.memref_slice %arg5[%dma_wait3A_79] : memref<256xi32, #tpu.memory_space<vmem>> -> memref<64xi32, #tpu.memory_space<vmem>>
    %dma_wait3A_81 = arith.constant 0 : i32
    %dma_wait3A_82 = arith.constant 0 : i32
    %dma_wait3A_83 = tpu.memref_slice %arg3[%dma_wait3A_81, %dma_wait3A_82] : memref<8192x256xf32, #tpu.memory_space<hbm>> -> memref<8192x256xf32, #tpu.memory_space<hbm>>
    %dma_wait3A_84 = tpu.memref_slice %arg7[%dma_wait3A] : memref<4x!tpu.dma_semaphore, #tpu.memory_space<semaphore_mem>> -> memref<1x!tpu.dma_semaphore, #tpu.memory_space<semaphore_mem>>
    %dma_wait3A_85 = tpu.memref_squeeze %dma_wait3A_84 : memref<1x!tpu.dma_semaphore, #tpu.memory_space<semaphore_mem>> -> memref<!tpu.dma_semaphore, #tpu.memory_space<semaphore_mem>>
    tpu.wait_indirect_dma semaphore(%dma_wait3A_85 : memref<!tpu.dma_semaphore, #tpu.memory_space<semaphore_mem>>) src(%dma_wait3A_83 : memref<8192x256xf32, #tpu.memory_space<hbm>>) dst(%dma_wait3A_78 : memref<64x256xf32, #tpu.memory_space<vmem>>)
    %parallel_loop3A = arith.constant 0 : i32
    %parallel_loop3A_86 = arith.constant 64 : i32
    %parallel_loop3A_87 = arith.constant 1 : i32
    scf.for %parallel_loop3A_234 = %parallel_loop3A to %parallel_loop3A_86 step %parallel_loop3A_87  : i32 {
      %parallel_loop3A_235 = arith.constant 0.000000e+00 : f32
      %parallel_loop3A_236 = vector.broadcast %parallel_loop3A_235 : f32 to vector<16xf32>
      %parallel_loop3A_237 = arith.constant 0.000000e+00 : f32
      %parallel_loop3A_238 = vector.broadcast %parallel_loop3A_237 : f32 to vector<16xf32>
      %parallel_loop3A_239 = arith.index_cast %parallel_loop3A_234 : i32 to index
      %parallel_loop3A_240 = arith.constant 0 : index
      %parallel_loop3A_241 = tpu.vector_load %arg6[%parallel_loop3A_239, %parallel_loop3A_240] {strides = array<i32>} : memref<256x256xf32, #tpu.memory_space<vmem>>, vector<1x16xf32>,
      %parallel_loop3A_242 = vector.shape_cast %parallel_loop3A_241 : vector<1x16xf32> to vector<16xf32>
      %parallel_loop3A_243 = arith.mulf %parallel_loop3A_242, %parallel_loop3A_242 : vector<16xf32>
      %parallel_loop3A_244 = arith.addf %parallel_loop3A_236, %parallel_loop3A_243 : vector<16xf32>
      %parallel_loop3A_245 = arith.index_cast %parallel_loop3A_234 : i32 to index
      %parallel_loop3A_246 = arith.constant 16 : index
      %parallel_loop3A_247 = tpu.vector_load %arg6[%parallel_loop3A_245, %parallel_loop3A_246] {strides = array<i32>} : memref<256x256xf32, #tpu.memory_space<vmem>>, vector<1x16xf32>,
      %parallel_loop3A_248 = vector.shape_cast %parallel_loop3A_247 : vector<1x16xf32> to vector<16xf32>
      %parallel_loop3A_249 = arith.mulf %parallel_loop3A_248, %parallel_loop3A_248 : vector<16xf32>
      %parallel_loop3A_250 = arith.addf %parallel_loop3A_238, %parallel_loop3A_249 : vector<16xf32>
      %parallel_loop3A_251 = arith.index_cast %parallel_loop3A_234 : i32 to index
      %parallel_loop3A_252 = arith.constant 32 : index
      %parallel_loop3A_253 = tpu.vector_load %arg6[%parallel_loop3A_251, %parallel_loop3A_252] {strides = array<i32>} : memref<256x256xf32, #tpu.memory_space<vmem>>, vector<1x16xf32>,
      %parallel_loop3A_254 = vector.shape_cast %parallel_loop3A_253 : vector<1x16xf32> to vector<16xf32>
      %parallel_loop3A_255 = arith.mulf %parallel_loop3A_254, %parallel_loop3A_254 : vector<16xf32>
      %parallel_loop3A_256 = arith.addf %parallel_loop3A_244, %parallel_loop3A_255 : vector<16xf32>
      %parallel_loop3A_257 = arith.index_cast %parallel_loop3A_234 : i32 to index
      %parallel_loop3A_258 = arith.constant 48 : index
      %parallel_loop3A_259 = tpu.vector_load %arg6[%parallel_loop3A_257, %parallel_loop3A_258] {strides = array<i32>} : memref<256x256xf32, #tpu.memory_space<vmem>>, vector<1x16xf32>,
      %parallel_loop3A_260 = vector.shape_cast %parallel_loop3A_259 : vector<1x16xf32> to vector<16xf32>
      %parallel_loop3A_261 = arith.mulf %parallel_loop3A_260, %parallel_loop3A_260 : vector<16xf32>
      %parallel_loop3A_262 = arith.addf %parallel_loop3A_250, %parallel_loop3A_261 : vector<16xf32>
      %parallel_loop3A_263 = arith.index_cast %parallel_loop3A_234 : i32 to index
      %parallel_loop3A_264 = arith.constant 64 : index
      %parallel_loop3A_265 = tpu.vector_load %arg6[%parallel_loop3A_263, %parallel_loop3A_264] {strides = array<i32>} : memref<256x256xf32, #tpu.memory_space<vmem>>, vector<1x16xf32>,
      %parallel_loop3A_266 = vector.shape_cast %parallel_loop3A_265 : vector<1x16xf32> to vector<16xf32>
      %parallel_loop3A_267 = arith.mulf %parallel_loop3A_266, %parallel_loop3A_266 : vector<16xf32>
      %parallel_loop3A_268 = arith.addf %parallel_loop3A_256, %parallel_loop3A_267 : vector<16xf32>
      %parallel_loop3A_269 = arith.index_cast %parallel_loop3A_234 : i32 to index
      %parallel_loop3A_270 = arith.constant 80 : index
      %parallel_loop3A_271 = tpu.vector_load %arg6[%parallel_loop3A_269, %parallel_loop3A_270] {strides = array<i32>} : memref<256x256xf32, #tpu.memory_space<vmem>>, vector<1x16xf32>,
      %parallel_loop3A_272 = vector.shape_cast %parallel_loop3A_271 : vector<1x16xf32> to vector<16xf32>
      %parallel_loop3A_273 = arith.mulf %parallel_loop3A_272, %parallel_loop3A_272 : vector<16xf32>
      %parallel_loop3A_274 = arith.addf %parallel_loop3A_262, %parallel_loop3A_273 : vector<16xf32>
      %parallel_loop3A_275 = arith.index_cast %parallel_loop3A_234 : i32 to index
      %parallel_loop3A_276 = arith.constant 96 : index
      %parallel_loop3A_277 = tpu.vector_load %arg6[%parallel_loop3A_275, %parallel_loop3A_276] {strides = array<i32>} : memref<256x256xf32, #tpu.memory_space<vmem>>, vector<1x16xf32>,
      %parallel_loop3A_278 = vector.shape_cast %parallel_loop3A_277 : vector<1x16xf32> to vector<16xf32>
      %parallel_loop3A_279 = arith.mulf %parallel_loop3A_278, %parallel_loop3A_278 : vector<16xf32>
      %parallel_loop3A_280 = arith.addf %parallel_loop3A_268, %parallel_loop3A_279 : vector<16xf32>
      %parallel_loop3A_281 = arith.index_cast %parallel_loop3A_234 : i32 to index
      %parallel_loop3A_282 = arith.constant 112 : index
      %parallel_loop3A_283 = tpu.vector_load %arg6[%parallel_loop3A_281, %parallel_loop3A_282] {strides = array<i32>} : memref<256x256xf32, #tpu.memory_space<vmem>>, vector<1x16xf32>,
      %parallel_loop3A_284 = vector.shape_cast %parallel_loop3A_283 : vector<1x16xf32> to vector<16xf32>
      %parallel_loop3A_285 = arith.mulf %parallel_loop3A_284, %parallel_loop3A_284 : vector<16xf32>
      %parallel_loop3A_286 = arith.addf %parallel_loop3A_274, %parallel_loop3A_285 : vector<16xf32>
      %parallel_loop3A_287 = arith.index_cast %parallel_loop3A_234 : i32 to index
      %parallel_loop3A_288 = arith.constant 128 : index
      %parallel_loop3A_289 = tpu.vector_load %arg6[%parallel_loop3A_287, %parallel_loop3A_288] {strides = array<i32>} : memref<256x256xf32, #tpu.memory_space<vmem>>, vector<1x16xf32>,
      %parallel_loop3A_290 = vector.shape_cast %parallel_loop3A_289 : vector<1x16xf32> to vector<16xf32>
      %parallel_loop3A_291 = arith.mulf %parallel_loop3A_290, %parallel_loop3A_290 : vector<16xf32>
      %parallel_loop3A_292 = arith.addf %parallel_loop3A_280, %parallel_loop3A_291 : vector<16xf32>
      %parallel_loop3A_293 = arith.index_cast %parallel_loop3A_234 : i32 to index
      %parallel_loop3A_294 = arith.constant 144 : index
      %parallel_loop3A_295 = tpu.vector_load %arg6[%parallel_loop3A_293, %parallel_loop3A_294] {strides = array<i32>} : memref<256x256xf32, #tpu.memory_space<vmem>>, vector<1x16xf32>,
      %parallel_loop3A_296 = vector.shape_cast %parallel_loop3A_295 : vector<1x16xf32> to vector<16xf32>
      %parallel_loop3A_297 = arith.mulf %parallel_loop3A_296, %parallel_loop3A_296 : vector<16xf32>
      %parallel_loop3A_298 = arith.addf %parallel_loop3A_286, %parallel_loop3A_297 : vector<16xf32>
      %parallel_loop3A_299 = arith.index_cast %parallel_loop3A_234 : i32 to index
      %parallel_loop3A_300 = arith.constant 160 : index
      %parallel_loop3A_301 = tpu.vector_load %arg6[%parallel_loop3A_299, %parallel_loop3A_300] {strides = array<i32>} : memref<256x256xf32, #tpu.memory_space<vmem>>, vector<1x16xf32>,
      %parallel_loop3A_302 = vector.shape_cast %parallel_loop3A_301 : vector<1x16xf32> to vector<16xf32>
      %parallel_loop3A_303 = arith.mulf %parallel_loop3A_302, %parallel_loop3A_302 : vector<16xf32>
      %parallel_loop3A_304 = arith.addf %parallel_loop3A_292, %parallel_loop3A_303 : vector<16xf32>
      %parallel_loop3A_305 = arith.index_cast %parallel_loop3A_234 : i32 to index
      %parallel_loop3A_306 = arith.constant 176 : index
      %parallel_loop3A_307 = tpu.vector_load %arg6[%parallel_loop3A_305, %parallel_loop3A_306] {strides = array<i32>} : memref<256x256xf32, #tpu.memory_space<vmem>>, vector<1x16xf32>,
      %parallel_loop3A_308 = vector.shape_cast %parallel_loop3A_307 : vector<1x16xf32> to vector<16xf32>
      %parallel_loop3A_309 = arith.mulf %parallel_loop3A_308, %parallel_loop3A_308 : vector<16xf32>
      %parallel_loop3A_310 = arith.addf %parallel_loop3A_298, %parallel_loop3A_309 : vector<16xf32>
      %parallel_loop3A_311 = arith.index_cast %parallel_loop3A_234 : i32 to index
      %parallel_loop3A_312 = arith.constant 192 : index
      %parallel_loop3A_313 = tpu.vector_load %arg6[%parallel_loop3A_311, %parallel_loop3A_312] {strides = array<i32>} : memref<256x256xf32, #tpu.memory_space<vmem>>, vector<1x16xf32>,
      %parallel_loop3A_314 = vector.shape_cast %parallel_loop3A_313 : vector<1x16xf32> to vector<16xf32>
      %parallel_loop3A_315 = arith.mulf %parallel_loop3A_314, %parallel_loop3A_314 : vector<16xf32>
      %parallel_loop3A_316 = arith.addf %parallel_loop3A_304, %parallel_loop3A_315 : vector<16xf32>
      %parallel_loop3A_317 = arith.index_cast %parallel_loop3A_234 : i32 to index
      %parallel_loop3A_318 = arith.constant 208 : index
      %parallel_loop3A_319 = tpu.vector_load %arg6[%parallel_loop3A_317, %parallel_loop3A_318] {strides = array<i32>} : memref<256x256xf32, #tpu.memory_space<vmem>>, vector<1x16xf32>,
      %parallel_loop3A_320 = vector.shape_cast %parallel_loop3A_319 : vector<1x16xf32> to vector<16xf32>
      %parallel_loop3A_321 = arith.mulf %parallel_loop3A_320, %parallel_loop3A_320 : vector<16xf32>
      %parallel_loop3A_322 = arith.addf %parallel_loop3A_310, %parallel_loop3A_321 : vector<16xf32>
      %parallel_loop3A_323 = arith.index_cast %parallel_loop3A_234 : i32 to index
      %parallel_loop3A_324 = arith.constant 224 : index
      %parallel_loop3A_325 = tpu.vector_load %arg6[%parallel_loop3A_323, %parallel_loop3A_324] {strides = array<i32>} : memref<256x256xf32, #tpu.memory_space<vmem>>, vector<1x16xf32>,
      %parallel_loop3A_326 = vector.shape_cast %parallel_loop3A_325 : vector<1x16xf32> to vector<16xf32>
      %parallel_loop3A_327 = arith.mulf %parallel_loop3A_326, %parallel_loop3A_326 : vector<16xf32>
      %parallel_loop3A_328 = arith.addf %parallel_loop3A_316, %parallel_loop3A_327 : vector<16xf32>
      %parallel_loop3A_329 = arith.index_cast %parallel_loop3A_234 : i32 to index
      %parallel_loop3A_330 = arith.constant 240 : index
      %parallel_loop3A_331 = tpu.vector_load %arg6[%parallel_loop3A_329, %parallel_loop3A_330] {strides = array<i32>} : memref<256x256xf32, #tpu.memory_space<vmem>>, vector<1x16xf32>,
      %parallel_loop3A_332 = vector.shape_cast %parallel_loop3A_331 : vector<1x16xf32> to vector<16xf32>
      %parallel_loop3A_333 = arith.mulf %parallel_loop3A_332, %parallel_loop3A_332 : vector<16xf32>
      %parallel_loop3A_334 = arith.addf %parallel_loop3A_322, %parallel_loop3A_333 : vector<16xf32>
      %parallel_loop3A_335 = arith.addf %parallel_loop3A_328, %parallel_loop3A_334 : vector<16xf32>
      %parallel_loop3A_336 = tpu.iota {dimensions = array<i32: 0>} : vector<16xi32>
      %parallel_loop3A_337 = arith.constant 8 : i32
      %parallel_loop3A_338 = vector.broadcast %parallel_loop3A_337 : i32 to vector<16xi32>
      %parallel_loop3A_339 = arith.xori %parallel_loop3A_336, %parallel_loop3A_338 : vector<16xi32>
      %parallel_loop3A_340 = vector.shape_cast %parallel_loop3A_339 : vector<16xi32> to vector<16x1xi32>
      %parallel_loop3A_341 = vector.shape_cast %parallel_loop3A_340 : vector<16x1xi32> to vector<16xi32>
      %parallel_loop3A_342 = tpu.dynamic_gather %parallel_loop3A_335[%parallel_loop3A_341] in [0] : vector<16xf32>, vector<16xi32> -> vector<16xf32>
      %parallel_loop3A_343 = arith.addf %parallel_loop3A_335, %parallel_loop3A_342 : vector<16xf32>
      %parallel_loop3A_344 = arith.constant 4 : i32
      %parallel_loop3A_345 = vector.broadcast %parallel_loop3A_344 : i32 to vector<16xi32>
      %parallel_loop3A_346 = arith.xori %parallel_loop3A_336, %parallel_loop3A_345 : vector<16xi32>
      %parallel_loop3A_347 = vector.shape_cast %parallel_loop3A_346 : vector<16xi32> to vector<16x1xi32>
      %parallel_loop3A_348 = vector.shape_cast %parallel_loop3A_347 : vector<16x1xi32> to vector<16xi32>
      %parallel_loop3A_349 = tpu.dynamic_gather %parallel_loop3A_343[%parallel_loop3A_348] in [0] : vector<16xf32>, vector<16xi32> -> vector<16xf32>
      %parallel_loop3A_350 = arith.addf %parallel_loop3A_343, %parallel_loop3A_349 : vector<16xf32>
      %parallel_loop3A_351 = arith.constant 2 : i32
      %parallel_loop3A_352 = vector.broadcast %parallel_loop3A_351 : i32 to vector<16xi32>
      %parallel_loop3A_353 = arith.xori %parallel_loop3A_336, %parallel_loop3A_352 : vector<16xi32>
      %parallel_loop3A_354 = vector.shape_cast %parallel_loop3A_353 : vector<16xi32> to vector<16x1xi32>
      %parallel_loop3A_355 = vector.shape_cast %parallel_loop3A_354 : vector<16x1xi32> to vector<16xi32>
      %parallel_loop3A_356 = tpu.dynamic_gather %parallel_loop3A_350[%parallel_loop3A_355] in [0] : vector<16xf32>, vector<16xi32> -> vector<16xf32>
      %parallel_loop3A_357 = arith.addf %parallel_loop3A_350, %parallel_loop3A_356 : vector<16xf32>
      %parallel_loop3A_358 = arith.constant 1 : i32
      %parallel_loop3A_359 = vector.broadcast %parallel_loop3A_358 : i32 to vector<16xi32>
      %parallel_loop3A_360 = arith.xori %parallel_loop3A_336, %parallel_loop3A_359 : vector<16xi32>
      %parallel_loop3A_361 = vector.shape_cast %parallel_loop3A_360 : vector<16xi32> to vector<16x1xi32>
      %parallel_loop3A_362 = vector.shape_cast %parallel_loop3A_361 : vector<16x1xi32> to vector<16xi32>
      %parallel_loop3A_363 = tpu.dynamic_gather %parallel_loop3A_357[%parallel_loop3A_362] in [0] : vector<16xf32>, vector<16xi32> -> vector<16xf32>
      %parallel_loop3A_364 = arith.addf %parallel_loop3A_357, %parallel_loop3A_363 : vector<16xf32>
      %parallel_loop3A_365 = arith.constant 1.000000e-24 : f32
      %parallel_loop3A_366 = vector.broadcast %parallel_loop3A_365 : f32 to vector<16xf32>
      %parallel_loop3A_367 = arith.maximumf %parallel_loop3A_364, %parallel_loop3A_366 : vector<16xf32>
      %parallel_loop3A_368 = tpu.bitcast %parallel_loop3A_367 : vector<16xf32> -> vector<16xi32>
      %parallel_loop3A_369 = arith.constant 1 : i32
      %parallel_loop3A_370 = vector.broadcast %parallel_loop3A_369 : i32 to vector<16xi32>
      %parallel_loop3A_371 = arith.shrsi %parallel_loop3A_368, %parallel_loop3A_370 : vector<16xi32>
      %parallel_loop3A_372 = arith.constant 1597463007 : i32
      %parallel_loop3A_373 = vector.broadcast %parallel_loop3A_372 : i32 to vector<16xi32>
      %parallel_loop3A_374 = arith.subi %parallel_loop3A_373, %parallel_loop3A_371 : vector<16xi32>
      %parallel_loop3A_375 = tpu.bitcast %parallel_loop3A_374 : vector<16xi32> -> vector<16xf32>
      %parallel_loop3A_376 = arith.constant 5.000000e-01 : f32
      %parallel_loop3A_377 = vector.broadcast %parallel_loop3A_376 : f32 to vector<16xf32>
      %parallel_loop3A_378 = arith.mulf %parallel_loop3A_377, %parallel_loop3A_367 : vector<16xf32>
      %parallel_loop3A_379 = arith.mulf %parallel_loop3A_378, %parallel_loop3A_375 : vector<16xf32>
      %parallel_loop3A_380 = arith.mulf %parallel_loop3A_379, %parallel_loop3A_375 : vector<16xf32>
      %parallel_loop3A_381 = arith.constant 1.500000e+00 : f32
      %parallel_loop3A_382 = vector.broadcast %parallel_loop3A_381 : f32 to vector<16xf32>
      %parallel_loop3A_383 = arith.subf %parallel_loop3A_382, %parallel_loop3A_380 : vector<16xf32>
      %parallel_loop3A_384 = arith.mulf %parallel_loop3A_375, %parallel_loop3A_383 : vector<16xf32>
      %parallel_loop3A_385 = arith.mulf %parallel_loop3A_242, %parallel_loop3A_384 : vector<16xf32>
      %parallel_loop3A_386 = arith.index_cast %parallel_loop3A_234 : i32 to index
      %parallel_loop3A_387 = arith.constant 0 : index
      %parallel_loop3A_388 = tpu.vector_load %arg6[%parallel_loop3A_386, %parallel_loop3A_387] {strides = array<i32>} : memref<256x256xf32, #tpu.memory_space<vmem>>, vector<1x16xf32>,
      %parallel_loop3A_389 = vector.shape_cast %parallel_loop3A_388 : vector<1x16xf32> to vector<16xf32>
      %parallel_loop3A_390 = vector.shape_cast %parallel_loop3A_385 : vector<16xf32> to vector<1x16xf32>
      tpu.vector_store %arg6[%parallel_loop3A_386, %parallel_loop3A_387], %parallel_loop3A_390 {strides = array<i32>} : memref<256x256xf32, #tpu.memory_space<vmem>>, vector<1x16xf32>,
      %parallel_loop3A_391 = arith.mulf %parallel_loop3A_248, %parallel_loop3A_384 : vector<16xf32>
      %parallel_loop3A_392 = arith.index_cast %parallel_loop3A_234 : i32 to index
      %parallel_loop3A_393 = arith.constant 16 : index
      %parallel_loop3A_394 = tpu.vector_load %arg6[%parallel_loop3A_392, %parallel_loop3A_393] {strides = array<i32>} : memref<256x256xf32, #tpu.memory_space<vmem>>, vector<1x16xf32>,
      %parallel_loop3A_395 = vector.shape_cast %parallel_loop3A_394 : vector<1x16xf32> to vector<16xf32>
      %parallel_loop3A_396 = vector.shape_cast %parallel_loop3A_391 : vector<16xf32> to vector<1x16xf32>
      tpu.vector_store %arg6[%parallel_loop3A_392, %parallel_loop3A_393], %parallel_loop3A_396 {strides = array<i32>} : memref<256x256xf32, #tpu.memory_space<vmem>>, vector<1x16xf32>,
      %parallel_loop3A_397 = arith.mulf %parallel_loop3A_254, %parallel_loop3A_384 : vector<16xf32>
      %parallel_loop3A_398 = arith.index_cast %parallel_loop3A_234 : i32 to index
      %parallel_loop3A_399 = arith.constant 32 : index
      %parallel_loop3A_400 = tpu.vector_load %arg6[%parallel_loop3A_398, %parallel_loop3A_399] {strides = array<i32>} : memref<256x256xf32, #tpu.memory_space<vmem>>, vector<1x16xf32>,
      %parallel_loop3A_401 = vector.shape_cast %parallel_loop3A_400 : vector<1x16xf32> to vector<16xf32>
      %parallel_loop3A_402 = vector.shape_cast %parallel_loop3A_397 : vector<16xf32> to vector<1x16xf32>
      tpu.vector_store %arg6[%parallel_loop3A_398, %parallel_loop3A_399], %parallel_loop3A_402 {strides = array<i32>} : memref<256x256xf32, #tpu.memory_space<vmem>>, vector<1x16xf32>,
      %parallel_loop3A_403 = arith.mulf %parallel_loop3A_260, %parallel_loop3A_384 : vector<16xf32>
      %parallel_loop3A_404 = arith.index_cast %parallel_loop3A_234 : i32 to index
      %parallel_loop3A_405 = arith.constant 48 : index
      %parallel_loop3A_406 = tpu.vector_load %arg6[%parallel_loop3A_404, %parallel_loop3A_405] {strides = array<i32>} : memref<256x256xf32, #tpu.memory_space<vmem>>, vector<1x16xf32>,
      %parallel_loop3A_407 = vector.shape_cast %parallel_loop3A_406 : vector<1x16xf32> to vector<16xf32>
      %parallel_loop3A_408 = vector.shape_cast %parallel_loop3A_403 : vector<16xf32> to vector<1x16xf32>
      tpu.vector_store %arg6[%parallel_loop3A_404, %parallel_loop3A_405], %parallel_loop3A_408 {strides = array<i32>} : memref<256x256xf32, #tpu.memory_space<vmem>>, vector<1x16xf32>,
      %parallel_loop3A_409 = arith.mulf %parallel_loop3A_266, %parallel_loop3A_384 : vector<16xf32>
      %parallel_loop3A_410 = arith.index_cast %parallel_loop3A_234 : i32 to index
      %parallel_loop3A_411 = arith.constant 64 : index
      %parallel_loop3A_412 = tpu.vector_load %arg6[%parallel_loop3A_410, %parallel_loop3A_411] {strides = array<i32>} : memref<256x256xf32, #tpu.memory_space<vmem>>, vector<1x16xf32>,
      %parallel_loop3A_413 = vector.shape_cast %parallel_loop3A_412 : vector<1x16xf32> to vector<16xf32>
      %parallel_loop3A_414 = vector.shape_cast %parallel_loop3A_409 : vector<16xf32> to vector<1x16xf32>
      tpu.vector_store %arg6[%parallel_loop3A_410, %parallel_loop3A_411], %parallel_loop3A_414 {strides = array<i32>} : memref<256x256xf32, #tpu.memory_space<vmem>>, vector<1x16xf32>,
      %parallel_loop3A_415 = arith.mulf %parallel_loop3A_272, %parallel_loop3A_384 : vector<16xf32>
      %parallel_loop3A_416 = arith.index_cast %parallel_loop3A_234 : i32 to index
      %parallel_loop3A_417 = arith.constant 80 : index
      %parallel_loop3A_418 = tpu.vector_load %arg6[%parallel_loop3A_416, %parallel_loop3A_417] {strides = array<i32>} : memref<256x256xf32, #tpu.memory_space<vmem>>, vector<1x16xf32>,
      %parallel_loop3A_419 = vector.shape_cast %parallel_loop3A_418 : vector<1x16xf32> to vector<16xf32>
      %parallel_loop3A_420 = vector.shape_cast %parallel_loop3A_415 : vector<16xf32> to vector<1x16xf32>
      tpu.vector_store %arg6[%parallel_loop3A_416, %parallel_loop3A_417], %parallel_loop3A_420 {strides = array<i32>} : memref<256x256xf32, #tpu.memory_space<vmem>>, vector<1x16xf32>,
      %parallel_loop3A_421 = arith.mulf %parallel_loop3A_278, %parallel_loop3A_384 : vector<16xf32>
      %parallel_loop3A_422 = arith.index_cast %parallel_loop3A_234 : i32 to index
      %parallel_loop3A_423 = arith.constant 96 : index
      %parallel_loop3A_424 = tpu.vector_load %arg6[%parallel_loop3A_422, %parallel_loop3A_423] {strides = array<i32>} : memref<256x256xf32, #tpu.memory_space<vmem>>, vector<1x16xf32>,
      %parallel_loop3A_425 = vector.shape_cast %parallel_loop3A_424 : vector<1x16xf32> to vector<16xf32>
      %parallel_loop3A_426 = vector.shape_cast %parallel_loop3A_421 : vector<16xf32> to vector<1x16xf32>
      tpu.vector_store %arg6[%parallel_loop3A_422, %parallel_loop3A_423], %parallel_loop3A_426 {strides = array<i32>} : memref<256x256xf32, #tpu.memory_space<vmem>>, vector<1x16xf32>,
      %parallel_loop3A_427 = arith.mulf %parallel_loop3A_284, %parallel_loop3A_384 : vector<16xf32>
      %parallel_loop3A_428 = arith.index_cast %parallel_loop3A_234 : i32 to index
      %parallel_loop3A_429 = arith.constant 112 : index
      %parallel_loop3A_430 = tpu.vector_load %arg6[%parallel_loop3A_428, %parallel_loop3A_429] {strides = array<i32>} : memref<256x256xf32, #tpu.memory_space<vmem>>, vector<1x16xf32>,
      %parallel_loop3A_431 = vector.shape_cast %parallel_loop3A_430 : vector<1x16xf32> to vector<16xf32>
      %parallel_loop3A_432 = vector.shape_cast %parallel_loop3A_427 : vector<16xf32> to vector<1x16xf32>
      tpu.vector_store %arg6[%parallel_loop3A_428, %parallel_loop3A_429], %parallel_loop3A_432 {strides = array<i32>} : memref<256x256xf32, #tpu.memory_space<vmem>>, vector<1x16xf32>,
      %parallel_loop3A_433 = arith.mulf %parallel_loop3A_290, %parallel_loop3A_384 : vector<16xf32>
      %parallel_loop3A_434 = arith.index_cast %parallel_loop3A_234 : i32 to index
      %parallel_loop3A_435 = arith.constant 128 : index
      %parallel_loop3A_436 = tpu.vector_load %arg6[%parallel_loop3A_434, %parallel_loop3A_435] {strides = array<i32>} : memref<256x256xf32, #tpu.memory_space<vmem>>, vector<1x16xf32>,
      %parallel_loop3A_437 = vector.shape_cast %parallel_loop3A_436 : vector<1x16xf32> to vector<16xf32>
      %parallel_loop3A_438 = vector.shape_cast %parallel_loop3A_433 : vector<16xf32> to vector<1x16xf32>
      tpu.vector_store %arg6[%parallel_loop3A_434, %parallel_loop3A_435], %parallel_loop3A_438 {strides = array<i32>} : memref<256x256xf32, #tpu.memory_space<vmem>>, vector<1x16xf32>,
      %parallel_loop3A_439 = arith.mulf %parallel_loop3A_296, %parallel_loop3A_384 : vector<16xf32>
      %parallel_loop3A_440 = arith.index_cast %parallel_loop3A_234 : i32 to index
      %parallel_loop3A_441 = arith.constant 144 : index
      %parallel_loop3A_442 = tpu.vector_load %arg6[%parallel_loop3A_440, %parallel_loop3A_441] {strides = array<i32>} : memref<256x256xf32, #tpu.memory_space<vmem>>, vector<1x16xf32>,
      %parallel_loop3A_443 = vector.shape_cast %parallel_loop3A_442 : vector<1x16xf32> to vector<16xf32>
      %parallel_loop3A_444 = vector.shape_cast %parallel_loop3A_439 : vector<16xf32> to vector<1x16xf32>
      tpu.vector_store %arg6[%parallel_loop3A_440, %parallel_loop3A_441], %parallel_loop3A_444 {strides = array<i32>} : memref<256x256xf32, #tpu.memory_space<vmem>>, vector<1x16xf32>,
      %parallel_loop3A_445 = arith.mulf %parallel_loop3A_302, %parallel_loop3A_384 : vector<16xf32>
      %parallel_loop3A_446 = arith.index_cast %parallel_loop3A_234 : i32 to index
      %parallel_loop3A_447 = arith.constant 160 : index
      %parallel_loop3A_448 = tpu.vector_load %arg6[%parallel_loop3A_446, %parallel_loop3A_447] {strides = array<i32>} : memref<256x256xf32, #tpu.memory_space<vmem>>, vector<1x16xf32>,
      %parallel_loop3A_449 = vector.shape_cast %parallel_loop3A_448 : vector<1x16xf32> to vector<16xf32>
      %parallel_loop3A_450 = vector.shape_cast %parallel_loop3A_445 : vector<16xf32> to vector<1x16xf32>
      tpu.vector_store %arg6[%parallel_loop3A_446, %parallel_loop3A_447], %parallel_loop3A_450 {strides = array<i32>} : memref<256x256xf32, #tpu.memory_space<vmem>>, vector<1x16xf32>,
      %parallel_loop3A_451 = arith.mulf %parallel_loop3A_308, %parallel_loop3A_384 : vector<16xf32>
      %parallel_loop3A_452 = arith.index_cast %parallel_loop3A_234 : i32 to index
      %parallel_loop3A_453 = arith.constant 176 : index
      %parallel_loop3A_454 = tpu.vector_load %arg6[%parallel_loop3A_452, %parallel_loop3A_453] {strides = array<i32>} : memref<256x256xf32, #tpu.memory_space<vmem>>, vector<1x16xf32>,
      %parallel_loop3A_455 = vector.shape_cast %parallel_loop3A_454 : vector<1x16xf32> to vector<16xf32>
      %parallel_loop3A_456 = vector.shape_cast %parallel_loop3A_451 : vector<16xf32> to vector<1x16xf32>
      tpu.vector_store %arg6[%parallel_loop3A_452, %parallel_loop3A_453], %parallel_loop3A_456 {strides = array<i32>} : memref<256x256xf32, #tpu.memory_space<vmem>>, vector<1x16xf32>,
      %parallel_loop3A_457 = arith.mulf %parallel_loop3A_314, %parallel_loop3A_384 : vector<16xf32>
      %parallel_loop3A_458 = arith.index_cast %parallel_loop3A_234 : i32 to index
      %parallel_loop3A_459 = arith.constant 192 : index
      %parallel_loop3A_460 = tpu.vector_load %arg6[%parallel_loop3A_458, %parallel_loop3A_459] {strides = array<i32>} : memref<256x256xf32, #tpu.memory_space<vmem>>, vector<1x16xf32>,
      %parallel_loop3A_461 = vector.shape_cast %parallel_loop3A_460 : vector<1x16xf32> to vector<16xf32>
      %parallel_loop3A_462 = vector.shape_cast %parallel_loop3A_457 : vector<16xf32> to vector<1x16xf32>
      tpu.vector_store %arg6[%parallel_loop3A_458, %parallel_loop3A_459], %parallel_loop3A_462 {strides = array<i32>} : memref<256x256xf32, #tpu.memory_space<vmem>>, vector<1x16xf32>,
      %parallel_loop3A_463 = arith.mulf %parallel_loop3A_320, %parallel_loop3A_384 : vector<16xf32>
      %parallel_loop3A_464 = arith.index_cast %parallel_loop3A_234 : i32 to index
      %parallel_loop3A_465 = arith.constant 208 : index
      %parallel_loop3A_466 = tpu.vector_load %arg6[%parallel_loop3A_464, %parallel_loop3A_465] {strides = array<i32>} : memref<256x256xf32, #tpu.memory_space<vmem>>, vector<1x16xf32>,
      %parallel_loop3A_467 = vector.shape_cast %parallel_loop3A_466 : vector<1x16xf32> to vector<16xf32>
      %parallel_loop3A_468 = vector.shape_cast %parallel_loop3A_463 : vector<16xf32> to vector<1x16xf32>
      tpu.vector_store %arg6[%parallel_loop3A_464, %parallel_loop3A_465], %parallel_loop3A_468 {strides = array<i32>} : memref<256x256xf32, #tpu.memory_space<vmem>>, vector<1x16xf32>,
      %parallel_loop3A_469 = arith.mulf %parallel_loop3A_326, %parallel_loop3A_384 : vector<16xf32>
      %parallel_loop3A_470 = arith.index_cast %parallel_loop3A_234 : i32 to index
      %parallel_loop3A_471 = arith.constant 224 : index
      %parallel_loop3A_472 = tpu.vector_load %arg6[%parallel_loop3A_470, %parallel_loop3A_471] {strides = array<i32>} : memref<256x256xf32, #tpu.memory_space<vmem>>, vector<1x16xf32>,
      %parallel_loop3A_473 = vector.shape_cast %parallel_loop3A_472 : vector<1x16xf32> to vector<16xf32>
      %parallel_loop3A_474 = vector.shape_cast %parallel_loop3A_469 : vector<16xf32> to vector<1x16xf32>
      tpu.vector_store %arg6[%parallel_loop3A_470, %parallel_loop3A_471], %parallel_loop3A_474 {strides = array<i32>} : memref<256x256xf32, #tpu.memory_space<vmem>>, vector<1x16xf32>,
      %parallel_loop3A_475 = arith.mulf %parallel_loop3A_332, %parallel_loop3A_384 : vector<16xf32>
      %parallel_loop3A_476 = arith.index_cast %parallel_loop3A_234 : i32 to index
      %parallel_loop3A_477 = arith.constant 240 : index
      %parallel_loop3A_478 = tpu.vector_load %arg6[%parallel_loop3A_476, %parallel_loop3A_477] {strides = array<i32>} : memref<256x256xf32, #tpu.memory_space<vmem>>, vector<1x16xf32>,
      %parallel_loop3A_479 = vector.shape_cast %parallel_loop3A_478 : vector<1x16xf32> to vector<16xf32>
      %parallel_loop3A_480 = vector.shape_cast %parallel_loop3A_475 : vector<16xf32> to vector<1x16xf32>
      tpu.vector_store %arg6[%parallel_loop3A_476, %parallel_loop3A_477], %parallel_loop3A_480 {strides = array<i32>} : memref<256x256xf32, #tpu.memory_space<vmem>>, vector<1x16xf32>,
    } {sc.loop_unroll_factor = 2 : i64, sc.parallel_access}
    %add3A_88 = arith.constant 0 : i32
    %add3A_89 = arith.addi %mul3A_32, %add3A_88 : i32
    %dma_start3A_90 = arith.constant 0 : i32
    %dma_start3A_91 = arith.constant 0 : i32
    %dma_start3A_92 = tpu.memref_slice %arg6[%dma_start3A_90, %dma_start3A_91] : memref<256x256xf32, #tpu.memory_space<vmem>> -> memref<64x256xf32, #tpu.memory_space<vmem>>
    %dma_start3A_93 = arith.constant 0 : i32
    %dma_start3A_94 = tpu.memref_slice %arg4[%select_n3A, %add3A_89, %dma_start3A_93] : memref<8x1024x256xf32, #tpu.memory_space<hbm>> -> memref<1x64x256xf32, #tpu.memory_space<hbm>>
    %dma_start3A_95 = tpu.memref_squeeze %dma_start3A_94 : memref<1x64x256xf32, #tpu.memory_space<hbm>> -> memref<64x256xf32, #tpu.memory_space<hbm>>
    %dma_start3A_96 = arith.constant 0 : i32
    %dma_start3A_97 = tpu.memref_slice %arg4[%select_n3A, %add3A_89, %dma_start3A_96] : memref<8x1024x256xf32, #tpu.memory_space<hbm>> -> memref<1x64x256xf32, #tpu.memory_space<hbm>>
    %dma_start3A_98 = tpu.memref_squeeze %dma_start3A_97 : memref<1x64x256xf32, #tpu.memory_space<hbm>> -> memref<64x256xf32, #tpu.memory_space<hbm>>
    %dma_start3A_99 = arith.constant 0 : i32
    %dma_start3A_100 = arith.constant 0 : i32
    %dma_start3A_101 = tpu.memref_slice %arg6[%dma_start3A_99, %dma_start3A_100] : memref<256x256xf32, #tpu.memory_space<vmem>> -> memref<64x256xf32, #tpu.memory_space<vmem>>
    tpu.enqueue_dma source(%dma_start3A_101 : memref<64x256xf32, #tpu.memory_space<vmem>>) target(%dma_start3A_98 : memref<64x256xf32, #tpu.memory_space<hbm>>) target_semaphore(%arg8 : memref<!tpu.dma_semaphore, #tpu.memory_space<semaphore_mem>>)
    %dma_wait3A_102 = arith.constant 1 : i32
    %dma_wait3A_103 = arith.constant 64 : i32
    %dma_wait3A_104 = arith.constant 0 : i32
    %dma_wait3A_105 = tpu.memref_slice %arg6[%dma_wait3A_103, %dma_wait3A_104] : memref<256x256xf32, #tpu.memory_space<vmem>> -> memref<64x256xf32, #tpu.memory_space<vmem>>
    %dma_wait3A_106 = arith.constant 64 : i32
    %dma_wait3A_107 = tpu.memref_slice %arg5[%dma_wait3A_106] : memref<256xi32, #tpu.memory_space<vmem>> -> memref<64xi32, #tpu.memory_space<vmem>>
    %dma_wait3A_108 = arith.constant 0 : i32
    %dma_wait3A_109 = arith.constant 0 : i32
    %dma_wait3A_110 = tpu.memref_slice %arg3[%dma_wait3A_108, %dma_wait3A_109] : memref<8192x256xf32, #tpu.memory_space<hbm>> -> memref<8192x256xf32, #tpu.memory_space<hbm>>
    %dma_wait3A_111 = tpu.memref_slice %arg7[%dma_wait3A_102] : memref<4x!tpu.dma_semaphore, #tpu.memory_space<semaphore_mem>> -> memref<1x!tpu.dma_semaphore, #tpu.memory_space<semaphore_mem>>
    %dma_wait3A_112 = tpu.memref_squeeze %dma_wait3A_111 : memref<1x!tpu.dma_semaphore, #tpu.memory_space<semaphore_mem>> -> memref<!tpu.dma_semaphore, #tpu.memory_space<semaphore_mem>>
    tpu.wait_indirect_dma semaphore(%dma_wait3A_112 : memref<!tpu.dma_semaphore, #tpu.memory_space<semaphore_mem>>) src(%dma_wait3A_110 : memref<8192x256xf32, #tpu.memory_space<hbm>>) dst(%dma_wait3A_105 : memref<64x256xf32, #tpu.memory_space<vmem>>)
    %parallel_loop3A_113 = arith.constant 64 : i32
    %parallel_loop3A_114 = arith.constant 128 : i32
    %parallel_loop3A_115 = arith.constant 1 : i32
    scf.for %parallel_loop3A_234 = %parallel_loop3A_113 to %parallel_loop3A_114 step %parallel_loop3A_115  : i32 {
      %parallel_loop3A_235 = arith.constant 0.000000e+00 : f32
      %parallel_loop3A_236 = vector.broadcast %parallel_loop3A_235 : f32 to vector<16xf32>
      %parallel_loop3A_237 = arith.constant 0.000000e+00 : f32
      %parallel_loop3A_238 = vector.broadcast %parallel_loop3A_237 : f32 to vector<16xf32>
      %parallel_loop3A_239 = arith.index_cast %parallel_loop3A_234 : i32 to index
      %parallel_loop3A_240 = arith.constant 0 : index
      %parallel_loop3A_241 = tpu.vector_load %arg6[%parallel_loop3A_239, %parallel_loop3A_240] {strides = array<i32>} : memref<256x256xf32, #tpu.memory_space<vmem>>, vector<1x16xf32>,
      %parallel_loop3A_242 = vector.shape_cast %parallel_loop3A_241 : vector<1x16xf32> to vector<16xf32>
      %parallel_loop3A_243 = arith.mulf %parallel_loop3A_242, %parallel_loop3A_242 : vector<16xf32>
      %parallel_loop3A_244 = arith.addf %parallel_loop3A_236, %parallel_loop3A_243 : vector<16xf32>
      %parallel_loop3A_245 = arith.index_cast %parallel_loop3A_234 : i32 to index
      %parallel_loop3A_246 = arith.constant 16 : index
      %parallel_loop3A_247 = tpu.vector_load %arg6[%parallel_loop3A_245, %parallel_loop3A_246] {strides = array<i32>} : memref<256x256xf32, #tpu.memory_space<vmem>>, vector<1x16xf32>,
      %parallel_loop3A_248 = vector.shape_cast %parallel_loop3A_247 : vector<1x16xf32> to vector<16xf32>
      %parallel_loop3A_249 = arith.mulf %parallel_loop3A_248, %parallel_loop3A_248 : vector<16xf32>
      %parallel_loop3A_250 = arith.addf %parallel_loop3A_238, %parallel_loop3A_249 : vector<16xf32>
      %parallel_loop3A_251 = arith.index_cast %parallel_loop3A_234 : i32 to index
      %parallel_loop3A_252 = arith.constant 32 : index
      %parallel_loop3A_253 = tpu.vector_load %arg6[%parallel_loop3A_251, %parallel_loop3A_252] {strides = array<i32>} : memref<256x256xf32, #tpu.memory_space<vmem>>, vector<1x16xf32>,
      %parallel_loop3A_254 = vector.shape_cast %parallel_loop3A_253 : vector<1x16xf32> to vector<16xf32>
      %parallel_loop3A_255 = arith.mulf %parallel_loop3A_254, %parallel_loop3A_254 : vector<16xf32>
      %parallel_loop3A_256 = arith.addf %parallel_loop3A_244, %parallel_loop3A_255 : vector<16xf32>
      %parallel_loop3A_257 = arith.index_cast %parallel_loop3A_234 : i32 to index
      %parallel_loop3A_258 = arith.constant 48 : index
      %parallel_loop3A_259 = tpu.vector_load %arg6[%parallel_loop3A_257, %parallel_loop3A_258] {strides = array<i32>} : memref<256x256xf32, #tpu.memory_space<vmem>>, vector<1x16xf32>,
      %parallel_loop3A_260 = vector.shape_cast %parallel_loop3A_259 : vector<1x16xf32> to vector<16xf32>
      %parallel_loop3A_261 = arith.mulf %parallel_loop3A_260, %parallel_loop3A_260 : vector<16xf32>
      %parallel_loop3A_262 = arith.addf %parallel_loop3A_250, %parallel_loop3A_261 : vector<16xf32>
      %parallel_loop3A_263 = arith.index_cast %parallel_loop3A_234 : i32 to index
      %parallel_loop3A_264 = arith.constant 64 : index
      %parallel_loop3A_265 = tpu.vector_load %arg6[%parallel_loop3A_263, %parallel_loop3A_264] {strides = array<i32>} : memref<256x256xf32, #tpu.memory_space<vmem>>, vector<1x16xf32>,
      %parallel_loop3A_266 = vector.shape_cast %parallel_loop3A_265 : vector<1x16xf32> to vector<16xf32>
      %parallel_loop3A_267 = arith.mulf %parallel_loop3A_266, %parallel_loop3A_266 : vector<16xf32>
      %parallel_loop3A_268 = arith.addf %parallel_loop3A_256, %parallel_loop3A_267 : vector<16xf32>
      %parallel_loop3A_269 = arith.index_cast %parallel_loop3A_234 : i32 to index
      %parallel_loop3A_270 = arith.constant 80 : index
      %parallel_loop3A_271 = tpu.vector_load %arg6[%parallel_loop3A_269, %parallel_loop3A_270] {strides = array<i32>} : memref<256x256xf32, #tpu.memory_space<vmem>>, vector<1x16xf32>,
      %parallel_loop3A_272 = vector.shape_cast %parallel_loop3A_271 : vector<1x16xf32> to vector<16xf32>
      %parallel_loop3A_273 = arith.mulf %parallel_loop3A_272, %parallel_loop3A_272 : vector<16xf32>
      %parallel_loop3A_274 = arith.addf %parallel_loop3A_262, %parallel_loop3A_273 : vector<16xf32>
      %parallel_loop3A_275 = arith.index_cast %parallel_loop3A_234 : i32 to index
      %parallel_loop3A_276 = arith.constant 96 : index
      %parallel_loop3A_277 = tpu.vector_load %arg6[%parallel_loop3A_275, %parallel_loop3A_276] {strides = array<i32>} : memref<256x256xf32, #tpu.memory_space<vmem>>, vector<1x16xf32>,
      %parallel_loop3A_278 = vector.shape_cast %parallel_loop3A_277 : vector<1x16xf32> to vector<16xf32>
      %parallel_loop3A_279 = arith.mulf %parallel_loop3A_278, %parallel_loop3A_278 : vector<16xf32>
      %parallel_loop3A_280 = arith.addf %parallel_loop3A_268, %parallel_loop3A_279 : vector<16xf32>
      %parallel_loop3A_281 = arith.index_cast %parallel_loop3A_234 : i32 to index
      %parallel_loop3A_282 = arith.constant 112 : index
      %parallel_loop3A_283 = tpu.vector_load %arg6[%parallel_loop3A_281, %parallel_loop3A_282] {strides = array<i32>} : memref<256x256xf32, #tpu.memory_space<vmem>>, vector<1x16xf32>,
      %parallel_loop3A_284 = vector.shape_cast %parallel_loop3A_283 : vector<1x16xf32> to vector<16xf32>
      %parallel_loop3A_285 = arith.mulf %parallel_loop3A_284, %parallel_loop3A_284 : vector<16xf32>
      %parallel_loop3A_286 = arith.addf %parallel_loop3A_274, %parallel_loop3A_285 : vector<16xf32>
      %parallel_loop3A_287 = arith.index_cast %parallel_loop3A_234 : i32 to index
      %parallel_loop3A_288 = arith.constant 128 : index
      %parallel_loop3A_289 = tpu.vector_load %arg6[%parallel_loop3A_287, %parallel_loop3A_288] {strides = array<i32>} : memref<256x256xf32, #tpu.memory_space<vmem>>, vector<1x16xf32>,
      %parallel_loop3A_290 = vector.shape_cast %parallel_loop3A_289 : vector<1x16xf32> to vector<16xf32>
      %parallel_loop3A_291 = arith.mulf %parallel_loop3A_290, %parallel_loop3A_290 : vector<16xf32>
      %parallel_loop3A_292 = arith.addf %parallel_loop3A_280, %parallel_loop3A_291 : vector<16xf32>
      %parallel_loop3A_293 = arith.index_cast %parallel_loop3A_234 : i32 to index
      %parallel_loop3A_294 = arith.constant 144 : index
      %parallel_loop3A_295 = tpu.vector_load %arg6[%parallel_loop3A_293, %parallel_loop3A_294] {strides = array<i32>} : memref<256x256xf32, #tpu.memory_space<vmem>>, vector<1x16xf32>,
      %parallel_loop3A_296 = vector.shape_cast %parallel_loop3A_295 : vector<1x16xf32> to vector<16xf32>
      %parallel_loop3A_297 = arith.mulf %parallel_loop3A_296, %parallel_loop3A_296 : vector<16xf32>
      %parallel_loop3A_298 = arith.addf %parallel_loop3A_286, %parallel_loop3A_297 : vector<16xf32>
      %parallel_loop3A_299 = arith.index_cast %parallel_loop3A_234 : i32 to index
      %parallel_loop3A_300 = arith.constant 160 : index
      %parallel_loop3A_301 = tpu.vector_load %arg6[%parallel_loop3A_299, %parallel_loop3A_300] {strides = array<i32>} : memref<256x256xf32, #tpu.memory_space<vmem>>, vector<1x16xf32>,
      %parallel_loop3A_302 = vector.shape_cast %parallel_loop3A_301 : vector<1x16xf32> to vector<16xf32>
      %parallel_loop3A_303 = arith.mulf %parallel_loop3A_302, %parallel_loop3A_302 : vector<16xf32>
      %parallel_loop3A_304 = arith.addf %parallel_loop3A_292, %parallel_loop3A_303 : vector<16xf32>
      %parallel_loop3A_305 = arith.index_cast %parallel_loop3A_234 : i32 to index
      %parallel_loop3A_306 = arith.constant 176 : index
      %parallel_loop3A_307 = tpu.vector_load %arg6[%parallel_loop3A_305, %parallel_loop3A_306] {strides = array<i32>} : memref<256x256xf32, #tpu.memory_space<vmem>>, vector<1x16xf32>,
      %parallel_loop3A_308 = vector.shape_cast %parallel_loop3A_307 : vector<1x16xf32> to vector<16xf32>
      %parallel_loop3A_309 = arith.mulf %parallel_loop3A_308, %parallel_loop3A_308 : vector<16xf32>
      %parallel_loop3A_310 = arith.addf %parallel_loop3A_298, %parallel_loop3A_309 : vector<16xf32>
      %parallel_loop3A_311 = arith.index_cast %parallel_loop3A_234 : i32 to index
      %parallel_loop3A_312 = arith.constant 192 : index
      %parallel_loop3A_313 = tpu.vector_load %arg6[%parallel_loop3A_311, %parallel_loop3A_312] {strides = array<i32>} : memref<256x256xf32, #tpu.memory_space<vmem>>, vector<1x16xf32>,
      %parallel_loop3A_314 = vector.shape_cast %parallel_loop3A_313 : vector<1x16xf32> to vector<16xf32>
      %parallel_loop3A_315 = arith.mulf %parallel_loop3A_314, %parallel_loop3A_314 : vector<16xf32>
      %parallel_loop3A_316 = arith.addf %parallel_loop3A_304, %parallel_loop3A_315 : vector<16xf32>
      %parallel_loop3A_317 = arith.index_cast %parallel_loop3A_234 : i32 to index
      %parallel_loop3A_318 = arith.constant 208 : index
      %parallel_loop3A_319 = tpu.vector_load %arg6[%parallel_loop3A_317, %parallel_loop3A_318] {strides = array<i32>} : memref<256x256xf32, #tpu.memory_space<vmem>>, vector<1x16xf32>,
      %parallel_loop3A_320 = vector.shape_cast %parallel_loop3A_319 : vector<1x16xf32> to vector<16xf32>
      %parallel_loop3A_321 = arith.mulf %parallel_loop3A_320, %parallel_loop3A_320 : vector<16xf32>
      %parallel_loop3A_322 = arith.addf %parallel_loop3A_310, %parallel_loop3A_321 : vector<16xf32>
      %parallel_loop3A_323 = arith.index_cast %parallel_loop3A_234 : i32 to index
      %parallel_loop3A_324 = arith.constant 224 : index
      %parallel_loop3A_325 = tpu.vector_load %arg6[%parallel_loop3A_323, %parallel_loop3A_324] {strides = array<i32>} : memref<256x256xf32, #tpu.memory_space<vmem>>, vector<1x16xf32>,
      %parallel_loop3A_326 = vector.shape_cast %parallel_loop3A_325 : vector<1x16xf32> to vector<16xf32>
      %parallel_loop3A_327 = arith.mulf %parallel_loop3A_326, %parallel_loop3A_326 : vector<16xf32>
      %parallel_loop3A_328 = arith.addf %parallel_loop3A_316, %parallel_loop3A_327 : vector<16xf32>
      %parallel_loop3A_329 = arith.index_cast %parallel_loop3A_234 : i32 to index
      %parallel_loop3A_330 = arith.constant 240 : index
      %parallel_loop3A_331 = tpu.vector_load %arg6[%parallel_loop3A_329, %parallel_loop3A_330] {strides = array<i32>} : memref<256x256xf32, #tpu.memory_space<vmem>>, vector<1x16xf32>,
      %parallel_loop3A_332 = vector.shape_cast %parallel_loop3A_331 : vector<1x16xf32> to vector<16xf32>
      %parallel_loop3A_333 = arith.mulf %parallel_loop3A_332, %parallel_loop3A_332 : vector<16xf32>
      %parallel_loop3A_334 = arith.addf %parallel_loop3A_322, %parallel_loop3A_333 : vector<16xf32>
      %parallel_loop3A_335 = arith.addf %parallel_loop3A_328, %parallel_loop3A_334 : vector<16xf32>
      %parallel_loop3A_336 = tpu.iota {dimensions = array<i32: 0>} : vector<16xi32>
      %parallel_loop3A_337 = arith.constant 8 : i32
      %parallel_loop3A_338 = vector.broadcast %parallel_loop3A_337 : i32 to vector<16xi32>
      %parallel_loop3A_339 = arith.xori %parallel_loop3A_336, %parallel_loop3A_338 : vector<16xi32>
      %parallel_loop3A_340 = vector.shape_cast %parallel_loop3A_339 : vector<16xi32> to vector<16x1xi32>
      %parallel_loop3A_341 = vector.shape_cast %parallel_loop3A_340 : vector<16x1xi32> to vector<16xi32>
      %parallel_loop3A_342 = tpu.dynamic_gather %parallel_loop3A_335[%parallel_loop3A_341] in [0] : vector<16xf32>, vector<16xi32> -> vector<16xf32>
      %parallel_loop3A_343 = arith.addf %parallel_loop3A_335, %parallel_loop3A_342 : vector<16xf32>
      %parallel_loop3A_344 = arith.constant 4 : i32
      %parallel_loop3A_345 = vector.broadcast %parallel_loop3A_344 : i32 to vector<16xi32>
      %parallel_loop3A_346 = arith.xori %parallel_loop3A_336, %parallel_loop3A_345 : vector<16xi32>
      %parallel_loop3A_347 = vector.shape_cast %parallel_loop3A_346 : vector<16xi32> to vector<16x1xi32>
      %parallel_loop3A_348 = vector.shape_cast %parallel_loop3A_347 : vector<16x1xi32> to vector<16xi32>
      %parallel_loop3A_349 = tpu.dynamic_gather %parallel_loop3A_343[%parallel_loop3A_348] in [0] : vector<16xf32>, vector<16xi32> -> vector<16xf32>
      %parallel_loop3A_350 = arith.addf %parallel_loop3A_343, %parallel_loop3A_349 : vector<16xf32>
      %parallel_loop3A_351 = arith.constant 2 : i32
      %parallel_loop3A_352 = vector.broadcast %parallel_loop3A_351 : i32 to vector<16xi32>
      %parallel_loop3A_353 = arith.xori %parallel_loop3A_336, %parallel_loop3A_352 : vector<16xi32>
      %parallel_loop3A_354 = vector.shape_cast %parallel_loop3A_353 : vector<16xi32> to vector<16x1xi32>
      %parallel_loop3A_355 = vector.shape_cast %parallel_loop3A_354 : vector<16x1xi32> to vector<16xi32>
      %parallel_loop3A_356 = tpu.dynamic_gather %parallel_loop3A_350[%parallel_loop3A_355] in [0] : vector<16xf32>, vector<16xi32> -> vector<16xf32>
      %parallel_loop3A_357 = arith.addf %parallel_loop3A_350, %parallel_loop3A_356 : vector<16xf32>
      %parallel_loop3A_358 = arith.constant 1 : i32
      %parallel_loop3A_359 = vector.broadcast %parallel_loop3A_358 : i32 to vector<16xi32>
      %parallel_loop3A_360 = arith.xori %parallel_loop3A_336, %parallel_loop3A_359 : vector<16xi32>
      %parallel_loop3A_361 = vector.shape_cast %parallel_loop3A_360 : vector<16xi32> to vector<16x1xi32>
      %parallel_loop3A_362 = vector.shape_cast %parallel_loop3A_361 : vector<16x1xi32> to vector<16xi32>
      %parallel_loop3A_363 = tpu.dynamic_gather %parallel_loop3A_357[%parallel_loop3A_362] in [0] : vector<16xf32>, vector<16xi32> -> vector<16xf32>
      %parallel_loop3A_364 = arith.addf %parallel_loop3A_357, %parallel_loop3A_363 : vector<16xf32>
      %parallel_loop3A_365 = arith.constant 1.000000e-24 : f32
      %parallel_loop3A_366 = vector.broadcast %parallel_loop3A_365 : f32 to vector<16xf32>
      %parallel_loop3A_367 = arith.maximumf %parallel_loop3A_364, %parallel_loop3A_366 : vector<16xf32>
      %parallel_loop3A_368 = tpu.bitcast %parallel_loop3A_367 : vector<16xf32> -> vector<16xi32>
      %parallel_loop3A_369 = arith.constant 1 : i32
      %parallel_loop3A_370 = vector.broadcast %parallel_loop3A_369 : i32 to vector<16xi32>
      %parallel_loop3A_371 = arith.shrsi %parallel_loop3A_368, %parallel_loop3A_370 : vector<16xi32>
      %parallel_loop3A_372 = arith.constant 1597463007 : i32
      %parallel_loop3A_373 = vector.broadcast %parallel_loop3A_372 : i32 to vector<16xi32>
      %parallel_loop3A_374 = arith.subi %parallel_loop3A_373, %parallel_loop3A_371 : vector<16xi32>
      %parallel_loop3A_375 = tpu.bitcast %parallel_loop3A_374 : vector<16xi32> -> vector<16xf32>
      %parallel_loop3A_376 = arith.constant 5.000000e-01 : f32
      %parallel_loop3A_377 = vector.broadcast %parallel_loop3A_376 : f32 to vector<16xf32>
      %parallel_loop3A_378 = arith.mulf %parallel_loop3A_377, %parallel_loop3A_367 : vector<16xf32>
      %parallel_loop3A_379 = arith.mulf %parallel_loop3A_378, %parallel_loop3A_375 : vector<16xf32>
      %parallel_loop3A_380 = arith.mulf %parallel_loop3A_379, %parallel_loop3A_375 : vector<16xf32>
      %parallel_loop3A_381 = arith.constant 1.500000e+00 : f32
      %parallel_loop3A_382 = vector.broadcast %parallel_loop3A_381 : f32 to vector<16xf32>
      %parallel_loop3A_383 = arith.subf %parallel_loop3A_382, %parallel_loop3A_380 : vector<16xf32>
      %parallel_loop3A_384 = arith.mulf %parallel_loop3A_375, %parallel_loop3A_383 : vector<16xf32>
      %parallel_loop3A_385 = arith.mulf %parallel_loop3A_242, %parallel_loop3A_384 : vector<16xf32>
      %parallel_loop3A_386 = arith.index_cast %parallel_loop3A_234 : i32 to index
      %parallel_loop3A_387 = arith.constant 0 : index
      %parallel_loop3A_388 = tpu.vector_load %arg6[%parallel_loop3A_386, %parallel_loop3A_387] {strides = array<i32>} : memref<256x256xf32, #tpu.memory_space<vmem>>, vector<1x16xf32>,
      %parallel_loop3A_389 = vector.shape_cast %parallel_loop3A_388 : vector<1x16xf32> to vector<16xf32>
      %parallel_loop3A_390 = vector.shape_cast %parallel_loop3A_385 : vector<16xf32> to vector<1x16xf32>
      tpu.vector_store %arg6[%parallel_loop3A_386, %parallel_loop3A_387], %parallel_loop3A_390 {strides = array<i32>} : memref<256x256xf32, #tpu.memory_space<vmem>>, vector<1x16xf32>,
      %parallel_loop3A_391 = arith.mulf %parallel_loop3A_248, %parallel_loop3A_384 : vector<16xf32>
      %parallel_loop3A_392 = arith.index_cast %parallel_loop3A_234 : i32 to index
      %parallel_loop3A_393 = arith.constant 16 : index
      %parallel_loop3A_394 = tpu.vector_load %arg6[%parallel_loop3A_392, %parallel_loop3A_393] {strides = array<i32>} : memref<256x256xf32, #tpu.memory_space<vmem>>, vector<1x16xf32>,
      %parallel_loop3A_395 = vector.shape_cast %parallel_loop3A_394 : vector<1x16xf32> to vector<16xf32>
      %parallel_loop3A_396 = vector.shape_cast %parallel_loop3A_391 : vector<16xf32> to vector<1x16xf32>
      tpu.vector_store %arg6[%parallel_loop3A_392, %parallel_loop3A_393], %parallel_loop3A_396 {strides = array<i32>} : memref<256x256xf32, #tpu.memory_space<vmem>>, vector<1x16xf32>,
      %parallel_loop3A_397 = arith.mulf %parallel_loop3A_254, %parallel_loop3A_384 : vector<16xf32>
      %parallel_loop3A_398 = arith.index_cast %parallel_loop3A_234 : i32 to index
      %parallel_loop3A_399 = arith.constant 32 : index
      %parallel_loop3A_400 = tpu.vector_load %arg6[%parallel_loop3A_398, %parallel_loop3A_399] {strides = array<i32>} : memref<256x256xf32, #tpu.memory_space<vmem>>, vector<1x16xf32>,
      %parallel_loop3A_401 = vector.shape_cast %parallel_loop3A_400 : vector<1x16xf32> to vector<16xf32>
      %parallel_loop3A_402 = vector.shape_cast %parallel_loop3A_397 : vector<16xf32> to vector<1x16xf32>
      tpu.vector_store %arg6[%parallel_loop3A_398, %parallel_loop3A_399], %parallel_loop3A_402 {strides = array<i32>} : memref<256x256xf32, #tpu.memory_space<vmem>>, vector<1x16xf32>,
      %parallel_loop3A_403 = arith.mulf %parallel_loop3A_260, %parallel_loop3A_384 : vector<16xf32>
      %parallel_loop3A_404 = arith.index_cast %parallel_loop3A_234 : i32 to index
      %parallel_loop3A_405 = arith.constant 48 : index
      %parallel_loop3A_406 = tpu.vector_load %arg6[%parallel_loop3A_404, %parallel_loop3A_405] {strides = array<i32>} : memref<256x256xf32, #tpu.memory_space<vmem>>, vector<1x16xf32>,
      %parallel_loop3A_407 = vector.shape_cast %parallel_loop3A_406 : vector<1x16xf32> to vector<16xf32>
      %parallel_loop3A_408 = vector.shape_cast %parallel_loop3A_403 : vector<16xf32> to vector<1x16xf32>
      tpu.vector_store %arg6[%parallel_loop3A_404, %parallel_loop3A_405], %parallel_loop3A_408 {strides = array<i32>} : memref<256x256xf32, #tpu.memory_space<vmem>>, vector<1x16xf32>,
      %parallel_loop3A_409 = arith.mulf %parallel_loop3A_266, %parallel_loop3A_384 : vector<16xf32>
      %parallel_loop3A_410 = arith.index_cast %parallel_loop3A_234 : i32 to index
      %parallel_loop3A_411 = arith.constant 64 : index
      %parallel_loop3A_412 = tpu.vector_load %arg6[%parallel_loop3A_410, %parallel_loop3A_411] {strides = array<i32>} : memref<256x256xf32, #tpu.memory_space<vmem>>, vector<1x16xf32>,
      %parallel_loop3A_413 = vector.shape_cast %parallel_loop3A_412 : vector<1x16xf32> to vector<16xf32>
      %parallel_loop3A_414 = vector.shape_cast %parallel_loop3A_409 : vector<16xf32> to vector<1x16xf32>
      tpu.vector_store %arg6[%parallel_loop3A_410, %parallel_loop3A_411], %parallel_loop3A_414 {strides = array<i32>} : memref<256x256xf32, #tpu.memory_space<vmem>>, vector<1x16xf32>,
      %parallel_loop3A_415 = arith.mulf %parallel_loop3A_272, %parallel_loop3A_384 : vector<16xf32>
      %parallel_loop3A_416 = arith.index_cast %parallel_loop3A_234 : i32 to index
      %parallel_loop3A_417 = arith.constant 80 : index
      %parallel_loop3A_418 = tpu.vector_load %arg6[%parallel_loop3A_416, %parallel_loop3A_417] {strides = array<i32>} : memref<256x256xf32, #tpu.memory_space<vmem>>, vector<1x16xf32>,
      %parallel_loop3A_419 = vector.shape_cast %parallel_loop3A_418 : vector<1x16xf32> to vector<16xf32>
      %parallel_loop3A_420 = vector.shape_cast %parallel_loop3A_415 : vector<16xf32> to vector<1x16xf32>
      tpu.vector_store %arg6[%parallel_loop3A_416, %parallel_loop3A_417], %parallel_loop3A_420 {strides = array<i32>} : memref<256x256xf32, #tpu.memory_space<vmem>>, vector<1x16xf32>,
      %parallel_loop3A_421 = arith.mulf %parallel_loop3A_278, %parallel_loop3A_384 : vector<16xf32>
      %parallel_loop3A_422 = arith.index_cast %parallel_loop3A_234 : i32 to index
      %parallel_loop3A_423 = arith.constant 96 : index
      %parallel_loop3A_424 = tpu.vector_load %arg6[%parallel_loop3A_422, %parallel_loop3A_423] {strides = array<i32>} : memref<256x256xf32, #tpu.memory_space<vmem>>, vector<1x16xf32>,
      %parallel_loop3A_425 = vector.shape_cast %parallel_loop3A_424 : vector<1x16xf32> to vector<16xf32>
      %parallel_loop3A_426 = vector.shape_cast %parallel_loop3A_421 : vector<16xf32> to vector<1x16xf32>
      tpu.vector_store %arg6[%parallel_loop3A_422, %parallel_loop3A_423], %parallel_loop3A_426 {strides = array<i32>} : memref<256x256xf32, #tpu.memory_space<vmem>>, vector<1x16xf32>,
      %parallel_loop3A_427 = arith.mulf %parallel_loop3A_284, %parallel_loop3A_384 : vector<16xf32>
      %parallel_loop3A_428 = arith.index_cast %parallel_loop3A_234 : i32 to index
      %parallel_loop3A_429 = arith.constant 112 : index
      %parallel_loop3A_430 = tpu.vector_load %arg6[%parallel_loop3A_428, %parallel_loop3A_429] {strides = array<i32>} : memref<256x256xf32, #tpu.memory_space<vmem>>, vector<1x16xf32>,
      %parallel_loop3A_431 = vector.shape_cast %parallel_loop3A_430 : vector<1x16xf32> to vector<16xf32>
      %parallel_loop3A_432 = vector.shape_cast %parallel_loop3A_427 : vector<16xf32> to vector<1x16xf32>
      tpu.vector_store %arg6[%parallel_loop3A_428, %parallel_loop3A_429], %parallel_loop3A_432 {strides = array<i32>} : memref<256x256xf32, #tpu.memory_space<vmem>>, vector<1x16xf32>,
      %parallel_loop3A_433 = arith.mulf %parallel_loop3A_290, %parallel_loop3A_384 : vector<16xf32>
      %parallel_loop3A_434 = arith.index_cast %parallel_loop3A_234 : i32 to index
      %parallel_loop3A_435 = arith.constant 128 : index
      %parallel_loop3A_436 = tpu.vector_load %arg6[%parallel_loop3A_434, %parallel_loop3A_435] {strides = array<i32>} : memref<256x256xf32, #tpu.memory_space<vmem>>, vector<1x16xf32>,
      %parallel_loop3A_437 = vector.shape_cast %parallel_loop3A_436 : vector<1x16xf32> to vector<16xf32>
      %parallel_loop3A_438 = vector.shape_cast %parallel_loop3A_433 : vector<16xf32> to vector<1x16xf32>
      tpu.vector_store %arg6[%parallel_loop3A_434, %parallel_loop3A_435], %parallel_loop3A_438 {strides = array<i32>} : memref<256x256xf32, #tpu.memory_space<vmem>>, vector<1x16xf32>,
      %parallel_loop3A_439 = arith.mulf %parallel_loop3A_296, %parallel_loop3A_384 : vector<16xf32>
      %parallel_loop3A_440 = arith.index_cast %parallel_loop3A_234 : i32 to index
      %parallel_loop3A_441 = arith.constant 144 : index
      %parallel_loop3A_442 = tpu.vector_load %arg6[%parallel_loop3A_440, %parallel_loop3A_441] {strides = array<i32>} : memref<256x256xf32, #tpu.memory_space<vmem>>, vector<1x16xf32>,
      %parallel_loop3A_443 = vector.shape_cast %parallel_loop3A_442 : vector<1x16xf32> to vector<16xf32>
      %parallel_loop3A_444 = vector.shape_cast %parallel_loop3A_439 : vector<16xf32> to vector<1x16xf32>
      tpu.vector_store %arg6[%parallel_loop3A_440, %parallel_loop3A_441], %parallel_loop3A_444 {strides = array<i32>} : memref<256x256xf32, #tpu.memory_space<vmem>>, vector<1x16xf32>,
      %parallel_loop3A_445 = arith.mulf %parallel_loop3A_302, %parallel_loop3A_384 : vector<16xf32>
      %parallel_loop3A_446 = arith.index_cast %parallel_loop3A_234 : i32 to index
      %parallel_loop3A_447 = arith.constant 160 : index
      %parallel_loop3A_448 = tpu.vector_load %arg6[%parallel_loop3A_446, %parallel_loop3A_447] {strides = array<i32>} : memref<256x256xf32, #tpu.memory_space<vmem>>, vector<1x16xf32>,
      %parallel_loop3A_449 = vector.shape_cast %parallel_loop3A_448 : vector<1x16xf32> to vector<16xf32>
      %parallel_loop3A_450 = vector.shape_cast %parallel_loop3A_445 : vector<16xf32> to vector<1x16xf32>
      tpu.vector_store %arg6[%parallel_loop3A_446, %parallel_loop3A_447], %parallel_loop3A_450 {strides = array<i32>} : memref<256x256xf32, #tpu.memory_space<vmem>>, vector<1x16xf32>,
      %parallel_loop3A_451 = arith.mulf %parallel_loop3A_308, %parallel_loop3A_384 : vector<16xf32>
      %parallel_loop3A_452 = arith.index_cast %parallel_loop3A_234 : i32 to index
      %parallel_loop3A_453 = arith.constant 176 : index
      %parallel_loop3A_454 = tpu.vector_load %arg6[%parallel_loop3A_452, %parallel_loop3A_453] {strides = array<i32>} : memref<256x256xf32, #tpu.memory_space<vmem>>, vector<1x16xf32>,
      %parallel_loop3A_455 = vector.shape_cast %parallel_loop3A_454 : vector<1x16xf32> to vector<16xf32>
      %parallel_loop3A_456 = vector.shape_cast %parallel_loop3A_451 : vector<16xf32> to vector<1x16xf32>
      tpu.vector_store %arg6[%parallel_loop3A_452, %parallel_loop3A_453], %parallel_loop3A_456 {strides = array<i32>} : memref<256x256xf32, #tpu.memory_space<vmem>>, vector<1x16xf32>,
      %parallel_loop3A_457 = arith.mulf %parallel_loop3A_314, %parallel_loop3A_384 : vector<16xf32>
      %parallel_loop3A_458 = arith.index_cast %parallel_loop3A_234 : i32 to index
      %parallel_loop3A_459 = arith.constant 192 : index
      %parallel_loop3A_460 = tpu.vector_load %arg6[%parallel_loop3A_458, %parallel_loop3A_459] {strides = array<i32>} : memref<256x256xf32, #tpu.memory_space<vmem>>, vector<1x16xf32>,
      %parallel_loop3A_461 = vector.shape_cast %parallel_loop3A_460 : vector<1x16xf32> to vector<16xf32>
      %parallel_loop3A_462 = vector.shape_cast %parallel_loop3A_457 : vector<16xf32> to vector<1x16xf32>
      tpu.vector_store %arg6[%parallel_loop3A_458, %parallel_loop3A_459], %parallel_loop3A_462 {strides = array<i32>} : memref<256x256xf32, #tpu.memory_space<vmem>>, vector<1x16xf32>,
      %parallel_loop3A_463 = arith.mulf %parallel_loop3A_320, %parallel_loop3A_384 : vector<16xf32>
      %parallel_loop3A_464 = arith.index_cast %parallel_loop3A_234 : i32 to index
      %parallel_loop3A_465 = arith.constant 208 : index
      %parallel_loop3A_466 = tpu.vector_load %arg6[%parallel_loop3A_464, %parallel_loop3A_465] {strides = array<i32>} : memref<256x256xf32, #tpu.memory_space<vmem>>, vector<1x16xf32>,
      %parallel_loop3A_467 = vector.shape_cast %parallel_loop3A_466 : vector<1x16xf32> to vector<16xf32>
      %parallel_loop3A_468 = vector.shape_cast %parallel_loop3A_463 : vector<16xf32> to vector<1x16xf32>
      tpu.vector_store %arg6[%parallel_loop3A_464, %parallel_loop3A_465], %parallel_loop3A_468 {strides = array<i32>} : memref<256x256xf32, #tpu.memory_space<vmem>>, vector<1x16xf32>,
      %parallel_loop3A_469 = arith.mulf %parallel_loop3A_326, %parallel_loop3A_384 : vector<16xf32>
      %parallel_loop3A_470 = arith.index_cast %parallel_loop3A_234 : i32 to index
      %parallel_loop3A_471 = arith.constant 224 : index
      %parallel_loop3A_472 = tpu.vector_load %arg6[%parallel_loop3A_470, %parallel_loop3A_471] {strides = array<i32>} : memref<256x256xf32, #tpu.memory_space<vmem>>, vector<1x16xf32>,
      %parallel_loop3A_473 = vector.shape_cast %parallel_loop3A_472 : vector<1x16xf32> to vector<16xf32>
      %parallel_loop3A_474 = vector.shape_cast %parallel_loop3A_469 : vector<16xf32> to vector<1x16xf32>
      tpu.vector_store %arg6[%parallel_loop3A_470, %parallel_loop3A_471], %parallel_loop3A_474 {strides = array<i32>} : memref<256x256xf32, #tpu.memory_space<vmem>>, vector<1x16xf32>,
      %parallel_loop3A_475 = arith.mulf %parallel_loop3A_332, %parallel_loop3A_384 : vector<16xf32>
      %parallel_loop3A_476 = arith.index_cast %parallel_loop3A_234 : i32 to index
      %parallel_loop3A_477 = arith.constant 240 : index
      %parallel_loop3A_478 = tpu.vector_load %arg6[%parallel_loop3A_476, %parallel_loop3A_477] {strides = array<i32>} : memref<256x256xf32, #tpu.memory_space<vmem>>, vector<1x16xf32>,
      %parallel_loop3A_479 = vector.shape_cast %parallel_loop3A_478 : vector<1x16xf32> to vector<16xf32>
      %parallel_loop3A_480 = vector.shape_cast %parallel_loop3A_475 : vector<16xf32> to vector<1x16xf32>
      tpu.vector_store %arg6[%parallel_loop3A_476, %parallel_loop3A_477], %parallel_loop3A_480 {strides = array<i32>} : memref<256x256xf32, #tpu.memory_space<vmem>>, vector<1x16xf32>,
    } {sc.loop_unroll_factor = 2 : i64, sc.parallel_access}
    %add3A_116 = arith.constant 64 : i32
    %add3A_117 = arith.addi %mul3A_32, %add3A_116 : i32
    %dma_start3A_118 = arith.constant 64 : i32
    %dma_start3A_119 = arith.constant 0 : i32
    %dma_start3A_120 = tpu.memref_slice %arg6[%dma_start3A_118, %dma_start3A_119] : memref<256x256xf32, #tpu.memory_space<vmem>> -> memref<64x256xf32, #tpu.memory_space<vmem>>
    %dma_start3A_121 = arith.constant 0 : i32
    %dma_start3A_122 = tpu.memref_slice %arg4[%select_n3A, %add3A_117, %dma_start3A_121] : memref<8x1024x256xf32, #tpu.memory_space<hbm>> -> memref<1x64x256xf32, #tpu.memory_space<hbm>>
    %dma_start3A_123 = tpu.memref_squeeze %dma_start3A_122 : memref<1x64x256xf32, #tpu.memory_space<hbm>> -> memref<64x256xf32, #tpu.memory_space<hbm>>
    %dma_start3A_124 = arith.constant 0 : i32
    %dma_start3A_125 = tpu.memref_slice %arg4[%select_n3A, %add3A_117, %dma_start3A_124] : memref<8x1024x256xf32, #tpu.memory_space<hbm>> -> memref<1x64x256xf32, #tpu.memory_space<hbm>>
    %dma_start3A_126 = tpu.memref_squeeze %dma_start3A_125 : memref<1x64x256xf32, #tpu.memory_space<hbm>> -> memref<64x256xf32, #tpu.memory_space<hbm>>
    %dma_start3A_127 = arith.constant 64 : i32
    %dma_start3A_128 = arith.constant 0 : i32
    %dma_start3A_129 = tpu.memref_slice %arg6[%dma_start3A_127, %dma_start3A_128] : memref<256x256xf32, #tpu.memory_space<vmem>> -> memref<64x256xf32, #tpu.memory_space<vmem>>
    tpu.enqueue_dma source(%dma_start3A_129 : memref<64x256xf32, #tpu.memory_space<vmem>>) target(%dma_start3A_126 : memref<64x256xf32, #tpu.memory_space<hbm>>) target_semaphore(%arg8 : memref<!tpu.dma_semaphore, #tpu.memory_space<semaphore_mem>>)
    %dma_wait3A_130 = arith.constant 2 : i32
    %dma_wait3A_131 = arith.constant 128 : i32
    %dma_wait3A_132 = arith.constant 0 : i32
    %dma_wait3A_133 = tpu.memref_slice %arg6[%dma_wait3A_131, %dma_wait3A_132] : memref<256x256xf32, #tpu.memory_space<vmem>> -> memref<64x256xf32, #tpu.memory_space<vmem>>
    %dma_wait3A_134 = arith.constant 128 : i32
    %dma_wait3A_135 = tpu.memref_slice %arg5[%dma_wait3A_134] : memref<256xi32, #tpu.memory_space<vmem>> -> memref<64xi32, #tpu.memory_space<vmem>>
    %dma_wait3A_136 = arith.constant 0 : i32
    %dma_wait3A_137 = arith.constant 0 : i32
    %dma_wait3A_138 = tpu.memref_slice %arg3[%dma_wait3A_136, %dma_wait3A_137] : memref<8192x256xf32, #tpu.memory_space<hbm>> -> memref<8192x256xf32, #tpu.memory_space<hbm>>
    %dma_wait3A_139 = tpu.memref_slice %arg7[%dma_wait3A_130] : memref<4x!tpu.dma_semaphore, #tpu.memory_space<semaphore_mem>> -> memref<1x!tpu.dma_semaphore, #tpu.memory_space<semaphore_mem>>
    %dma_wait3A_140 = tpu.memref_squeeze %dma_wait3A_139 : memref<1x!tpu.dma_semaphore, #tpu.memory_space<semaphore_mem>> -> memref<!tpu.dma_semaphore, #tpu.memory_space<semaphore_mem>>
    tpu.wait_indirect_dma semaphore(%dma_wait3A_140 : memref<!tpu.dma_semaphore, #tpu.memory_space<semaphore_mem>>) src(%dma_wait3A_138 : memref<8192x256xf32, #tpu.memory_space<hbm>>) dst(%dma_wait3A_133 : memref<64x256xf32, #tpu.memory_space<vmem>>)
    %parallel_loop3A_141 = arith.constant 128 : i32
    %parallel_loop3A_142 = arith.constant 192 : i32
    %parallel_loop3A_143 = arith.constant 1 : i32
    scf.for %parallel_loop3A_234 = %parallel_loop3A_141 to %parallel_loop3A_142 step %parallel_loop3A_143  : i32 {
      %parallel_loop3A_235 = arith.constant 0.000000e+00 : f32
      %parallel_loop3A_236 = vector.broadcast %parallel_loop3A_235 : f32 to vector<16xf32>
      %parallel_loop3A_237 = arith.constant 0.000000e+00 : f32
      %parallel_loop3A_238 = vector.broadcast %parallel_loop3A_237 : f32 to vector<16xf32>
      %parallel_loop3A_239 = arith.index_cast %parallel_loop3A_234 : i32 to index
      %parallel_loop3A_240 = arith.constant 0 : index
      %parallel_loop3A_241 = tpu.vector_load %arg6[%parallel_loop3A_239, %parallel_loop3A_240] {strides = array<i32>} : memref<256x256xf32, #tpu.memory_space<vmem>>, vector<1x16xf32>,
      %parallel_loop3A_242 = vector.shape_cast %parallel_loop3A_241 : vector<1x16xf32> to vector<16xf32>
      %parallel_loop3A_243 = arith.mulf %parallel_loop3A_242, %parallel_loop3A_242 : vector<16xf32>
      %parallel_loop3A_244 = arith.addf %parallel_loop3A_236, %parallel_loop3A_243 : vector<16xf32>
      %parallel_loop3A_245 = arith.index_cast %parallel_loop3A_234 : i32 to index
      %parallel_loop3A_246 = arith.constant 16 : index
      %parallel_loop3A_247 = tpu.vector_load %arg6[%parallel_loop3A_245, %parallel_loop3A_246] {strides = array<i32>} : memref<256x256xf32, #tpu.memory_space<vmem>>, vector<1x16xf32>,
      %parallel_loop3A_248 = vector.shape_cast %parallel_loop3A_247 : vector<1x16xf32> to vector<16xf32>
      %parallel_loop3A_249 = arith.mulf %parallel_loop3A_248, %parallel_loop3A_248 : vector<16xf32>
      %parallel_loop3A_250 = arith.addf %parallel_loop3A_238, %parallel_loop3A_249 : vector<16xf32>
      %parallel_loop3A_251 = arith.index_cast %parallel_loop3A_234 : i32 to index
      %parallel_loop3A_252 = arith.constant 32 : index
      %parallel_loop3A_253 = tpu.vector_load %arg6[%parallel_loop3A_251, %parallel_loop3A_252] {strides = array<i32>} : memref<256x256xf32, #tpu.memory_space<vmem>>, vector<1x16xf32>,
      %parallel_loop3A_254 = vector.shape_cast %parallel_loop3A_253 : vector<1x16xf32> to vector<16xf32>
      %parallel_loop3A_255 = arith.mulf %parallel_loop3A_254, %parallel_loop3A_254 : vector<16xf32>
      %parallel_loop3A_256 = arith.addf %parallel_loop3A_244, %parallel_loop3A_255 : vector<16xf32>
      %parallel_loop3A_257 = arith.index_cast %parallel_loop3A_234 : i32 to index
      %parallel_loop3A_258 = arith.constant 48 : index
      %parallel_loop3A_259 = tpu.vector_load %arg6[%parallel_loop3A_257, %parallel_loop3A_258] {strides = array<i32>} : memref<256x256xf32, #tpu.memory_space<vmem>>, vector<1x16xf32>,
      %parallel_loop3A_260 = vector.shape_cast %parallel_loop3A_259 : vector<1x16xf32> to vector<16xf32>
      %parallel_loop3A_261 = arith.mulf %parallel_loop3A_260, %parallel_loop3A_260 : vector<16xf32>
      %parallel_loop3A_262 = arith.addf %parallel_loop3A_250, %parallel_loop3A_261 : vector<16xf32>
      %parallel_loop3A_263 = arith.index_cast %parallel_loop3A_234 : i32 to index
      %parallel_loop3A_264 = arith.constant 64 : index
      %parallel_loop3A_265 = tpu.vector_load %arg6[%parallel_loop3A_263, %parallel_loop3A_264] {strides = array<i32>} : memref<256x256xf32, #tpu.memory_space<vmem>>, vector<1x16xf32>,
      %parallel_loop3A_266 = vector.shape_cast %parallel_loop3A_265 : vector<1x16xf32> to vector<16xf32>
      %parallel_loop3A_267 = arith.mulf %parallel_loop3A_266, %parallel_loop3A_266 : vector<16xf32>
      %parallel_loop3A_268 = arith.addf %parallel_loop3A_256, %parallel_loop3A_267 : vector<16xf32>
      %parallel_loop3A_269 = arith.index_cast %parallel_loop3A_234 : i32 to index
      %parallel_loop3A_270 = arith.constant 80 : index
      %parallel_loop3A_271 = tpu.vector_load %arg6[%parallel_loop3A_269, %parallel_loop3A_270] {strides = array<i32>} : memref<256x256xf32, #tpu.memory_space<vmem>>, vector<1x16xf32>,
      %parallel_loop3A_272 = vector.shape_cast %parallel_loop3A_271 : vector<1x16xf32> to vector<16xf32>
      %parallel_loop3A_273 = arith.mulf %parallel_loop3A_272, %parallel_loop3A_272 : vector<16xf32>
      %parallel_loop3A_274 = arith.addf %parallel_loop3A_262, %parallel_loop3A_273 : vector<16xf32>
      %parallel_loop3A_275 = arith.index_cast %parallel_loop3A_234 : i32 to index
      %parallel_loop3A_276 = arith.constant 96 : index
      %parallel_loop3A_277 = tpu.vector_load %arg6[%parallel_loop3A_275, %parallel_loop3A_276] {strides = array<i32>} : memref<256x256xf32, #tpu.memory_space<vmem>>, vector<1x16xf32>,
      %parallel_loop3A_278 = vector.shape_cast %parallel_loop3A_277 : vector<1x16xf32> to vector<16xf32>
      %parallel_loop3A_279 = arith.mulf %parallel_loop3A_278, %parallel_loop3A_278 : vector<16xf32>
      %parallel_loop3A_280 = arith.addf %parallel_loop3A_268, %parallel_loop3A_279 : vector<16xf32>
      %parallel_loop3A_281 = arith.index_cast %parallel_loop3A_234 : i32 to index
      %parallel_loop3A_282 = arith.constant 112 : index
      %parallel_loop3A_283 = tpu.vector_load %arg6[%parallel_loop3A_281, %parallel_loop3A_282] {strides = array<i32>} : memref<256x256xf32, #tpu.memory_space<vmem>>, vector<1x16xf32>,
      %parallel_loop3A_284 = vector.shape_cast %parallel_loop3A_283 : vector<1x16xf32> to vector<16xf32>
      %parallel_loop3A_285 = arith.mulf %parallel_loop3A_284, %parallel_loop3A_284 : vector<16xf32>
      %parallel_loop3A_286 = arith.addf %parallel_loop3A_274, %parallel_loop3A_285 : vector<16xf32>
      %parallel_loop3A_287 = arith.index_cast %parallel_loop3A_234 : i32 to index
      %parallel_loop3A_288 = arith.constant 128 : index
      %parallel_loop3A_289 = tpu.vector_load %arg6[%parallel_loop3A_287, %parallel_loop3A_288] {strides = array<i32>} : memref<256x256xf32, #tpu.memory_space<vmem>>, vector<1x16xf32>,
      %parallel_loop3A_290 = vector.shape_cast %parallel_loop3A_289 : vector<1x16xf32> to vector<16xf32>
      %parallel_loop3A_291 = arith.mulf %parallel_loop3A_290, %parallel_loop3A_290 : vector<16xf32>
      %parallel_loop3A_292 = arith.addf %parallel_loop3A_280, %parallel_loop3A_291 : vector<16xf32>
      %parallel_loop3A_293 = arith.index_cast %parallel_loop3A_234 : i32 to index
      %parallel_loop3A_294 = arith.constant 144 : index
      %parallel_loop3A_295 = tpu.vector_load %arg6[%parallel_loop3A_293, %parallel_loop3A_294] {strides = array<i32>} : memref<256x256xf32, #tpu.memory_space<vmem>>, vector<1x16xf32>,
      %parallel_loop3A_296 = vector.shape_cast %parallel_loop3A_295 : vector<1x16xf32> to vector<16xf32>
      %parallel_loop3A_297 = arith.mulf %parallel_loop3A_296, %parallel_loop3A_296 : vector<16xf32>
      %parallel_loop3A_298 = arith.addf %parallel_loop3A_286, %parallel_loop3A_297 : vector<16xf32>
      %parallel_loop3A_299 = arith.index_cast %parallel_loop3A_234 : i32 to index
      %parallel_loop3A_300 = arith.constant 160 : index
      %parallel_loop3A_301 = tpu.vector_load %arg6[%parallel_loop3A_299, %parallel_loop3A_300] {strides = array<i32>} : memref<256x256xf32, #tpu.memory_space<vmem>>, vector<1x16xf32>,
      %parallel_loop3A_302 = vector.shape_cast %parallel_loop3A_301 : vector<1x16xf32> to vector<16xf32>
      %parallel_loop3A_303 = arith.mulf %parallel_loop3A_302, %parallel_loop3A_302 : vector<16xf32>
      %parallel_loop3A_304 = arith.addf %parallel_loop3A_292, %parallel_loop3A_303 : vector<16xf32>
      %parallel_loop3A_305 = arith.index_cast %parallel_loop3A_234 : i32 to index
      %parallel_loop3A_306 = arith.constant 176 : index
      %parallel_loop3A_307 = tpu.vector_load %arg6[%parallel_loop3A_305, %parallel_loop3A_306] {strides = array<i32>} : memref<256x256xf32, #tpu.memory_space<vmem>>, vector<1x16xf32>,
      %parallel_loop3A_308 = vector.shape_cast %parallel_loop3A_307 : vector<1x16xf32> to vector<16xf32>
      %parallel_loop3A_309 = arith.mulf %parallel_loop3A_308, %parallel_loop3A_308 : vector<16xf32>
      %parallel_loop3A_310 = arith.addf %parallel_loop3A_298, %parallel_loop3A_309 : vector<16xf32>
      %parallel_loop3A_311 = arith.index_cast %parallel_loop3A_234 : i32 to index
      %parallel_loop3A_312 = arith.constant 192 : index
      %parallel_loop3A_313 = tpu.vector_load %arg6[%parallel_loop3A_311, %parallel_loop3A_312] {strides = array<i32>} : memref<256x256xf32, #tpu.memory_space<vmem>>, vector<1x16xf32>,
      %parallel_loop3A_314 = vector.shape_cast %parallel_loop3A_313 : vector<1x16xf32> to vector<16xf32>
      %parallel_loop3A_315 = arith.mulf %parallel_loop3A_314, %parallel_loop3A_314 : vector<16xf32>
      %parallel_loop3A_316 = arith.addf %parallel_loop3A_304, %parallel_loop3A_315 : vector<16xf32>
      %parallel_loop3A_317 = arith.index_cast %parallel_loop3A_234 : i32 to index
      %parallel_loop3A_318 = arith.constant 208 : index
      %parallel_loop3A_319 = tpu.vector_load %arg6[%parallel_loop3A_317, %parallel_loop3A_318] {strides = array<i32>} : memref<256x256xf32, #tpu.memory_space<vmem>>, vector<1x16xf32>,
      %parallel_loop3A_320 = vector.shape_cast %parallel_loop3A_319 : vector<1x16xf32> to vector<16xf32>
      %parallel_loop3A_321 = arith.mulf %parallel_loop3A_320, %parallel_loop3A_320 : vector<16xf32>
      %parallel_loop3A_322 = arith.addf %parallel_loop3A_310, %parallel_loop3A_321 : vector<16xf32>
      %parallel_loop3A_323 = arith.index_cast %parallel_loop3A_234 : i32 to index
      %parallel_loop3A_324 = arith.constant 224 : index
      %parallel_loop3A_325 = tpu.vector_load %arg6[%parallel_loop3A_323, %parallel_loop3A_324] {strides = array<i32>} : memref<256x256xf32, #tpu.memory_space<vmem>>, vector<1x16xf32>,
      %parallel_loop3A_326 = vector.shape_cast %parallel_loop3A_325 : vector<1x16xf32> to vector<16xf32>
      %parallel_loop3A_327 = arith.mulf %parallel_loop3A_326, %parallel_loop3A_326 : vector<16xf32>
      %parallel_loop3A_328 = arith.addf %parallel_loop3A_316, %parallel_loop3A_327 : vector<16xf32>
      %parallel_loop3A_329 = arith.index_cast %parallel_loop3A_234 : i32 to index
      %parallel_loop3A_330 = arith.constant 240 : index
      %parallel_loop3A_331 = tpu.vector_load %arg6[%parallel_loop3A_329, %parallel_loop3A_330] {strides = array<i32>} : memref<256x256xf32, #tpu.memory_space<vmem>>, vector<1x16xf32>,
      %parallel_loop3A_332 = vector.shape_cast %parallel_loop3A_331 : vector<1x16xf32> to vector<16xf32>
      %parallel_loop3A_333 = arith.mulf %parallel_loop3A_332, %parallel_loop3A_332 : vector<16xf32>
      %parallel_loop3A_334 = arith.addf %parallel_loop3A_322, %parallel_loop3A_333 : vector<16xf32>
      %parallel_loop3A_335 = arith.addf %parallel_loop3A_328, %parallel_loop3A_334 : vector<16xf32>
      %parallel_loop3A_336 = tpu.iota {dimensions = array<i32: 0>} : vector<16xi32>
      %parallel_loop3A_337 = arith.constant 8 : i32
      %parallel_loop3A_338 = vector.broadcast %parallel_loop3A_337 : i32 to vector<16xi32>
      %parallel_loop3A_339 = arith.xori %parallel_loop3A_336, %parallel_loop3A_338 : vector<16xi32>
      %parallel_loop3A_340 = vector.shape_cast %parallel_loop3A_339 : vector<16xi32> to vector<16x1xi32>
      %parallel_loop3A_341 = vector.shape_cast %parallel_loop3A_340 : vector<16x1xi32> to vector<16xi32>
      %parallel_loop3A_342 = tpu.dynamic_gather %parallel_loop3A_335[%parallel_loop3A_341] in [0] : vector<16xf32>, vector<16xi32> -> vector<16xf32>
      %parallel_loop3A_343 = arith.addf %parallel_loop3A_335, %parallel_loop3A_342 : vector<16xf32>
      %parallel_loop3A_344 = arith.constant 4 : i32
      %parallel_loop3A_345 = vector.broadcast %parallel_loop3A_344 : i32 to vector<16xi32>
      %parallel_loop3A_346 = arith.xori %parallel_loop3A_336, %parallel_loop3A_345 : vector<16xi32>
      %parallel_loop3A_347 = vector.shape_cast %parallel_loop3A_346 : vector<16xi32> to vector<16x1xi32>
      %parallel_loop3A_348 = vector.shape_cast %parallel_loop3A_347 : vector<16x1xi32> to vector<16xi32>
      %parallel_loop3A_349 = tpu.dynamic_gather %parallel_loop3A_343[%parallel_loop3A_348] in [0] : vector<16xf32>, vector<16xi32> -> vector<16xf32>
      %parallel_loop3A_350 = arith.addf %parallel_loop3A_343, %parallel_loop3A_349 : vector<16xf32>
      %parallel_loop3A_351 = arith.constant 2 : i32
      %parallel_loop3A_352 = vector.broadcast %parallel_loop3A_351 : i32 to vector<16xi32>
      %parallel_loop3A_353 = arith.xori %parallel_loop3A_336, %parallel_loop3A_352 : vector<16xi32>
      %parallel_loop3A_354 = vector.shape_cast %parallel_loop3A_353 : vector<16xi32> to vector<16x1xi32>
      %parallel_loop3A_355 = vector.shape_cast %parallel_loop3A_354 : vector<16x1xi32> to vector<16xi32>
      %parallel_loop3A_356 = tpu.dynamic_gather %parallel_loop3A_350[%parallel_loop3A_355] in [0] : vector<16xf32>, vector<16xi32> -> vector<16xf32>
      %parallel_loop3A_357 = arith.addf %parallel_loop3A_350, %parallel_loop3A_356 : vector<16xf32>
      %parallel_loop3A_358 = arith.constant 1 : i32
      %parallel_loop3A_359 = vector.broadcast %parallel_loop3A_358 : i32 to vector<16xi32>
      %parallel_loop3A_360 = arith.xori %parallel_loop3A_336, %parallel_loop3A_359 : vector<16xi32>
      %parallel_loop3A_361 = vector.shape_cast %parallel_loop3A_360 : vector<16xi32> to vector<16x1xi32>
      %parallel_loop3A_362 = vector.shape_cast %parallel_loop3A_361 : vector<16x1xi32> to vector<16xi32>
      %parallel_loop3A_363 = tpu.dynamic_gather %parallel_loop3A_357[%parallel_loop3A_362] in [0] : vector<16xf32>, vector<16xi32> -> vector<16xf32>
      %parallel_loop3A_364 = arith.addf %parallel_loop3A_357, %parallel_loop3A_363 : vector<16xf32>
      %parallel_loop3A_365 = arith.constant 1.000000e-24 : f32
      %parallel_loop3A_366 = vector.broadcast %parallel_loop3A_365 : f32 to vector<16xf32>
      %parallel_loop3A_367 = arith.maximumf %parallel_loop3A_364, %parallel_loop3A_366 : vector<16xf32>
      %parallel_loop3A_368 = tpu.bitcast %parallel_loop3A_367 : vector<16xf32> -> vector<16xi32>
      %parallel_loop3A_369 = arith.constant 1 : i32
      %parallel_loop3A_370 = vector.broadcast %parallel_loop3A_369 : i32 to vector<16xi32>
      %parallel_loop3A_371 = arith.shrsi %parallel_loop3A_368, %parallel_loop3A_370 : vector<16xi32>
      %parallel_loop3A_372 = arith.constant 1597463007 : i32
      %parallel_loop3A_373 = vector.broadcast %parallel_loop3A_372 : i32 to vector<16xi32>
      %parallel_loop3A_374 = arith.subi %parallel_loop3A_373, %parallel_loop3A_371 : vector<16xi32>
      %parallel_loop3A_375 = tpu.bitcast %parallel_loop3A_374 : vector<16xi32> -> vector<16xf32>
      %parallel_loop3A_376 = arith.constant 5.000000e-01 : f32
      %parallel_loop3A_377 = vector.broadcast %parallel_loop3A_376 : f32 to vector<16xf32>
      %parallel_loop3A_378 = arith.mulf %parallel_loop3A_377, %parallel_loop3A_367 : vector<16xf32>
      %parallel_loop3A_379 = arith.mulf %parallel_loop3A_378, %parallel_loop3A_375 : vector<16xf32>
      %parallel_loop3A_380 = arith.mulf %parallel_loop3A_379, %parallel_loop3A_375 : vector<16xf32>
      %parallel_loop3A_381 = arith.constant 1.500000e+00 : f32
      %parallel_loop3A_382 = vector.broadcast %parallel_loop3A_381 : f32 to vector<16xf32>
      %parallel_loop3A_383 = arith.subf %parallel_loop3A_382, %parallel_loop3A_380 : vector<16xf32>
      %parallel_loop3A_384 = arith.mulf %parallel_loop3A_375, %parallel_loop3A_383 : vector<16xf32>
      %parallel_loop3A_385 = arith.mulf %parallel_loop3A_242, %parallel_loop3A_384 : vector<16xf32>
      %parallel_loop3A_386 = arith.index_cast %parallel_loop3A_234 : i32 to index
      %parallel_loop3A_387 = arith.constant 0 : index
      %parallel_loop3A_388 = tpu.vector_load %arg6[%parallel_loop3A_386, %parallel_loop3A_387] {strides = array<i32>} : memref<256x256xf32, #tpu.memory_space<vmem>>, vector<1x16xf32>,
      %parallel_loop3A_389 = vector.shape_cast %parallel_loop3A_388 : vector<1x16xf32> to vector<16xf32>
      %parallel_loop3A_390 = vector.shape_cast %parallel_loop3A_385 : vector<16xf32> to vector<1x16xf32>
      tpu.vector_store %arg6[%parallel_loop3A_386, %parallel_loop3A_387], %parallel_loop3A_390 {strides = array<i32>} : memref<256x256xf32, #tpu.memory_space<vmem>>, vector<1x16xf32>,
      %parallel_loop3A_391 = arith.mulf %parallel_loop3A_248, %parallel_loop3A_384 : vector<16xf32>
      %parallel_loop3A_392 = arith.index_cast %parallel_loop3A_234 : i32 to index
      %parallel_loop3A_393 = arith.constant 16 : index
      %parallel_loop3A_394 = tpu.vector_load %arg6[%parallel_loop3A_392, %parallel_loop3A_393] {strides = array<i32>} : memref<256x256xf32, #tpu.memory_space<vmem>>, vector<1x16xf32>,
      %parallel_loop3A_395 = vector.shape_cast %parallel_loop3A_394 : vector<1x16xf32> to vector<16xf32>
      %parallel_loop3A_396 = vector.shape_cast %parallel_loop3A_391 : vector<16xf32> to vector<1x16xf32>
      tpu.vector_store %arg6[%parallel_loop3A_392, %parallel_loop3A_393], %parallel_loop3A_396 {strides = array<i32>} : memref<256x256xf32, #tpu.memory_space<vmem>>, vector<1x16xf32>,
      %parallel_loop3A_397 = arith.mulf %parallel_loop3A_254, %parallel_loop3A_384 : vector<16xf32>
      %parallel_loop3A_398 = arith.index_cast %parallel_loop3A_234 : i32 to index
      %parallel_loop3A_399 = arith.constant 32 : index
      %parallel_loop3A_400 = tpu.vector_load %arg6[%parallel_loop3A_398, %parallel_loop3A_399] {strides = array<i32>} : memref<256x256xf32, #tpu.memory_space<vmem>>, vector<1x16xf32>,
      %parallel_loop3A_401 = vector.shape_cast %parallel_loop3A_400 : vector<1x16xf32> to vector<16xf32>
      %parallel_loop3A_402 = vector.shape_cast %parallel_loop3A_397 : vector<16xf32> to vector<1x16xf32>
      tpu.vector_store %arg6[%parallel_loop3A_398, %parallel_loop3A_399], %parallel_loop3A_402 {strides = array<i32>} : memref<256x256xf32, #tpu.memory_space<vmem>>, vector<1x16xf32>,
      %parallel_loop3A_403 = arith.mulf %parallel_loop3A_260, %parallel_loop3A_384 : vector<16xf32>
      %parallel_loop3A_404 = arith.index_cast %parallel_loop3A_234 : i32 to index
      %parallel_loop3A_405 = arith.constant 48 : index
      %parallel_loop3A_406 = tpu.vector_load %arg6[%parallel_loop3A_404, %parallel_loop3A_405] {strides = array<i32>} : memref<256x256xf32, #tpu.memory_space<vmem>>, vector<1x16xf32>,
      %parallel_loop3A_407 = vector.shape_cast %parallel_loop3A_406 : vector<1x16xf32> to vector<16xf32>
      %parallel_loop3A_408 = vector.shape_cast %parallel_loop3A_403 : vector<16xf32> to vector<1x16xf32>
      tpu.vector_store %arg6[%parallel_loop3A_404, %parallel_loop3A_405], %parallel_loop3A_408 {strides = array<i32>} : memref<256x256xf32, #tpu.memory_space<vmem>>, vector<1x16xf32>,
      %parallel_loop3A_409 = arith.mulf %parallel_loop3A_266, %parallel_loop3A_384 : vector<16xf32>
      %parallel_loop3A_410 = arith.index_cast %parallel_loop3A_234 : i32 to index
      %parallel_loop3A_411 = arith.constant 64 : index
      %parallel_loop3A_412 = tpu.vector_load %arg6[%parallel_loop3A_410, %parallel_loop3A_411] {strides = array<i32>} : memref<256x256xf32, #tpu.memory_space<vmem>>, vector<1x16xf32>,
      %parallel_loop3A_413 = vector.shape_cast %parallel_loop3A_412 : vector<1x16xf32> to vector<16xf32>
      %parallel_loop3A_414 = vector.shape_cast %parallel_loop3A_409 : vector<16xf32> to vector<1x16xf32>
      tpu.vector_store %arg6[%parallel_loop3A_410, %parallel_loop3A_411], %parallel_loop3A_414 {strides = array<i32>} : memref<256x256xf32, #tpu.memory_space<vmem>>, vector<1x16xf32>,
      %parallel_loop3A_415 = arith.mulf %parallel_loop3A_272, %parallel_loop3A_384 : vector<16xf32>
      %parallel_loop3A_416 = arith.index_cast %parallel_loop3A_234 : i32 to index
      %parallel_loop3A_417 = arith.constant 80 : index
      %parallel_loop3A_418 = tpu.vector_load %arg6[%parallel_loop3A_416, %parallel_loop3A_417] {strides = array<i32>} : memref<256x256xf32, #tpu.memory_space<vmem>>, vector<1x16xf32>,
      %parallel_loop3A_419 = vector.shape_cast %parallel_loop3A_418 : vector<1x16xf32> to vector<16xf32>
      %parallel_loop3A_420 = vector.shape_cast %parallel_loop3A_415 : vector<16xf32> to vector<1x16xf32>
      tpu.vector_store %arg6[%parallel_loop3A_416, %parallel_loop3A_417], %parallel_loop3A_420 {strides = array<i32>} : memref<256x256xf32, #tpu.memory_space<vmem>>, vector<1x16xf32>,
      %parallel_loop3A_421 = arith.mulf %parallel_loop3A_278, %parallel_loop3A_384 : vector<16xf32>
      %parallel_loop3A_422 = arith.index_cast %parallel_loop3A_234 : i32 to index
      %parallel_loop3A_423 = arith.constant 96 : index
      %parallel_loop3A_424 = tpu.vector_load %arg6[%parallel_loop3A_422, %parallel_loop3A_423] {strides = array<i32>} : memref<256x256xf32, #tpu.memory_space<vmem>>, vector<1x16xf32>,
      %parallel_loop3A_425 = vector.shape_cast %parallel_loop3A_424 : vector<1x16xf32> to vector<16xf32>
      %parallel_loop3A_426 = vector.shape_cast %parallel_loop3A_421 : vector<16xf32> to vector<1x16xf32>
      tpu.vector_store %arg6[%parallel_loop3A_422, %parallel_loop3A_423], %parallel_loop3A_426 {strides = array<i32>} : memref<256x256xf32, #tpu.memory_space<vmem>>, vector<1x16xf32>,
      %parallel_loop3A_427 = arith.mulf %parallel_loop3A_284, %parallel_loop3A_384 : vector<16xf32>
      %parallel_loop3A_428 = arith.index_cast %parallel_loop3A_234 : i32 to index
      %parallel_loop3A_429 = arith.constant 112 : index
      %parallel_loop3A_430 = tpu.vector_load %arg6[%parallel_loop3A_428, %parallel_loop3A_429] {strides = array<i32>} : memref<256x256xf32, #tpu.memory_space<vmem>>, vector<1x16xf32>,
      %parallel_loop3A_431 = vector.shape_cast %parallel_loop3A_430 : vector<1x16xf32> to vector<16xf32>
      %parallel_loop3A_432 = vector.shape_cast %parallel_loop3A_427 : vector<16xf32> to vector<1x16xf32>
      tpu.vector_store %arg6[%parallel_loop3A_428, %parallel_loop3A_429], %parallel_loop3A_432 {strides = array<i32>} : memref<256x256xf32, #tpu.memory_space<vmem>>, vector<1x16xf32>,
      %parallel_loop3A_433 = arith.mulf %parallel_loop3A_290, %parallel_loop3A_384 : vector<16xf32>
      %parallel_loop3A_434 = arith.index_cast %parallel_loop3A_234 : i32 to index
      %parallel_loop3A_435 = arith.constant 128 : index
      %parallel_loop3A_436 = tpu.vector_load %arg6[%parallel_loop3A_434, %parallel_loop3A_435] {strides = array<i32>} : memref<256x256xf32, #tpu.memory_space<vmem>>, vector<1x16xf32>,
      %parallel_loop3A_437 = vector.shape_cast %parallel_loop3A_436 : vector<1x16xf32> to vector<16xf32>
      %parallel_loop3A_438 = vector.shape_cast %parallel_loop3A_433 : vector<16xf32> to vector<1x16xf32>
      tpu.vector_store %arg6[%parallel_loop3A_434, %parallel_loop3A_435], %parallel_loop3A_438 {strides = array<i32>} : memref<256x256xf32, #tpu.memory_space<vmem>>, vector<1x16xf32>,
      %parallel_loop3A_439 = arith.mulf %parallel_loop3A_296, %parallel_loop3A_384 : vector<16xf32>
      %parallel_loop3A_440 = arith.index_cast %parallel_loop3A_234 : i32 to index
      %parallel_loop3A_441 = arith.constant 144 : index
      %parallel_loop3A_442 = tpu.vector_load %arg6[%parallel_loop3A_440, %parallel_loop3A_441] {strides = array<i32>} : memref<256x256xf32, #tpu.memory_space<vmem>>, vector<1x16xf32>,
      %parallel_loop3A_443 = vector.shape_cast %parallel_loop3A_442 : vector<1x16xf32> to vector<16xf32>
      %parallel_loop3A_444 = vector.shape_cast %parallel_loop3A_439 : vector<16xf32> to vector<1x16xf32>
      tpu.vector_store %arg6[%parallel_loop3A_440, %parallel_loop3A_441], %parallel_loop3A_444 {strides = array<i32>} : memref<256x256xf32, #tpu.memory_space<vmem>>, vector<1x16xf32>,
      %parallel_loop3A_445 = arith.mulf %parallel_loop3A_302, %parallel_loop3A_384 : vector<16xf32>
      %parallel_loop3A_446 = arith.index_cast %parallel_loop3A_234 : i32 to index
      %parallel_loop3A_447 = arith.constant 160 : index
      %parallel_loop3A_448 = tpu.vector_load %arg6[%parallel_loop3A_446, %parallel_loop3A_447] {strides = array<i32>} : memref<256x256xf32, #tpu.memory_space<vmem>>, vector<1x16xf32>,
      %parallel_loop3A_449 = vector.shape_cast %parallel_loop3A_448 : vector<1x16xf32> to vector<16xf32>
      %parallel_loop3A_450 = vector.shape_cast %parallel_loop3A_445 : vector<16xf32> to vector<1x16xf32>
      tpu.vector_store %arg6[%parallel_loop3A_446, %parallel_loop3A_447], %parallel_loop3A_450 {strides = array<i32>} : memref<256x256xf32, #tpu.memory_space<vmem>>, vector<1x16xf32>,
      %parallel_loop3A_451 = arith.mulf %parallel_loop3A_308, %parallel_loop3A_384 : vector<16xf32>
      %parallel_loop3A_452 = arith.index_cast %parallel_loop3A_234 : i32 to index
      %parallel_loop3A_453 = arith.constant 176 : index
      %parallel_loop3A_454 = tpu.vector_load %arg6[%parallel_loop3A_452, %parallel_loop3A_453] {strides = array<i32>} : memref<256x256xf32, #tpu.memory_space<vmem>>, vector<1x16xf32>,
      %parallel_loop3A_455 = vector.shape_cast %parallel_loop3A_454 : vector<1x16xf32> to vector<16xf32>
      %parallel_loop3A_456 = vector.shape_cast %parallel_loop3A_451 : vector<16xf32> to vector<1x16xf32>
      tpu.vector_store %arg6[%parallel_loop3A_452, %parallel_loop3A_453], %parallel_loop3A_456 {strides = array<i32>} : memref<256x256xf32, #tpu.memory_space<vmem>>, vector<1x16xf32>,
      %parallel_loop3A_457 = arith.mulf %parallel_loop3A_314, %parallel_loop3A_384 : vector<16xf32>
      %parallel_loop3A_458 = arith.index_cast %parallel_loop3A_234 : i32 to index
      %parallel_loop3A_459 = arith.constant 192 : index
      %parallel_loop3A_460 = tpu.vector_load %arg6[%parallel_loop3A_458, %parallel_loop3A_459] {strides = array<i32>} : memref<256x256xf32, #tpu.memory_space<vmem>>, vector<1x16xf32>,
      %parallel_loop3A_461 = vector.shape_cast %parallel_loop3A_460 : vector<1x16xf32> to vector<16xf32>
      %parallel_loop3A_462 = vector.shape_cast %parallel_loop3A_457 : vector<16xf32> to vector<1x16xf32>
      tpu.vector_store %arg6[%parallel_loop3A_458, %parallel_loop3A_459], %parallel_loop3A_462 {strides = array<i32>} : memref<256x256xf32, #tpu.memory_space<vmem>>, vector<1x16xf32>,
      %parallel_loop3A_463 = arith.mulf %parallel_loop3A_320, %parallel_loop3A_384 : vector<16xf32>
      %parallel_loop3A_464 = arith.index_cast %parallel_loop3A_234 : i32 to index
      %parallel_loop3A_465 = arith.constant 208 : index
      %parallel_loop3A_466 = tpu.vector_load %arg6[%parallel_loop3A_464, %parallel_loop3A_465] {strides = array<i32>} : memref<256x256xf32, #tpu.memory_space<vmem>>, vector<1x16xf32>,
      %parallel_loop3A_467 = vector.shape_cast %parallel_loop3A_466 : vector<1x16xf32> to vector<16xf32>
      %parallel_loop3A_468 = vector.shape_cast %parallel_loop3A_463 : vector<16xf32> to vector<1x16xf32>
      tpu.vector_store %arg6[%parallel_loop3A_464, %parallel_loop3A_465], %parallel_loop3A_468 {strides = array<i32>} : memref<256x256xf32, #tpu.memory_space<vmem>>, vector<1x16xf32>,
      %parallel_loop3A_469 = arith.mulf %parallel_loop3A_326, %parallel_loop3A_384 : vector<16xf32>
      %parallel_loop3A_470 = arith.index_cast %parallel_loop3A_234 : i32 to index
      %parallel_loop3A_471 = arith.constant 224 : index
      %parallel_loop3A_472 = tpu.vector_load %arg6[%parallel_loop3A_470, %parallel_loop3A_471] {strides = array<i32>} : memref<256x256xf32, #tpu.memory_space<vmem>>, vector<1x16xf32>,
      %parallel_loop3A_473 = vector.shape_cast %parallel_loop3A_472 : vector<1x16xf32> to vector<16xf32>
      %parallel_loop3A_474 = vector.shape_cast %parallel_loop3A_469 : vector<16xf32> to vector<1x16xf32>
      tpu.vector_store %arg6[%parallel_loop3A_470, %parallel_loop3A_471], %parallel_loop3A_474 {strides = array<i32>} : memref<256x256xf32, #tpu.memory_space<vmem>>, vector<1x16xf32>,
      %parallel_loop3A_475 = arith.mulf %parallel_loop3A_332, %parallel_loop3A_384 : vector<16xf32>
      %parallel_loop3A_476 = arith.index_cast %parallel_loop3A_234 : i32 to index
      %parallel_loop3A_477 = arith.constant 240 : index
      %parallel_loop3A_478 = tpu.vector_load %arg6[%parallel_loop3A_476, %parallel_loop3A_477] {strides = array<i32>} : memref<256x256xf32, #tpu.memory_space<vmem>>, vector<1x16xf32>,
      %parallel_loop3A_479 = vector.shape_cast %parallel_loop3A_478 : vector<1x16xf32> to vector<16xf32>
      %parallel_loop3A_480 = vector.shape_cast %parallel_loop3A_475 : vector<16xf32> to vector<1x16xf32>
      tpu.vector_store %arg6[%parallel_loop3A_476, %parallel_loop3A_477], %parallel_loop3A_480 {strides = array<i32>} : memref<256x256xf32, #tpu.memory_space<vmem>>, vector<1x16xf32>,
    } {sc.loop_unroll_factor = 2 : i64, sc.parallel_access}
    %add3A_144 = arith.constant 128 : i32
    %add3A_145 = arith.addi %mul3A_32, %add3A_144 : i32
    %dma_start3A_146 = arith.constant 128 : i32
    %dma_start3A_147 = arith.constant 0 : i32
    %dma_start3A_148 = tpu.memref_slice %arg6[%dma_start3A_146, %dma_start3A_147] : memref<256x256xf32, #tpu.memory_space<vmem>> -> memref<64x256xf32, #tpu.memory_space<vmem>>
    %dma_start3A_149 = arith.constant 0 : i32
    %dma_start3A_150 = tpu.memref_slice %arg4[%select_n3A, %add3A_145, %dma_start3A_149] : memref<8x1024x256xf32, #tpu.memory_space<hbm>> -> memref<1x64x256xf32, #tpu.memory_space<hbm>>
    %dma_start3A_151 = tpu.memref_squeeze %dma_start3A_150 : memref<1x64x256xf32, #tpu.memory_space<hbm>> -> memref<64x256xf32, #tpu.memory_space<hbm>>
    %dma_start3A_152 = arith.constant 0 : i32
    %dma_start3A_153 = tpu.memref_slice %arg4[%select_n3A, %add3A_145, %dma_start3A_152] : memref<8x1024x256xf32, #tpu.memory_space<hbm>> -> memref<1x64x256xf32, #tpu.memory_space<hbm>>
    %dma_start3A_154 = tpu.memref_squeeze %dma_start3A_153 : memref<1x64x256xf32, #tpu.memory_space<hbm>> -> memref<64x256xf32, #tpu.memory_space<hbm>>
    %dma_start3A_155 = arith.constant 128 : i32
    %dma_start3A_156 = arith.constant 0 : i32
    %dma_start3A_157 = tpu.memref_slice %arg6[%dma_start3A_155, %dma_start3A_156] : memref<256x256xf32, #tpu.memory_space<vmem>> -> memref<64x256xf32, #tpu.memory_space<vmem>>
    tpu.enqueue_dma source(%dma_start3A_157 : memref<64x256xf32, #tpu.memory_space<vmem>>) target(%dma_start3A_154 : memref<64x256xf32, #tpu.memory_space<hbm>>) target_semaphore(%arg8 : memref<!tpu.dma_semaphore, #tpu.memory_space<semaphore_mem>>)
    %dma_wait3A_158 = arith.constant 3 : i32
    %dma_wait3A_159 = arith.constant 192 : i32
    %dma_wait3A_160 = arith.constant 0 : i32
    %dma_wait3A_161 = tpu.memref_slice %arg6[%dma_wait3A_159, %dma_wait3A_160] : memref<256x256xf32, #tpu.memory_space<vmem>> -> memref<64x256xf32, #tpu.memory_space<vmem>>
    %dma_wait3A_162 = arith.constant 192 : i32
    %dma_wait3A_163 = tpu.memref_slice %arg5[%dma_wait3A_162] : memref<256xi32, #tpu.memory_space<vmem>> -> memref<64xi32, #tpu.memory_space<vmem>>
    %dma_wait3A_164 = arith.constant 0 : i32
    %dma_wait3A_165 = arith.constant 0 : i32
    %dma_wait3A_166 = tpu.memref_slice %arg3[%dma_wait3A_164, %dma_wait3A_165] : memref<8192x256xf32, #tpu.memory_space<hbm>> -> memref<8192x256xf32, #tpu.memory_space<hbm>>
    %dma_wait3A_167 = tpu.memref_slice %arg7[%dma_wait3A_158] : memref<4x!tpu.dma_semaphore, #tpu.memory_space<semaphore_mem>> -> memref<1x!tpu.dma_semaphore, #tpu.memory_space<semaphore_mem>>
    %dma_wait3A_168 = tpu.memref_squeeze %dma_wait3A_167 : memref<1x!tpu.dma_semaphore, #tpu.memory_space<semaphore_mem>> -> memref<!tpu.dma_semaphore, #tpu.memory_space<semaphore_mem>>
    tpu.wait_indirect_dma semaphore(%dma_wait3A_168 : memref<!tpu.dma_semaphore, #tpu.memory_space<semaphore_mem>>) src(%dma_wait3A_166 : memref<8192x256xf32, #tpu.memory_space<hbm>>) dst(%dma_wait3A_161 : memref<64x256xf32, #tpu.memory_space<vmem>>)
    %parallel_loop3A_169 = arith.constant 192 : i32
    %parallel_loop3A_170 = arith.constant 256 : i32
    %parallel_loop3A_171 = arith.constant 1 : i32
    scf.for %parallel_loop3A_234 = %parallel_loop3A_169 to %parallel_loop3A_170 step %parallel_loop3A_171  : i32 {
      %parallel_loop3A_235 = arith.constant 0.000000e+00 : f32
      %parallel_loop3A_236 = vector.broadcast %parallel_loop3A_235 : f32 to vector<16xf32>
      %parallel_loop3A_237 = arith.constant 0.000000e+00 : f32
      %parallel_loop3A_238 = vector.broadcast %parallel_loop3A_237 : f32 to vector<16xf32>
      %parallel_loop3A_239 = arith.index_cast %parallel_loop3A_234 : i32 to index
      %parallel_loop3A_240 = arith.constant 0 : index
      %parallel_loop3A_241 = tpu.vector_load %arg6[%parallel_loop3A_239, %parallel_loop3A_240] {strides = array<i32>} : memref<256x256xf32, #tpu.memory_space<vmem>>, vector<1x16xf32>,
      %parallel_loop3A_242 = vector.shape_cast %parallel_loop3A_241 : vector<1x16xf32> to vector<16xf32>
      %parallel_loop3A_243 = arith.mulf %parallel_loop3A_242, %parallel_loop3A_242 : vector<16xf32>
      %parallel_loop3A_244 = arith.addf %parallel_loop3A_236, %parallel_loop3A_243 : vector<16xf32>
      %parallel_loop3A_245 = arith.index_cast %parallel_loop3A_234 : i32 to index
      %parallel_loop3A_246 = arith.constant 16 : index
      %parallel_loop3A_247 = tpu.vector_load %arg6[%parallel_loop3A_245, %parallel_loop3A_246] {strides = array<i32>} : memref<256x256xf32, #tpu.memory_space<vmem>>, vector<1x16xf32>,
      %parallel_loop3A_248 = vector.shape_cast %parallel_loop3A_247 : vector<1x16xf32> to vector<16xf32>
      %parallel_loop3A_249 = arith.mulf %parallel_loop3A_248, %parallel_loop3A_248 : vector<16xf32>
      %parallel_loop3A_250 = arith.addf %parallel_loop3A_238, %parallel_loop3A_249 : vector<16xf32>
      %parallel_loop3A_251 = arith.index_cast %parallel_loop3A_234 : i32 to index
      %parallel_loop3A_252 = arith.constant 32 : index
      %parallel_loop3A_253 = tpu.vector_load %arg6[%parallel_loop3A_251, %parallel_loop3A_252] {strides = array<i32>} : memref<256x256xf32, #tpu.memory_space<vmem>>, vector<1x16xf32>,
      %parallel_loop3A_254 = vector.shape_cast %parallel_loop3A_253 : vector<1x16xf32> to vector<16xf32>
      %parallel_loop3A_255 = arith.mulf %parallel_loop3A_254, %parallel_loop3A_254 : vector<16xf32>
      %parallel_loop3A_256 = arith.addf %parallel_loop3A_244, %parallel_loop3A_255 : vector<16xf32>
      %parallel_loop3A_257 = arith.index_cast %parallel_loop3A_234 : i32 to index
      %parallel_loop3A_258 = arith.constant 48 : index
      %parallel_loop3A_259 = tpu.vector_load %arg6[%parallel_loop3A_257, %parallel_loop3A_258] {strides = array<i32>} : memref<256x256xf32, #tpu.memory_space<vmem>>, vector<1x16xf32>,
      %parallel_loop3A_260 = vector.shape_cast %parallel_loop3A_259 : vector<1x16xf32> to vector<16xf32>
      %parallel_loop3A_261 = arith.mulf %parallel_loop3A_260, %parallel_loop3A_260 : vector<16xf32>
      %parallel_loop3A_262 = arith.addf %parallel_loop3A_250, %parallel_loop3A_261 : vector<16xf32>
      %parallel_loop3A_263 = arith.index_cast %parallel_loop3A_234 : i32 to index
      %parallel_loop3A_264 = arith.constant 64 : index
      %parallel_loop3A_265 = tpu.vector_load %arg6[%parallel_loop3A_263, %parallel_loop3A_264] {strides = array<i32>} : memref<256x256xf32, #tpu.memory_space<vmem>>, vector<1x16xf32>,
      %parallel_loop3A_266 = vector.shape_cast %parallel_loop3A_265 : vector<1x16xf32> to vector<16xf32>
      %parallel_loop3A_267 = arith.mulf %parallel_loop3A_266, %parallel_loop3A_266 : vector<16xf32>
      %parallel_loop3A_268 = arith.addf %parallel_loop3A_256, %parallel_loop3A_267 : vector<16xf32>
      %parallel_loop3A_269 = arith.index_cast %parallel_loop3A_234 : i32 to index
      %parallel_loop3A_270 = arith.constant 80 : index
      %parallel_loop3A_271 = tpu.vector_load %arg6[%parallel_loop3A_269, %parallel_loop3A_270] {strides = array<i32>} : memref<256x256xf32, #tpu.memory_space<vmem>>, vector<1x16xf32>,
      %parallel_loop3A_272 = vector.shape_cast %parallel_loop3A_271 : vector<1x16xf32> to vector<16xf32>
      %parallel_loop3A_273 = arith.mulf %parallel_loop3A_272, %parallel_loop3A_272 : vector<16xf32>
      %parallel_loop3A_274 = arith.addf %parallel_loop3A_262, %parallel_loop3A_273 : vector<16xf32>
      %parallel_loop3A_275 = arith.index_cast %parallel_loop3A_234 : i32 to index
      %parallel_loop3A_276 = arith.constant 96 : index
      %parallel_loop3A_277 = tpu.vector_load %arg6[%parallel_loop3A_275, %parallel_loop3A_276] {strides = array<i32>} : memref<256x256xf32, #tpu.memory_space<vmem>>, vector<1x16xf32>,
      %parallel_loop3A_278 = vector.shape_cast %parallel_loop3A_277 : vector<1x16xf32> to vector<16xf32>
      %parallel_loop3A_279 = arith.mulf %parallel_loop3A_278, %parallel_loop3A_278 : vector<16xf32>
      %parallel_loop3A_280 = arith.addf %parallel_loop3A_268, %parallel_loop3A_279 : vector<16xf32>
      %parallel_loop3A_281 = arith.index_cast %parallel_loop3A_234 : i32 to index
      %parallel_loop3A_282 = arith.constant 112 : index
      %parallel_loop3A_283 = tpu.vector_load %arg6[%parallel_loop3A_281, %parallel_loop3A_282] {strides = array<i32>} : memref<256x256xf32, #tpu.memory_space<vmem>>, vector<1x16xf32>,
      %parallel_loop3A_284 = vector.shape_cast %parallel_loop3A_283 : vector<1x16xf32> to vector<16xf32>
      %parallel_loop3A_285 = arith.mulf %parallel_loop3A_284, %parallel_loop3A_284 : vector<16xf32>
      %parallel_loop3A_286 = arith.addf %parallel_loop3A_274, %parallel_loop3A_285 : vector<16xf32>
      %parallel_loop3A_287 = arith.index_cast %parallel_loop3A_234 : i32 to index
      %parallel_loop3A_288 = arith.constant 128 : index
      %parallel_loop3A_289 = tpu.vector_load %arg6[%parallel_loop3A_287, %parallel_loop3A_288] {strides = array<i32>} : memref<256x256xf32, #tpu.memory_space<vmem>>, vector<1x16xf32>,
      %parallel_loop3A_290 = vector.shape_cast %parallel_loop3A_289 : vector<1x16xf32> to vector<16xf32>
      %parallel_loop3A_291 = arith.mulf %parallel_loop3A_290, %parallel_loop3A_290 : vector<16xf32>
      %parallel_loop3A_292 = arith.addf %parallel_loop3A_280, %parallel_loop3A_291 : vector<16xf32>
      %parallel_loop3A_293 = arith.index_cast %parallel_loop3A_234 : i32 to index
      %parallel_loop3A_294 = arith.constant 144 : index
      %parallel_loop3A_295 = tpu.vector_load %arg6[%parallel_loop3A_293, %parallel_loop3A_294] {strides = array<i32>} : memref<256x256xf32, #tpu.memory_space<vmem>>, vector<1x16xf32>,
      %parallel_loop3A_296 = vector.shape_cast %parallel_loop3A_295 : vector<1x16xf32> to vector<16xf32>
      %parallel_loop3A_297 = arith.mulf %parallel_loop3A_296, %parallel_loop3A_296 : vector<16xf32>
      %parallel_loop3A_298 = arith.addf %parallel_loop3A_286, %parallel_loop3A_297 : vector<16xf32>
      %parallel_loop3A_299 = arith.index_cast %parallel_loop3A_234 : i32 to index
      %parallel_loop3A_300 = arith.constant 160 : index
      %parallel_loop3A_301 = tpu.vector_load %arg6[%parallel_loop3A_299, %parallel_loop3A_300] {strides = array<i32>} : memref<256x256xf32, #tpu.memory_space<vmem>>, vector<1x16xf32>,
      %parallel_loop3A_302 = vector.shape_cast %parallel_loop3A_301 : vector<1x16xf32> to vector<16xf32>
      %parallel_loop3A_303 = arith.mulf %parallel_loop3A_302, %parallel_loop3A_302 : vector<16xf32>
      %parallel_loop3A_304 = arith.addf %parallel_loop3A_292, %parallel_loop3A_303 : vector<16xf32>
      %parallel_loop3A_305 = arith.index_cast %parallel_loop3A_234 : i32 to index
      %parallel_loop3A_306 = arith.constant 176 : index
      %parallel_loop3A_307 = tpu.vector_load %arg6[%parallel_loop3A_305, %parallel_loop3A_306] {strides = array<i32>} : memref<256x256xf32, #tpu.memory_space<vmem>>, vector<1x16xf32>,
      %parallel_loop3A_308 = vector.shape_cast %parallel_loop3A_307 : vector<1x16xf32> to vector<16xf32>
      %parallel_loop3A_309 = arith.mulf %parallel_loop3A_308, %parallel_loop3A_308 : vector<16xf32>
      %parallel_loop3A_310 = arith.addf %parallel_loop3A_298, %parallel_loop3A_309 : vector<16xf32>
      %parallel_loop3A_311 = arith.index_cast %parallel_loop3A_234 : i32 to index
      %parallel_loop3A_312 = arith.constant 192 : index
      %parallel_loop3A_313 = tpu.vector_load %arg6[%parallel_loop3A_311, %parallel_loop3A_312] {strides = array<i32>} : memref<256x256xf32, #tpu.memory_space<vmem>>, vector<1x16xf32>,
      %parallel_loop3A_314 = vector.shape_cast %parallel_loop3A_313 : vector<1x16xf32> to vector<16xf32>
      %parallel_loop3A_315 = arith.mulf %parallel_loop3A_314, %parallel_loop3A_314 : vector<16xf32>
      %parallel_loop3A_316 = arith.addf %parallel_loop3A_304, %parallel_loop3A_315 : vector<16xf32>
      %parallel_loop3A_317 = arith.index_cast %parallel_loop3A_234 : i32 to index
      %parallel_loop3A_318 = arith.constant 208 : index
      %parallel_loop3A_319 = tpu.vector_load %arg6[%parallel_loop3A_317, %parallel_loop3A_318] {strides = array<i32>} : memref<256x256xf32, #tpu.memory_space<vmem>>, vector<1x16xf32>,
      %parallel_loop3A_320 = vector.shape_cast %parallel_loop3A_319 : vector<1x16xf32> to vector<16xf32>
      %parallel_loop3A_321 = arith.mulf %parallel_loop3A_320, %parallel_loop3A_320 : vector<16xf32>
      %parallel_loop3A_322 = arith.addf %parallel_loop3A_310, %parallel_loop3A_321 : vector<16xf32>
      %parallel_loop3A_323 = arith.index_cast %parallel_loop3A_234 : i32 to index
      %parallel_loop3A_324 = arith.constant 224 : index
      %parallel_loop3A_325 = tpu.vector_load %arg6[%parallel_loop3A_323, %parallel_loop3A_324] {strides = array<i32>} : memref<256x256xf32, #tpu.memory_space<vmem>>, vector<1x16xf32>,
      %parallel_loop3A_326 = vector.shape_cast %parallel_loop3A_325 : vector<1x16xf32> to vector<16xf32>
      %parallel_loop3A_327 = arith.mulf %parallel_loop3A_326, %parallel_loop3A_326 : vector<16xf32>
      %parallel_loop3A_328 = arith.addf %parallel_loop3A_316, %parallel_loop3A_327 : vector<16xf32>
      %parallel_loop3A_329 = arith.index_cast %parallel_loop3A_234 : i32 to index
      %parallel_loop3A_330 = arith.constant 240 : index
      %parallel_loop3A_331 = tpu.vector_load %arg6[%parallel_loop3A_329, %parallel_loop3A_330] {strides = array<i32>} : memref<256x256xf32, #tpu.memory_space<vmem>>, vector<1x16xf32>,
      %parallel_loop3A_332 = vector.shape_cast %parallel_loop3A_331 : vector<1x16xf32> to vector<16xf32>
      %parallel_loop3A_333 = arith.mulf %parallel_loop3A_332, %parallel_loop3A_332 : vector<16xf32>
      %parallel_loop3A_334 = arith.addf %parallel_loop3A_322, %parallel_loop3A_333 : vector<16xf32>
      %parallel_loop3A_335 = arith.addf %parallel_loop3A_328, %parallel_loop3A_334 : vector<16xf32>
      %parallel_loop3A_336 = tpu.iota {dimensions = array<i32: 0>} : vector<16xi32>
      %parallel_loop3A_337 = arith.constant 8 : i32
      %parallel_loop3A_338 = vector.broadcast %parallel_loop3A_337 : i32 to vector<16xi32>
      %parallel_loop3A_339 = arith.xori %parallel_loop3A_336, %parallel_loop3A_338 : vector<16xi32>
      %parallel_loop3A_340 = vector.shape_cast %parallel_loop3A_339 : vector<16xi32> to vector<16x1xi32>
      %parallel_loop3A_341 = vector.shape_cast %parallel_loop3A_340 : vector<16x1xi32> to vector<16xi32>
      %parallel_loop3A_342 = tpu.dynamic_gather %parallel_loop3A_335[%parallel_loop3A_341] in [0] : vector<16xf32>, vector<16xi32> -> vector<16xf32>
      %parallel_loop3A_343 = arith.addf %parallel_loop3A_335, %parallel_loop3A_342 : vector<16xf32>
      %parallel_loop3A_344 = arith.constant 4 : i32
      %parallel_loop3A_345 = vector.broadcast %parallel_loop3A_344 : i32 to vector<16xi32>
      %parallel_loop3A_346 = arith.xori %parallel_loop3A_336, %parallel_loop3A_345 : vector<16xi32>
      %parallel_loop3A_347 = vector.shape_cast %parallel_loop3A_346 : vector<16xi32> to vector<16x1xi32>
      %parallel_loop3A_348 = vector.shape_cast %parallel_loop3A_347 : vector<16x1xi32> to vector<16xi32>
      %parallel_loop3A_349 = tpu.dynamic_gather %parallel_loop3A_343[%parallel_loop3A_348] in [0] : vector<16xf32>, vector<16xi32> -> vector<16xf32>
      %parallel_loop3A_350 = arith.addf %parallel_loop3A_343, %parallel_loop3A_349 : vector<16xf32>
      %parallel_loop3A_351 = arith.constant 2 : i32
      %parallel_loop3A_352 = vector.broadcast %parallel_loop3A_351 : i32 to vector<16xi32>
      %parallel_loop3A_353 = arith.xori %parallel_loop3A_336, %parallel_loop3A_352 : vector<16xi32>
      %parallel_loop3A_354 = vector.shape_cast %parallel_loop3A_353 : vector<16xi32> to vector<16x1xi32>
      %parallel_loop3A_355 = vector.shape_cast %parallel_loop3A_354 : vector<16x1xi32> to vector<16xi32>
      %parallel_loop3A_356 = tpu.dynamic_gather %parallel_loop3A_350[%parallel_loop3A_355] in [0] : vector<16xf32>, vector<16xi32> -> vector<16xf32>
      %parallel_loop3A_357 = arith.addf %parallel_loop3A_350, %parallel_loop3A_356 : vector<16xf32>
      %parallel_loop3A_358 = arith.constant 1 : i32
      %parallel_loop3A_359 = vector.broadcast %parallel_loop3A_358 : i32 to vector<16xi32>
      %parallel_loop3A_360 = arith.xori %parallel_loop3A_336, %parallel_loop3A_359 : vector<16xi32>
      %parallel_loop3A_361 = vector.shape_cast %parallel_loop3A_360 : vector<16xi32> to vector<16x1xi32>
      %parallel_loop3A_362 = vector.shape_cast %parallel_loop3A_361 : vector<16x1xi32> to vector<16xi32>
      %parallel_loop3A_363 = tpu.dynamic_gather %parallel_loop3A_357[%parallel_loop3A_362] in [0] : vector<16xf32>, vector<16xi32> -> vector<16xf32>
      %parallel_loop3A_364 = arith.addf %parallel_loop3A_357, %parallel_loop3A_363 : vector<16xf32>
      %parallel_loop3A_365 = arith.constant 1.000000e-24 : f32
      %parallel_loop3A_366 = vector.broadcast %parallel_loop3A_365 : f32 to vector<16xf32>
      %parallel_loop3A_367 = arith.maximumf %parallel_loop3A_364, %parallel_loop3A_366 : vector<16xf32>
      %parallel_loop3A_368 = tpu.bitcast %parallel_loop3A_367 : vector<16xf32> -> vector<16xi32>
      %parallel_loop3A_369 = arith.constant 1 : i32
      %parallel_loop3A_370 = vector.broadcast %parallel_loop3A_369 : i32 to vector<16xi32>
      %parallel_loop3A_371 = arith.shrsi %parallel_loop3A_368, %parallel_loop3A_370 : vector<16xi32>
      %parallel_loop3A_372 = arith.constant 1597463007 : i32
      %parallel_loop3A_373 = vector.broadcast %parallel_loop3A_372 : i32 to vector<16xi32>
      %parallel_loop3A_374 = arith.subi %parallel_loop3A_373, %parallel_loop3A_371 : vector<16xi32>
      %parallel_loop3A_375 = tpu.bitcast %parallel_loop3A_374 : vector<16xi32> -> vector<16xf32>
      %parallel_loop3A_376 = arith.constant 5.000000e-01 : f32
      %parallel_loop3A_377 = vector.broadcast %parallel_loop3A_376 : f32 to vector<16xf32>
      %parallel_loop3A_378 = arith.mulf %parallel_loop3A_377, %parallel_loop3A_367 : vector<16xf32>
      %parallel_loop3A_379 = arith.mulf %parallel_loop3A_378, %parallel_loop3A_375 : vector<16xf32>
      %parallel_loop3A_380 = arith.mulf %parallel_loop3A_379, %parallel_loop3A_375 : vector<16xf32>
      %parallel_loop3A_381 = arith.constant 1.500000e+00 : f32
      %parallel_loop3A_382 = vector.broadcast %parallel_loop3A_381 : f32 to vector<16xf32>
      %parallel_loop3A_383 = arith.subf %parallel_loop3A_382, %parallel_loop3A_380 : vector<16xf32>
      %parallel_loop3A_384 = arith.mulf %parallel_loop3A_375, %parallel_loop3A_383 : vector<16xf32>
      %parallel_loop3A_385 = arith.mulf %parallel_loop3A_242, %parallel_loop3A_384 : vector<16xf32>
      %parallel_loop3A_386 = arith.index_cast %parallel_loop3A_234 : i32 to index
      %parallel_loop3A_387 = arith.constant 0 : index
      %parallel_loop3A_388 = tpu.vector_load %arg6[%parallel_loop3A_386, %parallel_loop3A_387] {strides = array<i32>} : memref<256x256xf32, #tpu.memory_space<vmem>>, vector<1x16xf32>,
      %parallel_loop3A_389 = vector.shape_cast %parallel_loop3A_388 : vector<1x16xf32> to vector<16xf32>
      %parallel_loop3A_390 = vector.shape_cast %parallel_loop3A_385 : vector<16xf32> to vector<1x16xf32>
      tpu.vector_store %arg6[%parallel_loop3A_386, %parallel_loop3A_387], %parallel_loop3A_390 {strides = array<i32>} : memref<256x256xf32, #tpu.memory_space<vmem>>, vector<1x16xf32>,
      %parallel_loop3A_391 = arith.mulf %parallel_loop3A_248, %parallel_loop3A_384 : vector<16xf32>
      %parallel_loop3A_392 = arith.index_cast %parallel_loop3A_234 : i32 to index
      %parallel_loop3A_393 = arith.constant 16 : index
      %parallel_loop3A_394 = tpu.vector_load %arg6[%parallel_loop3A_392, %parallel_loop3A_393] {strides = array<i32>} : memref<256x256xf32, #tpu.memory_space<vmem>>, vector<1x16xf32>,
      %parallel_loop3A_395 = vector.shape_cast %parallel_loop3A_394 : vector<1x16xf32> to vector<16xf32>
      %parallel_loop3A_396 = vector.shape_cast %parallel_loop3A_391 : vector<16xf32> to vector<1x16xf32>
      tpu.vector_store %arg6[%parallel_loop3A_392, %parallel_loop3A_393], %parallel_loop3A_396 {strides = array<i32>} : memref<256x256xf32, #tpu.memory_space<vmem>>, vector<1x16xf32>,
      %parallel_loop3A_397 = arith.mulf %parallel_loop3A_254, %parallel_loop3A_384 : vector<16xf32>
      %parallel_loop3A_398 = arith.index_cast %parallel_loop3A_234 : i32 to index
      %parallel_loop3A_399 = arith.constant 32 : index
      %parallel_loop3A_400 = tpu.vector_load %arg6[%parallel_loop3A_398, %parallel_loop3A_399] {strides = array<i32>} : memref<256x256xf32, #tpu.memory_space<vmem>>, vector<1x16xf32>,
      %parallel_loop3A_401 = vector.shape_cast %parallel_loop3A_400 : vector<1x16xf32> to vector<16xf32>
      %parallel_loop3A_402 = vector.shape_cast %parallel_loop3A_397 : vector<16xf32> to vector<1x16xf32>
      tpu.vector_store %arg6[%parallel_loop3A_398, %parallel_loop3A_399], %parallel_loop3A_402 {strides = array<i32>} : memref<256x256xf32, #tpu.memory_space<vmem>>, vector<1x16xf32>,
      %parallel_loop3A_403 = arith.mulf %parallel_loop3A_260, %parallel_loop3A_384 : vector<16xf32>
      %parallel_loop3A_404 = arith.index_cast %parallel_loop3A_234 : i32 to index
      %parallel_loop3A_405 = arith.constant 48 : index
      %parallel_loop3A_406 = tpu.vector_load %arg6[%parallel_loop3A_404, %parallel_loop3A_405] {strides = array<i32>} : memref<256x256xf32, #tpu.memory_space<vmem>>, vector<1x16xf32>,
      %parallel_loop3A_407 = vector.shape_cast %parallel_loop3A_406 : vector<1x16xf32> to vector<16xf32>
      %parallel_loop3A_408 = vector.shape_cast %parallel_loop3A_403 : vector<16xf32> to vector<1x16xf32>
      tpu.vector_store %arg6[%parallel_loop3A_404, %parallel_loop3A_405], %parallel_loop3A_408 {strides = array<i32>} : memref<256x256xf32, #tpu.memory_space<vmem>>, vector<1x16xf32>,
      %parallel_loop3A_409 = arith.mulf %parallel_loop3A_266, %parallel_loop3A_384 : vector<16xf32>
      %parallel_loop3A_410 = arith.index_cast %parallel_loop3A_234 : i32 to index
      %parallel_loop3A_411 = arith.constant 64 : index
      %parallel_loop3A_412 = tpu.vector_load %arg6[%parallel_loop3A_410, %parallel_loop3A_411] {strides = array<i32>} : memref<256x256xf32, #tpu.memory_space<vmem>>, vector<1x16xf32>,
      %parallel_loop3A_413 = vector.shape_cast %parallel_loop3A_412 : vector<1x16xf32> to vector<16xf32>
      %parallel_loop3A_414 = vector.shape_cast %parallel_loop3A_409 : vector<16xf32> to vector<1x16xf32>
      tpu.vector_store %arg6[%parallel_loop3A_410, %parallel_loop3A_411], %parallel_loop3A_414 {strides = array<i32>} : memref<256x256xf32, #tpu.memory_space<vmem>>, vector<1x16xf32>,
      %parallel_loop3A_415 = arith.mulf %parallel_loop3A_272, %parallel_loop3A_384 : vector<16xf32>
      %parallel_loop3A_416 = arith.index_cast %parallel_loop3A_234 : i32 to index
      %parallel_loop3A_417 = arith.constant 80 : index
      %parallel_loop3A_418 = tpu.vector_load %arg6[%parallel_loop3A_416, %parallel_loop3A_417] {strides = array<i32>} : memref<256x256xf32, #tpu.memory_space<vmem>>, vector<1x16xf32>,
      %parallel_loop3A_419 = vector.shape_cast %parallel_loop3A_418 : vector<1x16xf32> to vector<16xf32>
      %parallel_loop3A_420 = vector.shape_cast %parallel_loop3A_415 : vector<16xf32> to vector<1x16xf32>
      tpu.vector_store %arg6[%parallel_loop3A_416, %parallel_loop3A_417], %parallel_loop3A_420 {strides = array<i32>} : memref<256x256xf32, #tpu.memory_space<vmem>>, vector<1x16xf32>,
      %parallel_loop3A_421 = arith.mulf %parallel_loop3A_278, %parallel_loop3A_384 : vector<16xf32>
      %parallel_loop3A_422 = arith.index_cast %parallel_loop3A_234 : i32 to index
      %parallel_loop3A_423 = arith.constant 96 : index
      %parallel_loop3A_424 = tpu.vector_load %arg6[%parallel_loop3A_422, %parallel_loop3A_423] {strides = array<i32>} : memref<256x256xf32, #tpu.memory_space<vmem>>, vector<1x16xf32>,
      %parallel_loop3A_425 = vector.shape_cast %parallel_loop3A_424 : vector<1x16xf32> to vector<16xf32>
      %parallel_loop3A_426 = vector.shape_cast %parallel_loop3A_421 : vector<16xf32> to vector<1x16xf32>
      tpu.vector_store %arg6[%parallel_loop3A_422, %parallel_loop3A_423], %parallel_loop3A_426 {strides = array<i32>} : memref<256x256xf32, #tpu.memory_space<vmem>>, vector<1x16xf32>,
      %parallel_loop3A_427 = arith.mulf %parallel_loop3A_284, %parallel_loop3A_384 : vector<16xf32>
      %parallel_loop3A_428 = arith.index_cast %parallel_loop3A_234 : i32 to index
      %parallel_loop3A_429 = arith.constant 112 : index
      %parallel_loop3A_430 = tpu.vector_load %arg6[%parallel_loop3A_428, %parallel_loop3A_429] {strides = array<i32>} : memref<256x256xf32, #tpu.memory_space<vmem>>, vector<1x16xf32>,
      %parallel_loop3A_431 = vector.shape_cast %parallel_loop3A_430 : vector<1x16xf32> to vector<16xf32>
      %parallel_loop3A_432 = vector.shape_cast %parallel_loop3A_427 : vector<16xf32> to vector<1x16xf32>
      tpu.vector_store %arg6[%parallel_loop3A_428, %parallel_loop3A_429], %parallel_loop3A_432 {strides = array<i32>} : memref<256x256xf32, #tpu.memory_space<vmem>>, vector<1x16xf32>,
      %parallel_loop3A_433 = arith.mulf %parallel_loop3A_290, %parallel_loop3A_384 : vector<16xf32>
      %parallel_loop3A_434 = arith.index_cast %parallel_loop3A_234 : i32 to index
      %parallel_loop3A_435 = arith.constant 128 : index
      %parallel_loop3A_436 = tpu.vector_load %arg6[%parallel_loop3A_434, %parallel_loop3A_435] {strides = array<i32>} : memref<256x256xf32, #tpu.memory_space<vmem>>, vector<1x16xf32>,
      %parallel_loop3A_437 = vector.shape_cast %parallel_loop3A_436 : vector<1x16xf32> to vector<16xf32>
      %parallel_loop3A_438 = vector.shape_cast %parallel_loop3A_433 : vector<16xf32> to vector<1x16xf32>
      tpu.vector_store %arg6[%parallel_loop3A_434, %parallel_loop3A_435], %parallel_loop3A_438 {strides = array<i32>} : memref<256x256xf32, #tpu.memory_space<vmem>>, vector<1x16xf32>,
      %parallel_loop3A_439 = arith.mulf %parallel_loop3A_296, %parallel_loop3A_384 : vector<16xf32>
      %parallel_loop3A_440 = arith.index_cast %parallel_loop3A_234 : i32 to index
      %parallel_loop3A_441 = arith.constant 144 : index
      %parallel_loop3A_442 = tpu.vector_load %arg6[%parallel_loop3A_440, %parallel_loop3A_441] {strides = array<i32>} : memref<256x256xf32, #tpu.memory_space<vmem>>, vector<1x16xf32>,
      %parallel_loop3A_443 = vector.shape_cast %parallel_loop3A_442 : vector<1x16xf32> to vector<16xf32>
      %parallel_loop3A_444 = vector.shape_cast %parallel_loop3A_439 : vector<16xf32> to vector<1x16xf32>
      tpu.vector_store %arg6[%parallel_loop3A_440, %parallel_loop3A_441], %parallel_loop3A_444 {strides = array<i32>} : memref<256x256xf32, #tpu.memory_space<vmem>>, vector<1x16xf32>,
      %parallel_loop3A_445 = arith.mulf %parallel_loop3A_302, %parallel_loop3A_384 : vector<16xf32>
      %parallel_loop3A_446 = arith.index_cast %parallel_loop3A_234 : i32 to index
      %parallel_loop3A_447 = arith.constant 160 : index
      %parallel_loop3A_448 = tpu.vector_load %arg6[%parallel_loop3A_446, %parallel_loop3A_447] {strides = array<i32>} : memref<256x256xf32, #tpu.memory_space<vmem>>, vector<1x16xf32>,
      %parallel_loop3A_449 = vector.shape_cast %parallel_loop3A_448 : vector<1x16xf32> to vector<16xf32>
      %parallel_loop3A_450 = vector.shape_cast %parallel_loop3A_445 : vector<16xf32> to vector<1x16xf32>
      tpu.vector_store %arg6[%parallel_loop3A_446, %parallel_loop3A_447], %parallel_loop3A_450 {strides = array<i32>} : memref<256x256xf32, #tpu.memory_space<vmem>>, vector<1x16xf32>,
      %parallel_loop3A_451 = arith.mulf %parallel_loop3A_308, %parallel_loop3A_384 : vector<16xf32>
      %parallel_loop3A_452 = arith.index_cast %parallel_loop3A_234 : i32 to index
      %parallel_loop3A_453 = arith.constant 176 : index
      %parallel_loop3A_454 = tpu.vector_load %arg6[%parallel_loop3A_452, %parallel_loop3A_453] {strides = array<i32>} : memref<256x256xf32, #tpu.memory_space<vmem>>, vector<1x16xf32>,
      %parallel_loop3A_455 = vector.shape_cast %parallel_loop3A_454 : vector<1x16xf32> to vector<16xf32>
      %parallel_loop3A_456 = vector.shape_cast %parallel_loop3A_451 : vector<16xf32> to vector<1x16xf32>
      tpu.vector_store %arg6[%parallel_loop3A_452, %parallel_loop3A_453], %parallel_loop3A_456 {strides = array<i32>} : memref<256x256xf32, #tpu.memory_space<vmem>>, vector<1x16xf32>,
      %parallel_loop3A_457 = arith.mulf %parallel_loop3A_314, %parallel_loop3A_384 : vector<16xf32>
      %parallel_loop3A_458 = arith.index_cast %parallel_loop3A_234 : i32 to index
      %parallel_loop3A_459 = arith.constant 192 : index
      %parallel_loop3A_460 = tpu.vector_load %arg6[%parallel_loop3A_458, %parallel_loop3A_459] {strides = array<i32>} : memref<256x256xf32, #tpu.memory_space<vmem>>, vector<1x16xf32>,
      %parallel_loop3A_461 = vector.shape_cast %parallel_loop3A_460 : vector<1x16xf32> to vector<16xf32>
      %parallel_loop3A_462 = vector.shape_cast %parallel_loop3A_457 : vector<16xf32> to vector<1x16xf32>
      tpu.vector_store %arg6[%parallel_loop3A_458, %parallel_loop3A_459], %parallel_loop3A_462 {strides = array<i32>} : memref<256x256xf32, #tpu.memory_space<vmem>>, vector<1x16xf32>,
      %parallel_loop3A_463 = arith.mulf %parallel_loop3A_320, %parallel_loop3A_384 : vector<16xf32>
      %parallel_loop3A_464 = arith.index_cast %parallel_loop3A_234 : i32 to index
      %parallel_loop3A_465 = arith.constant 208 : index
      %parallel_loop3A_466 = tpu.vector_load %arg6[%parallel_loop3A_464, %parallel_loop3A_465] {strides = array<i32>} : memref<256x256xf32, #tpu.memory_space<vmem>>, vector<1x16xf32>,
      %parallel_loop3A_467 = vector.shape_cast %parallel_loop3A_466 : vector<1x16xf32> to vector<16xf32>
      %parallel_loop3A_468 = vector.shape_cast %parallel_loop3A_463 : vector<16xf32> to vector<1x16xf32>
      tpu.vector_store %arg6[%parallel_loop3A_464, %parallel_loop3A_465], %parallel_loop3A_468 {strides = array<i32>} : memref<256x256xf32, #tpu.memory_space<vmem>>, vector<1x16xf32>,
      %parallel_loop3A_469 = arith.mulf %parallel_loop3A_326, %parallel_loop3A_384 : vector<16xf32>
      %parallel_loop3A_470 = arith.index_cast %parallel_loop3A_234 : i32 to index
      %parallel_loop3A_471 = arith.constant 224 : index
      %parallel_loop3A_472 = tpu.vector_load %arg6[%parallel_loop3A_470, %parallel_loop3A_471] {strides = array<i32>} : memref<256x256xf32, #tpu.memory_space<vmem>>, vector<1x16xf32>,
      %parallel_loop3A_473 = vector.shape_cast %parallel_loop3A_472 : vector<1x16xf32> to vector<16xf32>
      %parallel_loop3A_474 = vector.shape_cast %parallel_loop3A_469 : vector<16xf32> to vector<1x16xf32>
      tpu.vector_store %arg6[%parallel_loop3A_470, %parallel_loop3A_471], %parallel_loop3A_474 {strides = array<i32>} : memref<256x256xf32, #tpu.memory_space<vmem>>, vector<1x16xf32>,
      %parallel_loop3A_475 = arith.mulf %parallel_loop3A_332, %parallel_loop3A_384 : vector<16xf32>
      %parallel_loop3A_476 = arith.index_cast %parallel_loop3A_234 : i32 to index
      %parallel_loop3A_477 = arith.constant 240 : index
      %parallel_loop3A_478 = tpu.vector_load %arg6[%parallel_loop3A_476, %parallel_loop3A_477] {strides = array<i32>} : memref<256x256xf32, #tpu.memory_space<vmem>>, vector<1x16xf32>,
      %parallel_loop3A_479 = vector.shape_cast %parallel_loop3A_478 : vector<1x16xf32> to vector<16xf32>
      %parallel_loop3A_480 = vector.shape_cast %parallel_loop3A_475 : vector<16xf32> to vector<1x16xf32>
      tpu.vector_store %arg6[%parallel_loop3A_476, %parallel_loop3A_477], %parallel_loop3A_480 {strides = array<i32>} : memref<256x256xf32, #tpu.memory_space<vmem>>, vector<1x16xf32>,
    } {sc.loop_unroll_factor = 2 : i64, sc.parallel_access}
    %add3A_172 = arith.constant 192 : i32
    %add3A_173 = arith.addi %mul3A_32, %add3A_172 : i32
    %dma_start3A_174 = arith.constant 192 : i32
    %dma_start3A_175 = arith.constant 0 : i32
    %dma_start3A_176 = tpu.memref_slice %arg6[%dma_start3A_174, %dma_start3A_175] : memref<256x256xf32, #tpu.memory_space<vmem>> -> memref<64x256xf32, #tpu.memory_space<vmem>>
    %dma_start3A_177 = arith.constant 0 : i32
    %dma_start3A_178 = tpu.memref_slice %arg4[%select_n3A, %add3A_173, %dma_start3A_177] : memref<8x1024x256xf32, #tpu.memory_space<hbm>> -> memref<1x64x256xf32, #tpu.memory_space<hbm>>
    %dma_start3A_179 = tpu.memref_squeeze %dma_start3A_178 : memref<1x64x256xf32, #tpu.memory_space<hbm>> -> memref<64x256xf32, #tpu.memory_space<hbm>>
    %dma_start3A_180 = arith.constant 0 : i32
    %dma_start3A_181 = tpu.memref_slice %arg4[%select_n3A, %add3A_173, %dma_start3A_180] : memref<8x1024x256xf32, #tpu.memory_space<hbm>> -> memref<1x64x256xf32, #tpu.memory_space<hbm>>
    %dma_start3A_182 = tpu.memref_squeeze %dma_start3A_181 : memref<1x64x256xf32, #tpu.memory_space<hbm>> -> memref<64x256xf32, #tpu.memory_space<hbm>>
    %dma_start3A_183 = arith.constant 192 : i32
    %dma_start3A_184 = arith.constant 0 : i32
    %dma_start3A_185 = tpu.memref_slice %arg6[%dma_start3A_183, %dma_start3A_184] : memref<256x256xf32, #tpu.memory_space<vmem>> -> memref<64x256xf32, #tpu.memory_space<vmem>>
    tpu.enqueue_dma source(%dma_start3A_185 : memref<64x256xf32, #tpu.memory_space<vmem>>) target(%dma_start3A_182 : memref<64x256xf32, #tpu.memory_space<hbm>>) target_semaphore(%arg8 : memref<!tpu.dma_semaphore, #tpu.memory_space<semaphore_mem>>)
    %dma_wait3A_186 = arith.constant 0 : i32
    %dma_wait3A_187 = arith.constant 0 : i32
    %dma_wait3A_188 = tpu.memref_slice %arg6[%dma_wait3A_186, %dma_wait3A_187] : memref<256x256xf32, #tpu.memory_space<vmem>> -> memref<64x256xf32, #tpu.memory_space<vmem>>
    %dma_wait3A_189 = arith.constant 0 : i32
    %dma_wait3A_190 = tpu.memref_slice %arg4[%select_n3A, %add3A_89, %dma_wait3A_189] : memref<8x1024x256xf32, #tpu.memory_space<hbm>> -> memref<1x64x256xf32, #tpu.memory_space<hbm>>
    %dma_wait3A_191 = tpu.memref_squeeze %dma_wait3A_190 : memref<1x64x256xf32, #tpu.memory_space<hbm>> -> memref<64x256xf32, #tpu.memory_space<hbm>>
    %dma_wait3A_192 = arith.constant 0 : i32
    %dma_wait3A_193 = tpu.memref_slice %arg4[%select_n3A, %add3A_89, %dma_wait3A_192] : memref<8x1024x256xf32, #tpu.memory_space<hbm>> -> memref<1x64x256xf32, #tpu.memory_space<hbm>>
    %dma_wait3A_194 = tpu.memref_squeeze %dma_wait3A_193 : memref<1x64x256xf32, #tpu.memory_space<hbm>> -> memref<64x256xf32, #tpu.memory_space<hbm>>
    %dma_wait3A_195 = arith.constant 0 : i32
    %dma_wait3A_196 = arith.constant 0 : i32
    %dma_wait3A_197 = tpu.memref_slice %arg6[%dma_wait3A_195, %dma_wait3A_196] : memref<256x256xf32, #tpu.memory_space<vmem>> -> memref<64x256xf32, #tpu.memory_space<vmem>>
    tpu.wait_dma2 semaphore(%arg8 : memref<!tpu.dma_semaphore, #tpu.memory_space<semaphore_mem>>) src(%dma_wait3A_197 : memref<64x256xf32, #tpu.memory_space<vmem>>) dst(%dma_wait3A_194 : memref<64x256xf32, #tpu.memory_space<hbm>>)
    %dma_wait3A_198 = arith.constant 64 : i32
    %dma_wait3A_199 = arith.constant 0 : i32
    %dma_wait3A_200 = tpu.memref_slice %arg6[%dma_wait3A_198, %dma_wait3A_199] : memref<256x256xf32, #tpu.memory_space<vmem>> -> memref<64x256xf32, #tpu.memory_space<vmem>>
    %dma_wait3A_201 = arith.constant 0 : i32
    %dma_wait3A_202 = tpu.memref_slice %arg4[%select_n3A, %add3A_117, %dma_wait3A_201] : memref<8x1024x256xf32, #tpu.memory_space<hbm>> -> memref<1x64x256xf32, #tpu.memory_space<hbm>>
    %dma_wait3A_203 = tpu.memref_squeeze %dma_wait3A_202 : memref<1x64x256xf32, #tpu.memory_space<hbm>> -> memref<64x256xf32, #tpu.memory_space<hbm>>
    %dma_wait3A_204 = arith.constant 0 : i32
    %dma_wait3A_205 = tpu.memref_slice %arg4[%select_n3A, %add3A_117, %dma_wait3A_204] : memref<8x1024x256xf32, #tpu.memory_space<hbm>> -> memref<1x64x256xf32, #tpu.memory_space<hbm>>
    %dma_wait3A_206 = tpu.memref_squeeze %dma_wait3A_205 : memref<1x64x256xf32, #tpu.memory_space<hbm>> -> memref<64x256xf32, #tpu.memory_space<hbm>>
    %dma_wait3A_207 = arith.constant 64 : i32
    %dma_wait3A_208 = arith.constant 0 : i32
    %dma_wait3A_209 = tpu.memref_slice %arg6[%dma_wait3A_207, %dma_wait3A_208] : memref<256x256xf32, #tpu.memory_space<vmem>> -> memref<64x256xf32, #tpu.memory_space<vmem>>
    tpu.wait_dma2 semaphore(%arg8 : memref<!tpu.dma_semaphore, #tpu.memory_space<semaphore_mem>>) src(%dma_wait3A_209 : memref<64x256xf32, #tpu.memory_space<vmem>>) dst(%dma_wait3A_206 : memref<64x256xf32, #tpu.memory_space<hbm>>)
    %dma_wait3A_210 = arith.constant 128 : i32
    %dma_wait3A_211 = arith.constant 0 : i32
    %dma_wait3A_212 = tpu.memref_slice %arg6[%dma_wait3A_210, %dma_wait3A_211] : memref<256x256xf32, #tpu.memory_space<vmem>> -> memref<64x256xf32, #tpu.memory_space<vmem>>
    %dma_wait3A_213 = arith.constant 0 : i32
    %dma_wait3A_214 = tpu.memref_slice %arg4[%select_n3A, %add3A_145, %dma_wait3A_213] : memref<8x1024x256xf32, #tpu.memory_space<hbm>> -> memref<1x64x256xf32, #tpu.memory_space<hbm>>
    %dma_wait3A_215 = tpu.memref_squeeze %dma_wait3A_214 : memref<1x64x256xf32, #tpu.memory_space<hbm>> -> memref<64x256xf32, #tpu.memory_space<hbm>>
    %dma_wait3A_216 = arith.constant 0 : i32
    %dma_wait3A_217 = tpu.memref_slice %arg4[%select_n3A, %add3A_145, %dma_wait3A_216] : memref<8x1024x256xf32, #tpu.memory_space<hbm>> -> memref<1x64x256xf32, #tpu.memory_space<hbm>>
    %dma_wait3A_218 = tpu.memref_squeeze %dma_wait3A_217 : memref<1x64x256xf32, #tpu.memory_space<hbm>> -> memref<64x256xf32, #tpu.memory_space<hbm>>
    %dma_wait3A_219 = arith.constant 128 : i32
    %dma_wait3A_220 = arith.constant 0 : i32
    %dma_wait3A_221 = tpu.memref_slice %arg6[%dma_wait3A_219, %dma_wait3A_220] : memref<256x256xf32, #tpu.memory_space<vmem>> -> memref<64x256xf32, #tpu.memory_space<vmem>>
    tpu.wait_dma2 semaphore(%arg8 : memref<!tpu.dma_semaphore, #tpu.memory_space<semaphore_mem>>) src(%dma_wait3A_221 : memref<64x256xf32, #tpu.memory_space<vmem>>) dst(%dma_wait3A_218 : memref<64x256xf32, #tpu.memory_space<hbm>>)
    %dma_wait3A_222 = arith.constant 192 : i32
    %dma_wait3A_223 = arith.constant 0 : i32
    %dma_wait3A_224 = tpu.memref_slice %arg6[%dma_wait3A_222, %dma_wait3A_223] : memref<256x256xf32, #tpu.memory_space<vmem>> -> memref<64x256xf32, #tpu.memory_space<vmem>>
    %dma_wait3A_225 = arith.constant 0 : i32
    %dma_wait3A_226 = tpu.memref_slice %arg4[%select_n3A, %add3A_173, %dma_wait3A_225] : memref<8x1024x256xf32, #tpu.memory_space<hbm>> -> memref<1x64x256xf32, #tpu.memory_space<hbm>>
    %dma_wait3A_227 = tpu.memref_squeeze %dma_wait3A_226 : memref<1x64x256xf32, #tpu.memory_space<hbm>> -> memref<64x256xf32, #tpu.memory_space<hbm>>
    %dma_wait3A_228 = arith.constant 0 : i32
    %dma_wait3A_229 = tpu.memref_slice %arg4[%select_n3A, %add3A_173, %dma_wait3A_228] : memref<8x1024x256xf32, #tpu.memory_space<hbm>> -> memref<1x64x256xf32, #tpu.memory_space<hbm>>
    %dma_wait3A_230 = tpu.memref_squeeze %dma_wait3A_229 : memref<1x64x256xf32, #tpu.memory_space<hbm>> -> memref<64x256xf32, #tpu.memory_space<hbm>>
    %dma_wait3A_231 = arith.constant 192 : i32
    %dma_wait3A_232 = arith.constant 0 : i32
    %dma_wait3A_233 = tpu.memref_slice %arg6[%dma_wait3A_231, %dma_wait3A_232] : memref<256x256xf32, #tpu.memory_space<vmem>> -> memref<64x256xf32, #tpu.memory_space<vmem>>
    tpu.wait_dma2 semaphore(%arg8 : memref<!tpu.dma_semaphore, #tpu.memory_space<semaphore_mem>>) src(%dma_wait3A_233 : memref<64x256xf32, #tpu.memory_space<vmem>>) dst(%dma_wait3A_230 : memref<64x256xf32, #tpu.memory_space<hbm>>)
    return
  }
}

</mosaic_0001>

<sc_bundles>
// kernel: _lookup_normalize.3.cloned.1.call-start
scs
__scs_entry_jumppad:
0x0: {  	(pc) =	sbr.rel $0x88, $3  }
0x1: {  	(tag) =	ssettag $0x0;
	lr =	simm.s32 $0x1  }
0x2: {  	[smem:$0x3F9F] =	sst lr;
	_ =	strace $0xD0000000  }
0x3: {  	_ = 	snop  }
0x4: {  	_ = 	snop  }
0x5: {  	_ = 	snop  }
0x6: {  	_ = 	snop  }
0x7: {  	_ = 	snop  }
__scs_overlays_trampoline_lowered:
0x8: {  	[smem:$0x3FAE] =	sst s0  }
0x9: {  	[smem:$0x3FAF] =	sst s1  }
0xa: {  	[smem:$0x3FB0] =	sst s2  }
0xb: {  	[smem:$0x3FB1] =	sst s3  }
0xc: {  	[smem:$0x3FB2] =	sst s4  }
0xd: {  	[smem:$0x3FB3] =	sst s5  }
0xe: {  	[smem:$0x3FB4] =	sst s6  }
0xf: {  	[smem:$0x3FB5] =	sst s7  }
0x10: {  	[smem:$0x3FB6] =	sst s8  }
0x11: {  	[smem:$0x3FB7] =	sst s9;
	s0 =	simm.s32 @!p0 $0x0  }
0x12: {  	s1 =	sld [smem:$0x3F9D];
	s0 =	simm.s32 @p0 $0x1  }
0x13: {  	[smem:$0x3FB8] =	sst s0;
	s0 =	simm.s32 @!p1 $0x0  }
0x14: {  	s2 =	sld [smem:$0x3F9C];
	s0 =	simm.s32 @p1 $0x1  }
0x15: {  	[smem:$0x3FB9] =	sst s0;
	s0 =	simm.s32 @!p2 $0x0  }
0x16: {  	s3 =	sld [smem:$0x3FDB];
	s0 =	simm.s32 @p2 $0x1  }
0x17: {  	s4 =	simm.s32 $0x1BF5;
	[smem:$0x3FBB] =	sst s0  }
0x18: {  	s0 =	sld [smem:$0x3F9E];
	_ =	swait.ge [sflag:s4], $0x0  }
0x19: {  	s7 =	sld [smem:$0x3F9F]  }
0x1a: {  	s8 =	sadd.s32 $0xFFFFE003, lr  }
0x1b: {  	s9 =	sadd.s32 $0xFFFFFEF7, lr;
	s5 =	simm.s32 $0xFFFFFFFF;
	p2 =	slt.u32 s8, $0xFFFFF086  }
0x1c: {  	p1 =	slt.u32 s9, $0xF7A;
	s5 =	simm.s32 @!p2 $0x0  }
0x1d: {  	s5 =	simm.s32 @p1 $0x1;
	p0 =	seq.s32 s7, s2  }
0x1e: {  	s7 =	smul.u32 @!p0 $0xF7A, s2;
	p2 =	seq.s32 @!p0 s5, $0x0  }
0x1f: {  	s9 =	smul.u32 $0xF7A, s1;
	s8 =	simm.s32 @!p0 $0x1BF5;
	p2 =	por !p2, p0  }
0x20: {  	[sflag:s8] =	ssyncset.s32 @!p0 $0xFFFFF086;
	s6 =	sadd.s32 @!p0 s3, s7;
	s7 =	simm.s32 @!p0 $0x108  }
0x21: {  	s3 =	sadd.s32 s3, s9;
	s6 =	sadd.s32 @!p0 $0x88, s6;
	s7 =	simm.s32 @p2 $0x1082  }
0x22: {  	[simem:s7], [sflag:s8] =	dma.local @!p0 [hbm:s6], $0xF7A  }
0x23: {  	s9 =	sor.u32 $0xD0000000, s2;
	s6 =	simm.s32 $0x108;
	_ =	swait.ge @!p0 [sflag:s8], $0x0  }
0x24: {  	s3 =	sadd.s32 $0x88, s3;
	s6 =	simm.s32 @!p1 $0x1082;
	[sflag:s4] =	ssyncset.s32 $0xFFFFF086  }
0x25: {  	[simem:s6], [sflag:s4] =	dma.local [hbm:s3], $0xF7A  }
0x26: {  	[smem:$0x3F9F] =	sst s1;
	(tag) =	ssettag s2;
	_ =	strace s9  }
0x27: {  	s1 =	sld [smem:$0x3FAF]  }
0x28: {  	s2 =	sld [smem:$0x3FB0]  }
0x29: {  	s4 =	sld [smem:$0x3FB2]  }
0x2a: {  	p0 =	seq.s32 s5, $0x0;
	s5 =	sld [smem:$0x3FB3]  }
0x2b: {  	s6 =	sld [smem:$0x3FB4]  }
0x2c: {  	s7 =	sld [smem:$0x3FB5]  }
0x2d: {  	s3 =	simm.s32 $0x108;
	s8 =	sld [smem:$0x3FB6]  }
0x2e: {  	s3 =	simm.s32 @!p0 $0x1082;
	s9 =	sld [smem:$0x3FB7]  }
0x2f: {  	lr =	sadd.s32 s0, s3;
	s0 =	sld [smem:$0x3FAE]  }
0x30: {  	s3 =	sld [smem:$0x3FB1]  }
0x31: {  	[smem:$0x3FBA] =	sst s10  }
0x32: {  	s10 =	sld [smem:$0x3FB8];
	_ =	sdelay $0x3  }
0x33: {  	p0 =	seq.s32 s10, $0x1;
	s10 =	sld [smem:$0x3FBA];
	_ =	sdelay $0x3  }
0x34: {  	[smem:$0x3FBA] =	sst s10  }
0x35: {  	s10 =	sld [smem:$0x3FB9];
	_ =	sdelay $0x3  }
0x36: {  	p1 =	seq.s32 s10, $0x1;
	s10 =	sld [smem:$0x3FBA];
	_ =	sdelay $0x3  }
0x37: {  	[smem:$0x3FBA] =	sst s10  }
0x38: {  	s10 =	sld [smem:$0x3FBB]  }
0x39: {  	_ = 	snop;
	(pc) =	sbr.ind lr, $3  }
0x3a: {  	_ = 	snop  }
0x3b: {  	_ = 	snop  }
0x3c: {  	p2 =	seq.s32 s10, $0x1;
	s10 =	sld [smem:$0x3FBA]  }
0x3d: {  	_ =	shalt  }
0x3e: {  	_ =	shalt  }
0x3f: {  	_ =	shalt  }
0x40: {  	_ =	shalt  }
0x41: {  	_ =	shalt  }
0x42: {  	_ =	shalt  }
0x43: {  	_ =	shalt  }
0x44: {  	_ =	shalt  }
0x45: {  	_ =	shalt  }
0x46: {  	_ =	shalt  }
0x47: {  	_ =	shalt  }
0x48: {  	_ =	shalt  }
0x49: {  	_ =	shalt  }
0x4a: {  	_ =	shalt  }
0x4b: {  	_ =	shalt  }
0x4c: {  	_ =	shalt  }
0x4d: {  	_ =	shalt  }
0x4e: {  	_ =	shalt  }
0x4f: {  	_ =	shalt  }
0x50: {  	_ =	shalt  }
0x51: {  	_ =	shalt  }
0x52: {  	_ =	shalt  }
0x53: {  	_ =	shalt  }
0x54: {  	_ =	shalt  }
0x55: {  	_ =	shalt  }
0x56: {  	_ =	shalt  }
0x57: {  	_ =	shalt  }
0x58: {  	_ =	shalt  }
0x59: {  	_ =	shalt  }
0x5a: {  	_ =	shalt  }
0x5b: {  	_ =	shalt  }
0x5c: {  	_ =	shalt  }
0x5d: {  	_ =	shalt  }
0x5e: {  	_ =	shalt  }
0x5f: {  	_ =	shalt  }
0x60: {  	_ =	shalt  }
0x61: {  	_ =	shalt  }
0x62: {  	_ =	shalt  }
0x63: {  	_ =	shalt  }
0x64: {  	_ =	shalt  }
0x65: {  	_ =	shalt  }
0x66: {  	_ =	shalt  }
0x67: {  	_ =	shalt  }
0x68: {  	_ =	shalt  }
0x69: {  	_ =	shalt  }
0x6a: {  	_ =	shalt  }
0x6b: {  	_ =	shalt  }
0x6c: {  	_ =	shalt  }
0x6d: {  	_ =	shalt  }
0x6e: {  	_ =	shalt  }
0x6f: {  	_ =	shalt  }
0x70: {  	_ =	shalt  }
0x71: {  	_ =	shalt  }
0x72: {  	_ =	shalt  }
0x73: {  	_ =	shalt  }
0x74: {  	_ =	shalt  }
0x75: {  	_ =	shalt  }
0x76: {  	_ =	shalt  }
0x77: {  	_ =	shalt  }
0x78: {  	_ =	shalt  }
0x79: {  	_ =	shalt  }
0x7a: {  	_ =	shalt  }
0x7b: {  	_ =	shalt  }
0x7c: {  	_ =	shalt  }
0x7d: {  	_ =	shalt  }
0x7e: {  	_ =	shalt  }
0x7f: {  	_ =	shalt  }
0x80: {  	_ =	shalt  }
0x81: {  	_ =	shalt  }
0x82: {  	_ =	shalt  }
0x83: {  	_ =	shalt  }
0x84: {  	_ =	shalt  }
0x85: {  	_ =	shalt  }
0x86: {  	_ =	shalt  }
0x87: {  	_ =	shalt  }
.Lfunc_end0:
.L_simem_size_0:
called_computation_lowered:
.L_overlay_start_0:
0x88: {  	s2 =	sld [smem:$0x3FD9]  }
0x89: {  	s3 =	sld [smem:$0x3FFE];
	_ =	sdelay $0x1  }
0x8a: {  	s1 =	srdreg.scid  }
0x8b: {  	s0 =	sand.u32 $0x1, s1  }
0x8c: {  	s18 =	sshll.u32 s0, $0xA;
	s2 =	sadd.s32 s3, s2  }
0x8d: {  	s2 =	sadd.s32 s2, s18  }
0x8e: {  	[smem:$0x3FC6] =	sst s2  }
0x8f: {  	_ = 	snop  }
0x90: {  	s2 =	sld [smem:$0x3FC9]  }
0x91: {  	s19 =	sld [smem:$0x3FC8]  }
0x92: {  	s4 =	sld [smem:$0x3FD0];
	(tm) =	ssettm $0x1  }
0x93: {  	s5 =	sld [smem:$0x3FFB];
	_ =	sdelay $0x3  }
0x94: {  	_ =	strace s5  }
0x95: {  	s5 =	sld [smem:$0x3FFC];
	_ =	sdelay $0x3  }
0x96: {  	_ =	strace s5  }
0x97: {  	s5 =	sld [smem:$0x3FFD];
	_ =	sdelay $0x3  }
0x98: {  	_ =	strace s5  }
0x99: {  	_ =	strace $0x8FFFFFFF  }
0x9a: {  	s20 =	sld [smem:$0x3FDB];
	_ =	sdelay $0x1  }
0x9b: {  	s6 =	simm.s32 $_scs_section_size  }
0x9c: {  	s7 =	simm.s32 $_size__tile_overlayer_lowered;
	s8 =	simm.s32 $_tile_overlayer_lowered  }
0x9d: {  	s23 =	simm.s32 $0x1BFF;
	s22 =	sshll.u32 s8, $0x1;
	s5 =	sadd.s32 s6, s20  }
0x9e: {  	s9 =	simm.s32 $0x0;
	s21 =	sshll.u32 s7, $0x1;
	s7 =	sadd.s32 s22, s5  }
0x9f: {  	[timem:s9], [sflag:s23] =	dma.local [hbm:s7], s21  }
0xa0: {  	_ =	swait.ge [sflag:s23], s21  }
0xa1: {  	s6 =	ssub.s32 $0x0, s21;
	[sflag:s23] =	ssyncset.done $0x0  }
0xa2: {  	[sflag:s23] =	ssyncadd.s32 s6;
	_ =	sdelay $0x1  }
0xa3: {  	s24 =	simm.s32 $0x1B8B  }
0xa4: {  	_ =	swait.ge [sflag:s24], $0x1  }
0xa5: {  	[sflag:s24] =	ssyncset.done $0x0  }
0xa6: {  	s25 =	simm.s32 $0x1B8E;
	[sflag:s24] =	ssyncadd.s32 $0xFFFFFFFF  }
0xa7: {  	s26 =	simm.s32 $execute0_lowered;
	[smem:$0x3FD2] =	sst s25  }
0xa8: {  	s6 =	sshll.u32 s26, $0x1;
	_ =	strace $0x80000046;
	[dreg:$0x1] =	wrdreg $0xFFFFFFFF  }
0xa9: {  	s28 =	simm.s32 $_size_execute0_lowered;
	s5 =	sadd.s32 s5, s6;
	[dreg:$0x0] =	wrdreg $0x0  }
0xaa: {  	s6 =	sshll.u32 s28, $0x1;
	[dreg:$0x2] =	wrdreg s5  }
0xab: {  	[dreg:$0x3] =	wrdreg s6  }
0xac: {  	[dreg:$0x4] =	wrdreg $0xC0  }
0xad: {  	_ =	task [dreg:s9], $0x5FFFF  }
0xae: {  	[dreg:$0x1] =	wrdreg $0xFFFFFFFF  }
0xaf: {  	[dreg:$0x0] =	wrdreg $0x60  }
0xb0: {  	[dreg:$0x2] =	wrdreg s2  }
0xb1: {  	[dreg:$0x3] =	wrdreg s19  }
0xb2: {  	[dreg:$0x4] =	wrdreg s4  }
0xb3: {  	[dreg:$0x5] =	wrdreg $0x9  }
0xb4: {  	_ =	task.clear_ibuf [dreg:s9], $0x6FFFF;
	_ =	strace $0x90000046  }
0xb5: {  	s29 =	simm.s32 $0x9;
	_ =	strace $0x80000048  }
0xb6: {  	_ =	swait.ge [sflag:s29], $0x1  }
0xb7: {  	[sflag:s29] =	ssyncadd.s32 $0xFFFFFFFF  }
0xb8: {  	_ =	strace $0x90000048  }
0xb9: {  	_ =	sfence  }
0xba: {  	s30 =	sld [smem:$0x0];
	_ =	sdelay $0x2  }
0xbb: {  	s31 =	sshll.u32 s1, $0xD;
	s1 =	sshrl.u32 s1, $0x2  }
0xbc: {  	s3 =	sand.u32 $0x4000, s31;
	s1 =	sadd.s32 s1, s30  }
0xbd: {  	s0 =	sor.u32 s3, s0;
	s1 =	sshll.u32 s1, $0x11  }
0xbe: {  	s0 =	sor.u32 s1, s0  }
0xbf: {  	s0 =	sadd.s32 $0x8F2B, s0  }
0xc0: {  	[sflag:s0] =	ssyncadd.remote.s32 $0x1  }
0xc1: {  	_ =	sfence.sel $0xFFFF  }
0xc2: {  	[dreg:$0x0] =	wrdreg $0xFFFFFFFF;
	(pc) =	sbr.abs _section_cstart, $3  }
0xc3: {  	[dreg:$0x1] =	wrdreg $0xFFFFFFFF  }
0xc4: {  	_ =	task.clear_ibuf [dreg:s9], $0x2FFFF;
	_ =	strace $0x9FFFFFFF  }
0xc5: {  	(tm) =	ssettm $0x7FFFFFFF  }
tec
execute0_lowered:
.L_overlay_start_1:
0x0: {  	(tag) =	ssettag $0x1  }
0x1: {  	s0 =	rddreg [dreg:$0x0];
	v0 =	vimm.s32 $0xBA98FEDC;
	v1 =	vimm.s32 $0x76543210  }
0x2: {  	s1 =	rddreg [dreg:$0x1];
	v2 =	vimm.s32 $0xFEDCBA98;
	v3 =	vimm.s32 $0x32107654;
	v4 =	vimm.s32 $0xDCFE98BA  }
0x3: {  	s2 =	rddreg [dreg:$0x2];
	s3 =	simm.s32 $0x0;
	s4 =	srdreg.scid;
	v5 =	vimm.s32 $0x54761032;
	v6 =	vimm.s32 $0xEFCDAB89;
	v7 =	vimm.s32 $0x67452301  }
0x4: {  	s8 =	stileid.u32;
	s18 =	simm.s32 $0x6;
	s20 =	simm.s32 $0x4100;
	v0 =	vunpack.c.l.s4.s8 v0;
	v1 =	vunpack.c.l.s4.s8 v1;
	v3 =	vunpack.c.l.s4.s8 v3  }
0x5: {  	s24 =	simm.s32 $0x100;
	s30 =	simm.s32 $0x8100;
	s14 =	simm.s32 $0xC100;
	v4 =	vunpack.c.l.s4.s8 v4;
	v5 =	vunpack.c.l.s4.s8 v5;
	v6 =	vunpack.c.l.s4.s8 v6  }
0x6: {  	s17 =	simm.s32 $0xD900;
	s19 =	simm.s32 $0xE100;
	s21 =	simm.s32 $0xE900;
	v7 =	vunpack.c.l.s4.s8 v7;
	v2 =	vunpack.c.l.s4.s8 v2;
	v0 =	vunpack.c.0.s8.s32 v0  }
0x7: {  	s22 =	simm.s32 $0xF100;
	s23 =	simm.s32 $0xF900;
	s25 =	simm.s32 $0x1;
	v3 =	vunpack.c.0.s8.s32 v3;
	v4 =	vunpack.c.0.s8.s32 v4;
	v5 =	vunpack.c.0.s8.s32 v5  }
0x8: {  	s28 =	simm.s32 $0x3;
	s29 =	simm.s32 $0x4;
	s31 =	simm.s32 $0x5;
	v58 =	vunpack.c.0.s8.s32 v6;
	v6 =	vunpack.c.0.s8.s32 v7;
	v7 =	vlaneseq.u32  }
0x9: {  	[smem:$0x7FF] =	sst s3;
	s4 =	sand.u32 $0x1, s4;
	s5 =	sshll.u32 s8, $0x1;
	v59 =	vand.u32 $0x7, v7;
	v5 =	vcombine.low v5, v4;
	v4 =	vshrl.u32 v7, $0x3  }
0xa: {  	s8 =	sshrl.u32 s8, $0x1;
	_ =	strace $0x80000047;
	s6 =	ssub.s32 $0x2, s4;
	v61 =	vor.u32 $0x8, v7;
	v0 =	vcombine.low v3, v0;
	[tilespmem:$0x1FF90] =	vst v59;
	v60 =	vmul.u32 $0x8, v4  }
0xb: {  	s5 =	sand.u32 $0x2, s5;
	s9 =	sshll.u32 s8, $0x4;
	s8 =	sshll.u32 s8, $0xF;
	v2 =	vunpack.c.0.s8.s32 v2;
	[tilespmem:$0x1FFB0] =	vst v61  }
0xc: {  	s7 =	sshrl.u32 s6, $0x1;
	s4 =	sor.u32 s4, s5;
	s0 =	sadd.s32 s0, s9;
	v1 =	vunpack.c.0.s8.s32 v1;
	v6 =	vcombine.low v6, v58;
	v0 =	vand.u32 $0xF, v0;
	[tilespmem:$0x1FFA0] =	vst v60  }
0xd: {  	s5 =	sshll.u32 s4, $0xD;
	s4 =	sshll.u32 s4, $0x8;
	s26 =	ssub.s32 s6, s7;
	v2 =	vand.u32 $0xF, v2;
	v62 =	vand.u32 $0xF, v5;
	[tilespmem:$0x1FFC0] =	vst v0  }
0xe: {  	s5 =	sor.u32 s8, s5;
	s4 =	sadd.s32 s4, s0;
	s9 =	smax.u32 s26, $0x1;
	v7 =	vcombine.low v2, v1;
	v63 =	vand.u32 $0xF, v6;
	[tilespmem:$0x1FFD0] =	vst v62  }
0xf: {  	s26 =	simm.s32 $0x2;
	s0 =	simm.s32 $0x0;
	s5 =	sadd.s32 s2, s5;
	[tilespmem:$0x1FFE0] =	vst v63  }
0x10: {  	vm0 =	vmmov $0xffff;
	s6 =	sadd.s32 $0x800, s5;
	s7 =	sadd.s32 $0x1000, s5;
	s8 =	sadd.s32 $0x1800, s5;
	[tilespmem:$0x1FFF0] =	vst v7  }
.LBB2_1:
0x11: {  	s2 =	simm.s32 $0x80;
	s10 =	simm.s32 $0x400  }
0x12: {  	[tilespmem:s3], [sflag:$0x6] =	stream.strided.gather [hbm4b:s4+s2], $0x100, s10, s2, $0x38;
	[tilespmem:$0x10100] =	vst v63  }
0x13: {  	_ =	swait.ge [sflag:s18], $0x100  }
0x14: {  	[sflag:s18] =	ssyncset.done $0x0  }
0x15: {  	[sflag:s18] =	ssyncadd.s32 $0xFFFFFF00  }
0x16: {  	v0 =	vld [tilespmem:$0x0];
	_ =	sdelay $0x2  }
0x17: {  	v2 =	vld [tilespmem:$0x1FF90]  }
0x18: {  	v3 =	vld [tilespmem:$0x1FFA0]  }
0x19: {  	v4 =	vld [tilespmem:$0x1FFB0];
	v1 =	vshll.u32 v0, $0x1  }
0x1a: {  	v0 =	vand.u32 $0x7, v0;
	v1 =	vand.u32 $0xFFFFFFF0, v1  }
0x1b: {  	v0 =	vor.u32 v0, v1  }
0x1c: {  	v1 =	vperm.xlane v0, v2;
	_ =	sdelay $0x1  }
0x1d: {  	v0 =	vperm.xlane v0, v4;
	v1 =	vadd.s32 v3, v1;
	_ =	sdelay $0x1  }
0x1e: {  	v0 =	vadd.s32 v3, v0;
	_ =	sdelay $0x2  }
0x1f: {  	[tilespmem:s24], [sflag:$0x1] =	stream.indirect_vreg.gather [hbm4b:s1+s3], $0x80, v1, vm0, $0xb8;
	[tilespmem:$0x10100] =	vst v63  }
0x20: {  	s15 =	simm.s32 $0x900  }
0x21: {  	[tilespmem:s15], [sflag:$0x1] =	stream.indirect_vreg.gather [hbm4b:s1+s3], $0x80, v0, vm0, $0xb8;
	[tilespmem:$0x10100] =	vst v63  }
0x22: {  	v0 =	vld [tilespmem:$0x10];
	_ =	sdelay $0x4  }
0x23: {  	v1 =	vshll.u32 v0, $0x1  }
0x24: {  	v0 =	vand.u32 $0x7, v0;
	v1 =	vand.u32 $0xFFFFFFF0, v1  }
0x25: {  	v0 =	vor.u32 v0, v1  }
0x26: {  	v1 =	vperm.xlane v0, v2;
	_ =	sdelay $0x1  }
0x27: {  	v0 =	vperm.xlane v0, v4;
	v1 =	vadd.s32 v3, v1;
	_ =	sdelay $0x1  }
0x28: {  	v0 =	vadd.s32 v3, v0;
	_ =	sdelay $0x1  }
0x29: {  	s16 =	simm.s32 $0x1100  }
0x2a: {  	[tilespmem:s16], [sflag:$0x1] =	stream.indirect_vreg.gather [hbm4b:s1+s3], $0x80, v1, vm0, $0xb8;
	[tilespmem:$0x10100] =	vst v63  }
0x2b: {  	s10 =	simm.s32 $0x1900  }
0x2c: {  	[tilespmem:s10], [sflag:$0x1] =	stream.indirect_vreg.gather [hbm4b:s1+s3], $0x80, v0, vm0, $0xb8;
	[tilespmem:$0x10100] =	vst v63  }
0x2d: {  	v0 =	vld [tilespmem:$0x20];
	_ =	sdelay $0x4  }
0x2e: {  	v1 =	vshll.u32 v0, $0x1  }
0x2f: {  	v0 =	vand.u32 $0x7, v0;
	v1 =	vand.u32 $0xFFFFFFF0, v1  }
0x30: {  	v0 =	vor.u32 v0, v1  }
0x31: {  	v1 =	vperm.xlane v0, v2;
	_ =	sdelay $0x1  }
0x32: {  	v0 =	vperm.xlane v0, v4;
	v1 =	vadd.s32 v3, v1;
	_ =	sdelay $0x1  }
0x33: {  	v0 =	vadd.s32 v3, v0;
	_ =	sdelay $0x1  }
0x34: {  	s11 =	simm.s32 $0x2100  }
0x35: {  	[tilespmem:s11], [sflag:$0x1] =	stream.indirect_vreg.gather [hbm4b:s1+s3], $0x80, v1, vm0, $0xb8;
	[tilespmem:$0x10100] =	vst v63  }
0x36: {  	s12 =	simm.s32 $0x2900  }
0x37: {  	[tilespmem:s12], [sflag:$0x1] =	stream.indirect_vreg.gather [hbm4b:s1+s3], $0x80, v0, vm0, $0xb8;
	[tilespmem:$0x10100] =	vst v63  }
0x38: {  	v0 =	vld [tilespmem:$0x30];
	_ =	sdelay $0x4  }
0x39: {  	v1 =	vshll.u32 v0, $0x1  }
0x3a: {  	v0 =	vand.u32 $0x7, v0;
	v1 =	vand.u32 $0xFFFFFFF0, v1  }
0x3b: {  	v0 =	vor.u32 v0, v1  }
0x3c: {  	v1 =	vperm.xlane v0, v2;
	_ =	sdelay $0x1  }
0x3d: {  	v0 =	vperm.xlane v0, v4;
	v1 =	vadd.s32 v3, v1;
	_ =	sdelay $0x1  }
0x3e: {  	v0 =	vadd.s32 v3, v0;
	_ =	sdelay $0x1  }
0x3f: {  	s13 =	simm.s32 $0x3100  }
0x40: {  	[tilespmem:s13], [sflag:$0x1] =	stream.indirect_vreg.gather [hbm4b:s1+s3], $0x80, v1, vm0, $0xb8;
	[tilespmem:$0x10100] =	vst v63  }
0x41: {  	s15 =	simm.s32 $0x3900  }
0x42: {  	[tilespmem:s15], [sflag:$0x1] =	stream.indirect_vreg.gather [hbm4b:s1+s3], $0x80, v0, vm0, $0xb8;
	[tilespmem:$0x10100] =	vst v63  }
0x43: {  	v0 =	vld [tilespmem:$0x40];
	_ =	sdelay $0x4  }
0x44: {  	v1 =	vshll.u32 v0, $0x1  }
0x45: {  	v0 =	vand.u32 $0x7, v0;
	v1 =	vand.u32 $0xFFFFFFF0, v1  }
0x46: {  	v0 =	vor.u32 v0, v1  }
0x47: {  	v1 =	vperm.xlane v0, v2;
	_ =	sdelay $0x1  }
0x48: {  	v0 =	vperm.xlane v0, v4;
	v1 =	vadd.s32 v3, v1;
	_ =	sdelay $0x1  }
0x49: {  	v0 =	vadd.s32 v3, v0;
	_ =	sdelay $0x2  }
0x4a: {  	[tilespmem:s20], [sflag:$0x2] =	stream.indirect_vreg.gather [hbm4b:s1+s3], $0x80, v1, vm0, $0xb8;
	[tilespmem:$0x10100] =	vst v63  }
0x4b: {  	s16 =	simm.s32 $0x4900  }
0x4c: {  	[tilespmem:s16], [sflag:$0x2] =	stream.indirect_vreg.gather [hbm4b:s1+s3], $0x80, v0, vm0, $0xb8;
	[tilespmem:$0x10100] =	vst v63  }
0x4d: {  	v0 =	vld [tilespmem:$0x50];
	_ =	sdelay $0x4  }
0x4e: {  	v1 =	vshll.u32 v0, $0x1  }
0x4f: {  	v0 =	vand.u32 $0x7, v0;
	v1 =	vand.u32 $0xFFFFFFF0, v1  }
0x50: {  	v0 =	vor.u32 v0, v1  }
0x51: {  	v1 =	vperm.xlane v0, v2;
	_ =	sdelay $0x1  }
0x52: {  	v0 =	vperm.xlane v0, v4;
	v1 =	vadd.s32 v3, v1;
	_ =	sdelay $0x1  }
0x53: {  	v0 =	vadd.s32 v3, v0;
	_ =	sdelay $0x1  }
0x54: {  	s10 =	simm.s32 $0x5100  }
0x55: {  	[tilespmem:s10], [sflag:$0x2] =	stream.indirect_vreg.gather [hbm4b:s1+s3], $0x80, v1, vm0, $0xb8;
	[tilespmem:$0x10100] =	vst v63  }
0x56: {  	s11 =	simm.s32 $0x5900  }
0x57: {  	[tilespmem:s11], [sflag:$0x2] =	stream.indirect_vreg.gather [hbm4b:s1+s3], $0x80, v0, vm0, $0xb8;
	[tilespmem:$0x10100] =	vst v63  }
0x58: {  	v0 =	vld [tilespmem:$0x60];
	_ =	sdelay $0x4  }
0x59: {  	v1 =	vshll.u32 v0, $0x1  }
0x5a: {  	v0 =	vand.u32 $0x7, v0;
	v1 =	vand.u32 $0xFFFFFFF0, v1  }
0x5b: {  	v0 =	vor.u32 v0, v1  }
0x5c: {  	v1 =	vperm.xlane v0, v2;
	_ =	sdelay $0x1  }
0x5d: {  	v0 =	vperm.xlane v0, v4;
	v1 =	vadd.s32 v3, v1;
	_ =	sdelay $0x1  }
0x5e: {  	v0 =	vadd.s32 v3, v0;
	_ =	sdelay $0x1  }
0x5f: {  	s12 =	simm.s32 $0x6100  }
0x60: {  	[tilespmem:s12], [sflag:$0x2] =	stream.indirect_vreg.gather [hbm4b:s1+s3], $0x80, v1, vm0, $0xb8;
	[tilespmem:$0x10100] =	vst v63  }
0x61: {  	s13 =	simm.s32 $0x6900  }
0x62: {  	[tilespmem:s13], [sflag:$0x2] =	stream.indirect_vreg.gather [hbm4b:s1+s3], $0x80, v0, vm0, $0xb8;
	[tilespmem:$0x10100] =	vst v63  }
0x63: {  	v0 =	vld [tilespmem:$0x70];
	_ =	sdelay $0x4  }
0x64: {  	v1 =	vshll.u32 v0, $0x1  }
0x65: {  	v0 =	vand.u32 $0x7, v0;
	v1 =	vand.u32 $0xFFFFFFF0, v1  }
0x66: {  	v0 =	vor.u32 v0, v1  }
0x67: {  	v1 =	vperm.xlane v0, v2;
	_ =	sdelay $0x1  }
0x68: {  	v0 =	vperm.xlane v0, v4;
	v1 =	vadd.s32 v3, v1;
	_ =	sdelay $0x1  }
0x69: {  	v0 =	vadd.s32 v3, v0;
	_ =	sdelay $0x1  }
0x6a: {  	s15 =	simm.s32 $0x7100  }
0x6b: {  	[tilespmem:s15], [sflag:$0x2] =	stream.indirect_vreg.gather [hbm4b:s1+s3], $0x80, v1, vm0, $0xb8;
	[tilespmem:$0x10100] =	vst v63  }
0x6c: {  	s16 =	simm.s32 $0x7900  }
0x6d: {  	[tilespmem:s16], [sflag:$0x2] =	stream.indirect_vreg.gather [hbm4b:s1+s3], $0x80, v0, vm0, $0xb8;
	[tilespmem:$0x10100] =	vst v63  }
0x6e: {  	v0 =	vld [tilespmem:$0x80];
	_ =	sdelay $0x4  }
0x6f: {  	v1 =	vshll.u32 v0, $0x1  }
0x70: {  	v0 =	vand.u32 $0x7, v0;
	v1 =	vand.u32 $0xFFFFFFF0, v1  }
0x71: {  	v0 =	vor.u32 v0, v1  }
0x72: {  	v1 =	vperm.xlane v0, v2;
	_ =	sdelay $0x1  }
0x73: {  	v0 =	vperm.xlane v0, v4;
	v1 =	vadd.s32 v3, v1;
	_ =	sdelay $0x1  }
0x74: {  	v0 =	vadd.s32 v3, v0;
	_ =	sdelay $0x2  }
0x75: {  	[tilespmem:s30], [sflag:$0x3] =	stream.indirect_vreg.gather [hbm4b:s1+s3], $0x80, v1, vm0, $0xb8;
	[tilespmem:$0x10100] =	vst v63  }
0x76: {  	s10 =	simm.s32 $0x8900  }
0x77: {  	[tilespmem:s10], [sflag:$0x3] =	stream.indirect_vreg.gather [hbm4b:s1+s3], $0x80, v0, vm0, $0xb8;
	[tilespmem:$0x10100] =	vst v63  }
0x78: {  	v0 =	vld [tilespmem:$0x90];
	_ =	sdelay $0x4  }
0x79: {  	v1 =	vshll.u32 v0, $0x1  }
0x7a: {  	v0 =	vand.u32 $0x7, v0;
	v1 =	vand.u32 $0xFFFFFFF0, v1  }
0x7b: {  	v0 =	vor.u32 v0, v1  }
0x7c: {  	v1 =	vperm.xlane v0, v2;
	_ =	sdelay $0x1  }
0x7d: {  	v0 =	vperm.xlane v0, v4;
	v1 =	vadd.s32 v3, v1;
	_ =	sdelay $0x1  }
0x7e: {  	v0 =	vadd.s32 v3, v0;
	_ =	sdelay $0x1  }
0x7f: {  	s11 =	simm.s32 $0x9100  }
0x80: {  	[tilespmem:s11], [sflag:$0x3] =	stream.indirect_vreg.gather [hbm4b:s1+s3], $0x80, v1, vm0, $0xb8;
	[tilespmem:$0x10100] =	vst v63  }
0x81: {  	s12 =	simm.s32 $0x9900  }
0x82: {  	[tilespmem:s12], [sflag:$0x3] =	stream.indirect_vreg.gather [hbm4b:s1+s3], $0x80, v0, vm0, $0xb8;
	[tilespmem:$0x10100] =	vst v63  }
0x83: {  	v0 =	vld [tilespmem:$0xA0];
	_ =	sdelay $0x4  }
0x84: {  	v1 =	vshll.u32 v0, $0x1  }
0x85: {  	v0 =	vand.u32 $0x7, v0;
	v1 =	vand.u32 $0xFFFFFFF0, v1  }
0x86: {  	v0 =	vor.u32 v0, v1  }
0x87: {  	v1 =	vperm.xlane v0, v2;
	_ =	sdelay $0x1  }
0x88: {  	v0 =	vperm.xlane v0, v4;
	v1 =	vadd.s32 v3, v1;
	_ =	sdelay $0x1  }
0x89: {  	v0 =	vadd.s32 v3, v0;
	_ =	sdelay $0x1  }
0x8a: {  	s13 =	simm.s32 $0xA100  }
0x8b: {  	[tilespmem:s13], [sflag:$0x3] =	stream.indirect_vreg.gather [hbm4b:s1+s3], $0x80, v1, vm0, $0xb8;
	[tilespmem:$0x10100] =	vst v63  }
0x8c: {  	s15 =	simm.s32 $0xA900  }
0x8d: {  	[tilespmem:s15], [sflag:$0x3] =	stream.indirect_vreg.gather [hbm4b:s1+s3], $0x80, v0, vm0, $0xb8;
	[tilespmem:$0x10100] =	vst v63  }
0x8e: {  	v0 =	vld [tilespmem:$0xB0];
	_ =	sdelay $0x4  }
0x8f: {  	v1 =	vshll.u32 v0, $0x1  }
0x90: {  	v0 =	vand.u32 $0x7, v0;
	v1 =	vand.u32 $0xFFFFFFF0, v1  }
0x91: {  	v0 =	vor.u32 v0, v1  }
0x92: {  	v1 =	vperm.xlane v0, v2;
	_ =	sdelay $0x1  }
0x93: {  	v0 =	vperm.xlane v0, v4;
	v1 =	vadd.s32 v3, v1;
	_ =	sdelay $0x1  }
0x94: {  	v0 =	vadd.s32 v3, v0;
	_ =	sdelay $0x1  }
0x95: {  	s16 =	simm.s32 $0xB100  }
0x96: {  	[tilespmem:s16], [sflag:$0x3] =	stream.indirect_vreg.gather [hbm4b:s1+s3], $0x80, v1, vm0, $0xb8;
	[tilespmem:$0x10100] =	vst v63  }
0x97: {  	s10 =	simm.s32 $0xB900  }
0x98: {  	[tilespmem:s10], [sflag:$0x3] =	stream.indirect_vreg.gather [hbm4b:s1+s3], $0x80, v0, vm0, $0xb8;
	[tilespmem:$0x10100] =	vst v63  }
0x99: {  	v0 =	vld [tilespmem:$0xC0];
	_ =	sdelay $0x4  }
0x9a: {  	v1 =	vshll.u32 v0, $0x1  }
0x9b: {  	v0 =	vand.u32 $0x7, v0;
	v1 =	vand.u32 $0xFFFFFFF0, v1  }
0x9c: {  	v0 =	vor.u32 v0, v1  }
0x9d: {  	v1 =	vperm.xlane v0, v2;
	_ =	sdelay $0x1  }
0x9e: {  	v0 =	vperm.xlane v0, v4;
	v1 =	vadd.s32 v3, v1;
	_ =	sdelay $0x1  }
0x9f: {  	v0 =	vadd.s32 v3, v0;
	_ =	sdelay $0x2  }
0xa0: {  	[tilespmem:s14], [sflag:$0x4] =	stream.indirect_vreg.gather [hbm4b:s1+s3], $0x80, v1, vm0, $0xb8;
	[tilespmem:$0x10100] =	vst v63  }
0xa1: {  	s11 =	simm.s32 $0xC900  }
0xa2: {  	[tilespmem:s11], [sflag:$0x4] =	stream.indirect_vreg.gather [hbm4b:s1+s3], $0x80, v0, vm0, $0xb8;
	[tilespmem:$0x10100] =	vst v63  }
0xa3: {  	v0 =	vld [tilespmem:$0xD0];
	_ =	sdelay $0x4  }
0xa4: {  	v1 =	vshll.u32 v0, $0x1  }
0xa5: {  	v0 =	vand.u32 $0x7, v0;
	v1 =	vand.u32 $0xFFFFFFF0, v1  }
0xa6: {  	v0 =	vor.u32 v0, v1  }
0xa7: {  	v1 =	vperm.xlane v0, v2;
	_ =	sdelay $0x1  }
0xa8: {  	v0 =	vperm.xlane v0, v4;
	v1 =	vadd.s32 v3, v1;
	_ =	sdelay $0x1  }
0xa9: {  	v0 =	vadd.s32 v3, v0;
	_ =	sdelay $0x1  }
0xaa: {  	s12 =	simm.s32 $0xD100  }
0xab: {  	[tilespmem:s12], [sflag:$0x4] =	stream.indirect_vreg.gather [hbm4b:s1+s3], $0x80, v1, vm0, $0xb8;
	[tilespmem:$0x10100] =	vst v63  }
0xac: {  	_ = 	snop  }
0xad: {  	[tilespmem:s17], [sflag:$0x4] =	stream.indirect_vreg.gather [hbm4b:s1+s3], $0x80, v0, vm0, $0xb8;
	[tilespmem:$0x10100] =	vst v63  }
0xae: {  	v0 =	vld [tilespmem:$0xE0];
	_ =	sdelay $0x4  }
0xaf: {  	v1 =	vshll.u32 v0, $0x1  }
0xb0: {  	v0 =	vand.u32 $0x7, v0;
	v1 =	vand.u32 $0xFFFFFFF0, v1  }
0xb1: {  	v0 =	vor.u32 v0, v1  }
0xb2: {  	v1 =	vperm.xlane v0, v2;
	_ =	sdelay $0x1  }
0xb3: {  	v0 =	vperm.xlane v0, v4;
	v1 =	vadd.s32 v3, v1;
	_ =	sdelay $0x1  }
0xb4: {  	v0 =	vadd.s32 v3, v0;
	_ =	sdelay $0x2  }
0xb5: {  	[tilespmem:s19], [sflag:$0x4] =	stream.indirect_vreg.gather [hbm4b:s1+s3], $0x80, v1, vm0, $0xb8;
	[tilespmem:$0x10100] =	vst v63  }
0xb6: {  	_ = 	snop  }
0xb7: {  	[tilespmem:s21], [sflag:$0x4] =	stream.indirect_vreg.gather [hbm4b:s1+s3], $0x80, v0, vm0, $0xb8;
	[tilespmem:$0x10100] =	vst v63  }
0xb8: {  	v0 =	vld [tilespmem:$0xF0];
	_ =	sdelay $0x4  }
0xb9: {  	v1 =	vshll.u32 v0, $0x1  }
0xba: {  	v0 =	vand.u32 $0x7, v0;
	v1 =	vand.u32 $0xFFFFFFF0, v1  }
0xbb: {  	v0 =	vor.u32 v0, v1  }
0xbc: {  	v1 =	vperm.xlane v0, v2;
	_ =	sdelay $0x1  }
0xbd: {  	v0 =	vperm.xlane v0, v4;
	v1 =	vadd.s32 v3, v1;
	_ =	sdelay $0x1  }
0xbe: {  	v0 =	vadd.s32 v3, v0;
	_ =	sdelay $0x2  }
0xbf: {  	[tilespmem:s22], [sflag:$0x4] =	stream.indirect_vreg.gather [hbm4b:s1+s3], $0x80, v1, vm0, $0xb8;
	[tilespmem:$0x10100] =	vst v63  }
0xc0: {  	_ = 	snop  }
0xc1: {  	[tilespmem:s23], [sflag:$0x4] =	stream.indirect_vreg.gather [hbm4b:s1+s3], $0x80, v0, vm0, $0xb8;
	[tilespmem:$0x10100] =	vst v63  }
0xc2: {  	_ =	swait.ge [sflag:s25], $0x4000  }
0xc3: {  	s13 =	sand.u32 $0x3800, s3;
	s15 =	sand.u32 $0x300, s3;
	[sflag:s25] =	ssyncset.done $0x0  }
0xc4: {  	s2 =	sor.u32 s15, s13;
	[sflag:s25] =	ssyncadd.s32 $0xFFFFC000  }
0xc5: {  	v51 =	vld [tilespmem:s2+$0x180]  }
0xc6: {  	v54 =	vld [tilespmem:s2+$0x190]  }
0xc7: {  	v55 =	vld [tilespmem:s2+$0x1A0]  }
0xc8: {  	v48 =	vld [tilespmem:s2+$0x1B0]  }
0xc9: {  	v8 =	vld [tilespmem:s2+$0x1C0]  }
0xca: {  	v15 =	vld [tilespmem:s2+$0x1D0]  }
0xcb: {  	v9 =	vld [tilespmem:s2+$0x1E0]  }
0xcc: {  	v13 =	vld [tilespmem:s2+$0x1F0]  }
0xcd: {  	v3 =	vld [tilespmem:s2+$0x580]  }
0xce: {  	v45 =	vld [tilespmem:s2+$0x590]  }
0xcf: {  	v14 =	vld [tilespmem:s2+$0x5A0]  }
0xd0: {  	v16 =	vld [tilespmem:s2+$0x5B0]  }
0xd1: {  	v22 =	vld [tilespmem:s2+$0x110]  }
0xd2: {  	v11 =	vld [tilespmem:s2+$0x5C0]  }
0xd3: {  	v12 =	vld [tilespmem:s2+$0x5D0]  }
0xd4: {  	v10 =	vld [tilespmem:s2+$0x5E0]  }
0xd5: {  	v50 =	vld [tilespmem:s2+$0x5F0]  }
0xd6: {  	v62 =	vld [tilespmem:s2+$0x100];
	[tilespmem:$0x1FF10] =	vst v22  }
0xd7: {  	v6 =	vld [tilespmem:s2+$0x120];
	_ =	sdelay $0x4  }
0xd8: {  	[tilespmem:$0x1FF20] =	vst v6  }
0xd9: {  	v23 =	vld [tilespmem:s2+$0x130];
	_ =	sdelay $0x1  }
0xda: {  	v0 =	vmul.f32 v51, v51;
	v1 =	vmul.f32 v55, v55;
	_ =	sdelay $0x1  }
0xdb: {  	v18 =	vmul.f32 v8, v8;
	v0 =	vadd.f32 v1, v0;
	[tilespmem:$0x1FEE0] =	vst v3  }
0xdc: {  	[tilespmem:$0x1FF30] =	vst v23  }
0xdd: {  	v0 =	vadd.f32 v18, v0;
	v18 =	vmul.f32 v3, v3;
	v3 =	vld [tilespmem:s2+$0x140];
	_ =	sdelay $0x3  }
0xde: {  	[tilespmem:$0x1FEF0] =	vst v45  }
0xdf: {  	[tilespmem:$0x1FF40] =	vst v3  }
0xe0: {  	v46 =	vld [tilespmem:s2+$0x150];
	_ =	sdelay $0x4  }
0xe1: {  	[tilespmem:$0x1FF50] =	vst v46  }
0xe2: {  	v5 =	vld [tilespmem:s2+$0x160];
	_ =	sdelay $0x4  }
0xe3: {  	[tilespmem:$0x1FF60] =	vst v5  }
0xe4: {  	v47 =	vld [tilespmem:s2+$0x170];
	_ =	sdelay $0x2  }
0xe5: {  	v2 =	vmul.f32 v54, v54;
	v17 =	vmul.f32 v48, v48;
	_ =	sdelay $0x1  }
0xe6: {  	v1 =	vadd.f32 v17, v2;
	v2 =	vmul.f32 v15, v15;
	[tilespmem:$0x1FF70] =	vst v47  }
0xe7: {  	v17 =	vmul.f32 v9, v9;
	v24 =	vld [tilespmem:s2+$0x500]  }
0xe8: {  	v1 =	vadd.f32 v2, v1;
	v2 =	vmul.f32 v13, v13  }
0xe9: {  	v19 =	vmul.f32 v14, v14;
	v20 =	vmul.f32 v11, v11;
	v0 =	vadd.f32 v17, v0  }
0xea: {  	v17 =	vmul.f32 v45, v45;
	v1 =	vadd.f32 v2, v1;
	v2 =	vmul.f32 v16, v16  }
0xeb: {  	v21 =	vmul.f32 v6, v6;
	v0 =	vadd.f32 v18, v0;
	v18 =	vmul.f32 v62, v62  }
0xec: {  	v1 =	vadd.f32 v17, v1;
	v17 =	vmul.f32 v22, v22;
	v22 =	vmul.f32 v23, v23;
	[tilespmem:$0x1FF80] =	vst v24  }
0xed: {  	v0 =	vadd.f32 v19, v0;
	v18 =	vadd.f32 v21, v18;
	v19 =	vmul.f32 v3, v3;
	v61 =	vld [tilespmem:s2+$0x510]  }
0xee: {  	v1 =	vadd.f32 v2, v1;
	v17 =	vadd.f32 v22, v17;
	v21 =	vmul.f32 v46, v46;
	v63 =	vld [tilespmem:s2+$0x520]  }
0xef: {  	v23 =	vmul.f32 v10, v10;
	v18 =	vadd.f32 v19, v18;
	v19 =	vmul.f32 v5, v5;
	v60 =	vld [tilespmem:s2+$0x530]  }
0xf0: {  	v22 =	vmul.f32 v12, v12;
	v17 =	vadd.f32 v21, v17;
	v21 =	vmul.f32 v47, v47;
	v57 =	vld [tilespmem:s2+$0x540]  }
0xf1: {  	v0 =	vadd.f32 v20, v0;
	v18 =	vadd.f32 v19, v18;
	v19 =	vmul.f32 v24, v24;
	v58 =	vld [tilespmem:s2+$0x550]  }
0xf2: {  	v20 =	vadd.f32 v22, v1;
	v17 =	vadd.f32 v21, v17;
	v32 =	vld [tilespmem:s2+$0x570];
	v21 =	vmul.f32 v61, v61  }
0xf3: {  	v22 =	vmul.f32 v50, v50;
	v59 =	vld [tilespmem:s2+$0x560];
	v18 =	vadd.f32 v19, v18;
	v19 =	vmul.f32 v63, v63  }
0xf4: {  	v0 =	vadd.f32 v23, v0;
	v17 =	vadd.f32 v21, v17;
	v21 =	vmul.f32 v60, v60  }
0xf5: {  	v20 =	vadd.f32 v22, v20;
	v18 =	vadd.f32 v19, v18  }
0xf6: {  	v19 =	vmul.f32 v57, v57;
	v17 =	vadd.f32 v21, v17;
	v21 =	vmul.f32 v58, v58  }
0xf7: {  	v0 =	vadd.f32 v20, v0;
	v20 =	vmul.f32 v32, v32  }
0xf8: {  	s16 =	simm.s32 $0x100;
	s11 =	simm.s32 $0x200;
	v3 =	vld [tilespmem:$0x1FFC0];
	v18 =	vadd.f32 v19, v18;
	v19 =	vmul.f32 v59, v59;
	v17 =	vadd.f32 v21, v17  }
0xf9: {  	s10 =	sand.u32 $0x300, s16;
	s11 =	sand.u32 $0x3800, s11;
	v4 =	vld [tilespmem:$0x1FFD0];
	v21 =	vperm.xlane v0, v7  }
0xfa: {  	s10 =	sor.u32 s10, s11;
	v5 =	vld [tilespmem:$0x1FFE0];
	v18 =	vadd.f32 v19, v18;
	v17 =	vadd.f32 v20, v17  }
0xfb: {  	v31 =	vld [tilespmem:s10+$0x180];
	v0 =	vadd.f32 v0, v21  }
0xfc: {  	v28 =	vld [tilespmem:s10+$0x190];
	v17 =	vadd.f32 v17, v18  }
0xfd: {  	v49 =	vld [tilespmem:s10+$0x1B0];
	v18 =	vperm.xlane v0, v3  }
0xfe: {  	v2 =	vld [tilespmem:s10+$0x1A0];
	v19 =	vperm.xlane v17, v7  }
0xff: {  	v22 =	vld [tilespmem:s10+$0x1D0];
	v0 =	vadd.f32 v0, v18  }
0x100: {  	v1 =	vld [tilespmem:s10+$0x1C0];
	v17 =	vadd.f32 v17, v19  }
0x101: {  	v27 =	vmul.f32 v28, v28;
	v19 =	vperm.xlane v0, v4  }
0x102: {  	v23 =	vld [tilespmem:s10+$0x1E0];
	v30 =	vmul.f32 v49, v49;
	v20 =	vperm.xlane v17, v3  }
0x103: {  	v24 =	vld [tilespmem:s10+$0x1F0];
	v26 =	vmul.f32 v31, v31;
	v29 =	vmul.f32 v2, v2;
	[tilespmem:$0x1FF00] =	vst v49;
	v0 =	vadd.f32 v0, v19  }
0x104: {  	v47 =	vld [tilespmem:s10+$0x5F0];
	v27 =	vadd.f32 v30, v27;
	v30 =	vmul.f32 v22, v22;
	v21 =	vadd.f32 v17, v20  }
0x105: {  	v34 =	vmul.f32 v1, v1;
	v29 =	vadd.f32 v29, v26;
	v26 =	vld [tilespmem:s10+$0x5B0];
	v20 =	vperm.xlane v0, v5  }
0x106: {  	v52 =	vadd.f32 v30, v27;
	v30 =	vld [tilespmem:s10+$0x5C0];
	v25 =	vperm.xlane v21, v4  }
0x107: {  	v37 =	vmul.f32 v23, v23;
	v29 =	vadd.f32 v34, v29;
	v0 =	vadd.f32 v0, v20;
	v20 =	vld [tilespmem:s10+$0x580]  }
0x108: {  	v38 =	vmul.f32 v24, v24;
	v33 =	vadd.f32 v21, v25;
	v21 =	vld [tilespmem:s10+$0x590]  }
0x109: {  	v37 =	vadd.f32 v37, v29;
	v29 =	vld [tilespmem:s10+$0x5E0]  }
0x10a: {  	v34 =	vadd.f32 v38, v52;
	v25 =	vld [tilespmem:s10+$0x5A0]  }
0x10b: {  	v27 =	vld [tilespmem:s10+$0x5D0];
	v49 =	vmul.f32 v26, v26;
	v46 =	vmul.f32 v30, v30;
	v0 =	vmax.f32 v0, $1.000000020e-24  }
0x10c: {  	v35 =	vshra.s32 v0, $0x1;
	v0 =	vmul.f32 $5.000000000e-01, v0;
	v36 =	vperm.xlane v33, v5  }
0x10d: {  	v42 =	vsub.s32 $0x5F3759DF, v35;
	v35 =	vld [tilespmem:s10+$0x110];
	v53 =	vmul.f32 v20, v20;
	v56 =	vmul.f32 v21, v21  }
0x10e: {  	v52 =	vmul.f32 v29, v29;
	v19 =	vmovc v2;
	v2 =	vmul.f32 v42, v0;
	v33 =	vadd.f32 v33, v36  }
0x10f: {  	v40 =	vmul.f32 v25, v25;
	v36 =	vadd.f32 v53, v37;
	v37 =	vld [tilespmem:s10+$0x140];
	v6 =	vadd.f32 v56, v34  }
0x110: {  	v18 =	vmovc v1;
	v1 =	vmul.f32 v27, v27;
	v53 =	vmul.f32 v47, v47;
	v39 =	vmax.f32 v33, $1.000000020e-24;
	v33 =	vld [tilespmem:s10+$0x100]  }
0x111: {  	v2 =	vmul.f32 v42, v2;
	v34 =	vld [tilespmem:s10+$0x120];
	v40 =	vadd.f32 v40, v36;
	v38 =	vadd.f32 v49, v6  }
0x112: {  	v41 =	vshra.s32 v39, $0x1;
	v39 =	vmul.f32 $5.000000000e-01, v39;
	v36 =	vld [tilespmem:s10+$0x130];
	v45 =	vmul.f32 v35, v35  }
0x113: {  	v0 =	vsub.s32 $0x5F3759DF, v41;
	v40 =	vadd.f32 v46, v40;
	v1 =	vadd.f32 v1, v38  }
0x114: {  	v39 =	vmul.f32 v0, v39;
	v49 =	vsub.f32 $1.500000000e+00, v2;
	v43 =	vmul.f32 v37, v37;
	v38 =	vld [tilespmem:s10+$0x150]  }
0x115: {  	v44 =	vmul.f32 v33, v33;
	v40 =	vadd.f32 v52, v40;
	v1 =	vadd.f32 v53, v1  }
0x116: {  	v56 =	vmul.f32 v0, v39;
	v39 =	vld [tilespmem:s10+$0x160];
	v46 =	vmul.f32 v42, v49  }
0x117: {  	v52 =	vmul.f32 v34, v34;
	v2 =	vmul.f32 v36, v36;
	v1 =	vadd.f32 v1, v40;
	v40 =	vld [tilespmem:s10+$0x170]  }
0x118: {  	v41 =	vld [tilespmem:s10+$0x500];
	v56 =	vsub.f32 $1.500000000e+00, v56;
	v54 =	vmul.f32 v46, v54;
	v55 =	vmul.f32 v46, v55  }
0x119: {  	v42 =	vld [tilespmem:s10+$0x510];
	v53 =	vadd.f32 v52, v44;
	v2 =	vadd.f32 v2, v45;
	v49 =	vmul.f32 v38, v38  }
0x11a: {  	v0 =	vmul.f32 v0, v56;
	v52 =	vperm.xlane v1, v7  }
0x11b: {  	v53 =	vadd.f32 v43, v53;
	v43 =	vld [tilespmem:s10+$0x520];
	v56 =	vmul.f32 v39, v39;
	v2 =	vadd.f32 v49, v2  }
0x11c: {  	v49 =	vmul.f32 v46, v50;
	v6 =	vadd.f32 v1, v52;
	v50 =	vmul.f32 v40, v40  }
0x11d: {  	[tilespmem:s2+$0x190] =	vst v54;
	v52 =	vmul.f32 v46, v51;
	v51 =	vadd.f32 v56, v53;
	v1 =	vmul.f32 v41, v41  }
0x11e: {  	[tilespmem:s2+$0x5F0] =	vst v49;
	v49 =	vadd.f32 v50, v2;
	v2 =	vmul.f32 v42, v42  }
0x11f: {  	[tilespmem:s2+$0x1A0] =	vst v55;
	v53 =	vmul.f32 v46, v48;
	v56 =	vadd.f32 v1, v51  }
0x120: {  	[tilespmem:s2+$0x180] =	vst v52;
	v54 =	vmul.f32 v43, v43;
	v2 =	vadd.f32 v2, v49;
	v49 =	vmul.f32 v46, v8  }
0x121: {  	[tilespmem:s2+$0x1B0] =	vst v53  }
0x122: {  	v53 =	vadd.f32 v54, v56;
	v54 =	vld [tilespmem:$0x1FF10];
	[tilespmem:s2+$0x1C0] =	vst v49  }
0x123: {  	v55 =	vld [tilespmem:$0x1FF20]  }
0x124: {  	v45 =	vld [tilespmem:s10+$0x540]  }
0x125: {  	v1 =	vperm.xlane v6, v3;
	v3 =	vmul.f32 v0, v62;
	_ =	sdelay $0x1  }
0x126: {  	[tilespmem:s2+$0x100] =	vst v3;
	v54 =	vmul.f32 v0, v54  }
0x127: {  	v3 =	vld [tilespmem:$0x1FF30];
	v62 =	vmul.f32 v0, v55  }
0x128: {  	v56 =	vmul.f32 v45, v45;
	[tilespmem:s2+$0x110] =	vst v54  }
0x129: {  	v44 =	vld [tilespmem:s10+$0x530];
	[tilespmem:s2+$0x120] =	vst v62  }
0x12a: {  	v53 =	vadd.f32 v56, v53;
	v56 =	vld [tilespmem:$0x1FF40];
	_ =	sdelay $0x1  }
0x12b: {  	v50 =	vld [tilespmem:s10+$0x550];
	v3 =	vmul.f32 v0, v3  }
0x12c: {  	v51 =	vld [tilespmem:s10+$0x560]  }
0x12d: {  	v52 =	vld [tilespmem:s10+$0x570];
	[tilespmem:s2+$0x130] =	vst v3  }
0x12e: {  	v48 =	vmul.f32 v44, v44;
	v62 =	vmul.f32 v0, v56;
	v56 =	vld [tilespmem:$0x1FF50];
	_ =	sdelay $0x1  }
0x12f: {  	v1 =	vadd.f32 v6, v1;
	v2 =	vadd.f32 v48, v2;
	v6 =	vmul.f32 v50, v50  }
0x130: {  	v54 =	vmul.f32 v51, v51  }
0x131: {  	v2 =	vadd.f32 v6, v2;
	v55 =	vmul.f32 v52, v52  }
0x132: {  	v3 =	vadd.f32 v54, v53;
	[tilespmem:s2+$0x140] =	vst v62;
	v53 =	vmul.f32 v0, v56  }
0x133: {  	v48 =	vperm.xlane v1, v4;
	v2 =	vadd.f32 v55, v2;
	v62 =	vld [tilespmem:$0x1FF60]  }
0x134: {  	[tilespmem:s2+$0x150] =	vst v53  }
0x135: {  	v1 =	vadd.f32 v1, v48;
	v54 =	vadd.f32 v2, v3;
	v2 =	vld [tilespmem:$0x1FF70]  }
0x136: {  	v3 =	vld [tilespmem:$0x1FF80]  }
0x137: {  	v48 =	vperm.xlane v1, v5  }
0x138: {  	v6 =	vmul.f32 v0, v62  }
0x139: {  	v1 =	vadd.f32 v1, v48;
	v55 =	vmul.f32 v0, v60;
	v62 =	vmul.f32 v0, v61  }
0x13a: {  	v56 =	vmul.f32 v0, v63;
	[tilespmem:s2+$0x160] =	vst v6;
	v2 =	vmul.f32 v0, v2  }
0x13b: {  	v1 =	vmax.f32 v1, $1.000000020e-24;
	v53 =	vmul.f32 v0, v58;
	[tilespmem:s2+$0x510] =	vst v62;
	v3 =	vmul.f32 v0, v3  }
0x13c: {  	v49 =	vshra.s32 v1, $0x1;
	v58 =	vmul.f32 $5.000000000e-01, v1;
	v1 =	vmul.f32 v0, v59;
	[tilespmem:s2+$0x170] =	vst v2  }
0x13d: {  	s13 =	simm.s32 $0x400;
	s11 =	simm.s32 $0x2;
	s12 =	simm.s32 $0x200;
	v2 =	vmul.f32 v0, v57;
	[tilespmem:s2+$0x500] =	vst v3;
	v57 =	vperm.xlane v54, v7  }
.LBB2_2:
0x13e: {  	v8 =	vld [tilespmem:$0x1FFC0];
	[tilespmem:s2+$0x520] =	vst v56  }
0x13f: {  	v3 =	vmov v51;
	[tilespmem:s2+$0x560] =	vst v1;
	v1 =	vld [tilespmem:$0x1FEE0]  }
0x140: {  	s15 =	sand.u32 $0x3800, s13;
	s16 =	sand.u32 $0x300, s12;
	v54 =	vadd.f32 v54, v57;
	v57 =	vsub.s32 $0x5F3759DF, v49;
	[tilespmem:$0x1FED0] =	vst v3;
	v3 =	vld [tilespmem:$0x1FEF0]  }
0x141: {  	s15 =	sor.u32 s16, s15;
	v62 =	vmul.f32 v57, v58;
	[tilespmem:s2+$0x540] =	vst v2;
	v2 =	vmul.f32 v46, v9;
	v9 =	vld [tilespmem:$0x1FFD0]  }
0x142: {  	v0 =	vmul.f32 v0, v32;
	v63 =	vmul.f32 v46, v15;
	[tilespmem:s2+$0x530] =	vst v55;
	v51 =	vld [tilespmem:s15+$0x180]  }
0x143: {  	v4 =	vmovc v50;
	v49 =	vmov v22;
	v50 =	vmul.f32 v46, v13;
	v61 =	vmul.f32 v46, v16;
	[tilespmem:s2+$0x550] =	vst v53;
	v53 =	vld [tilespmem:s15+$0x1A0]  }
0x144: {  	v48 =	vmovc v23;
	v32 =	vmov v52;
	v56 =	vld [tilespmem:s15+$0x1B0];
	[tilespmem:s2+$0x570] =	vst v0;
	v23 =	vmul.f32 v57, v62;
	v22 =	vperm.xlane v54, v8  }
0x145: {  	v15 =	vmovc v24;
	v6 =	vmul.f32 v46, v10;
	v0 =	vmul.f32 v46, v14;
	v59 =	vld [tilespmem:s15+$0x1C0];
	[tilespmem:s2+$0x1D0] =	vst v63;
	v62 =	vmov v20  }
0x146: {  	v52 =	vld [tilespmem:s15+$0x190];
	v23 =	vsub.f32 $1.500000000e+00, v23;
	v60 =	vmul.f32 v46, v3;
	[tilespmem:$0x1FEE0] =	vst v62;
	v3 =	vmovc v21;
	v24 =	vadd.f32 v54, v22  }
0x147: {  	v10 =	vld [tilespmem:$0x1FFE0];
	v63 =	vmul.f32 v46, v11;
	v1 =	vmul.f32 v46, v1;
	[tilespmem:$0x1FEF0] =	vst v3  }
0x148: {  	v17 =	vmovc v25;
	v16 =	vmov v26;
	v22 =	vld [tilespmem:s15+$0x1D0];
	v21 =	vmul.f32 v57, v23;
	[tilespmem:s2+$0x1E0] =	vst v2;
	v20 =	vperm.xlane v24, v9  }
0x149: {  	v13 =	vmovc v30;
	v14 =	vmov v27;
	v2 =	vmul.f32 v46, v12;
	v25 =	vmul.f32 v51, v51;
	v23 =	vld [tilespmem:s15+$0x1E0];
	[tilespmem:s2+$0x1F0] =	vst v50  }
0x14a: {  	[tilespmem:s2+$0x580] =	vst v1;
	v1 =	vmul.f32 v53, v53;
	v47 =	vmul.f32 v21, v47;
	v30 =	vadd.f32 v24, v20;
	v24 =	vld [tilespmem:s15+$0x1F0]  }
0x14b: {  	v26 =	vmul.f32 v52, v52;
	v27 =	vmul.f32 v56, v56;
	v12 =	vmovc v29;
	v46 =	vmov v21;
	v20 =	vld [tilespmem:s15+$0x580];
	[tilespmem:s2+$0x590] =	vst v60  }
0x14c: {  	v29 =	vmul.f32 v59, v59;
	v1 =	vadd.f32 v1, v25;
	v3 =	vmul.f32 v46, v31;
	[tilespmem:s10+$0x5F0] =	vst v47;
	v21 =	vld [tilespmem:s15+$0x590]  }
0x14d: {  	v25 =	vld [tilespmem:s15+$0x5A0];
	[tilespmem:s2+$0x5A0] =	vst v0;
	v7 =	vperm.xlane v30, v10  }
0x14e: {  	v11 =	vld [tilespmem:$0x1FFF0];
	v27 =	vadd.f32 v27, v26;
	v57 =	vmul.f32 v22, v22;
	v1 =	vadd.f32 v29, v1;
	[tilespmem:s10+$0x180] =	vst v3  }
0x14f: {  	v3 =	vmul.f32 v46, v28;
	v28 =	vmovc v52;
	v52 =	vld [tilespmem:s15+$0x100];
	v0 =	vmul.f32 v23, v23;
	v54 =	vadd.f32 v30, v7  }
0x150: {  	v26 =	vld [tilespmem:s15+$0x5B0];
	[tilespmem:s2+$0x5B0] =	vst v61;
	v29 =	vadd.f32 v57, v27  }
0x151: {  	v30 =	vld [tilespmem:s15+$0x5C0];
	[tilespmem:s2+$0x5C0] =	vst v63;
	v0 =	vadd.f32 v0, v1;
	v60 =	vmul.f32 v24, v24;
	v54 =	vmax.f32 v54, $1.000000020e-24  }
0x152: {  	[tilespmem:s10+$0x190] =	vst v3;
	v61 =	vmul.f32 v20, v20;
	v27 =	vld [tilespmem:s15+$0x5D0];
	v63 =	vshra.s32 v54, $0x1;
	v54 =	vmul.f32 $5.000000000e-01, v54  }
0x153: {  	v62 =	vmul.f32 v21, v21;
	v1 =	vadd.f32 v60, v29;
	v29 =	vld [tilespmem:s15+$0x5E0];
	[tilespmem:s2+$0x5D0] =	vst v2;
	v57 =	vsub.s32 $0x5F3759DF, v63  }
0x154: {  	v2 =	vmul.f32 v25, v25;
	v0 =	vadd.f32 v61, v0;
	v47 =	vld [tilespmem:s15+$0x5F0];
	[tilespmem:s2+$0x5E0] =	vst v6;
	s2 =	smov.u32 s10;
	s10 =	smov.u32 s15;
	v54 =	vmul.f32 v57, v54  }
0x155: {  	[tilespmem:$0x1FEC0] =	vst v4;
	v4 =	vmul.f32 v26, v26;
	v6 =	vmul.f32 v46, v19;
	v1 =	vadd.f32 v62, v1;
	v55 =	vld [tilespmem:s10+$0x110]  }
0x156: {  	v19 =	vmovc v53;
	v5 =	vmul.f32 v30, v30;
	v53 =	vld [tilespmem:s10+$0x120];
	v0 =	vadd.f32 v2, v0;
	v54 =	vmul.f32 v57, v54  }
0x157: {  	v60 =	vld [tilespmem:s10+$0x130];
	v2 =	vmul.f32 v27, v27;
	v1 =	vadd.f32 v4, v1  }
0x158: {  	v31 =	vmov v51;
	v0 =	vadd.f32 v5, v0;
	v51 =	vsub.f32 $1.500000000e+00, v54;
	v54 =	vld [tilespmem:$0x1FF00]  }
0x159: {  	v58 =	vld [tilespmem:s10+$0x140];
	v7 =	vmul.f32 v29, v29;
	v1 =	vadd.f32 v2, v1;
	v2 =	vmul.f32 v47, v47  }
0x15a: {  	v50 =	vmul.f32 v52, v52;
	v61 =	vld [tilespmem:s10+$0x150]  }
0x15b: {  	v63 =	vld [tilespmem:s10+$0x160];
	v5 =	vmul.f32 v46, v18;
	v0 =	vadd.f32 v7, v0;
	v1 =	vadd.f32 v2, v1  }
0x15c: {  	v3 =	vld [tilespmem:s10+$0x170];
	[tilespmem:s2+$0x1A0] =	vst v6;
	v4 =	vmov v56;
	v62 =	vmul.f32 v55, v55;
	v2 =	vmul.f32 v53, v53  }
0x15d: {  	[tilespmem:$0x1FF00] =	vst v4;
	v4 =	vld [tilespmem:s10+$0x500];
	v56 =	vmul.f32 v60, v60;
	v1 =	vadd.f32 v1, v0;
	v54 =	vmul.f32 v46, v54  }
0x15e: {  	v18 =	vmovc v59;
	v59 =	vld [tilespmem:s10+$0x510];
	v7 =	vmul.f32 v58, v58;
	v2 =	vadd.f32 v2, v50;
	v0 =	vmul.f32 v57, v51  }
0x15f: {  	v51 =	vadd.f32 v56, v62;
	v62 =	vld [tilespmem:s10+$0x520];
	v56 =	vperm.xlane v1, v11;
	[tilespmem:s2+$0x1B0] =	vst v54;
	v54 =	vmul.f32 v61, v61  }
0x160: {  	v6 =	vld [tilespmem:s10+$0x530];
	[tilespmem:s2+$0x1C0] =	vst v5;
	v5 =	vmul.f32 v63, v63;
	v2 =	vadd.f32 v7, v2;
	v57 =	vmul.f32 v0, v33  }
0x161: {  	v33 =	vmovc v52;
	v52 =	vmul.f32 v3, v3;
	v7 =	vld [tilespmem:s10+$0x540];
	v1 =	vadd.f32 v1, v56;
	v51 =	vadd.f32 v54, v51  }
0x162: {  	v50 =	vld [tilespmem:s10+$0x550];
	v2 =	vadd.f32 v5, v2;
	v5 =	vmul.f32 v4, v4  }
0x163: {  	[tilespmem:s2+$0x100] =	vst v57;
	v57 =	vmul.f32 v59, v59;
	v8 =	vperm.xlane v1, v8;
	v56 =	vadd.f32 v52, v51;
	v51 =	vld [tilespmem:s10+$0x560]  }
0x164: {  	v54 =	vmul.f32 v0, v35;
	v2 =	vadd.f32 v5, v2;
	v5 =	vmul.f32 v62, v62;
	v52 =	vld [tilespmem:s10+$0x570]  }
0x165: {  	v35 =	vmovc v55;
	v1 =	vadd.f32 v1, v8;
	v55 =	vadd.f32 v57, v56;
	v56 =	vmul.f32 v6, v6  }
0x166: {  	[tilespmem:s2+$0x110] =	vst v54;
	v54 =	vmul.f32 v0, v34;
	v2 =	vadd.f32 v5, v2;
	v5 =	vmul.f32 v7, v7  }
0x167: {  	v34 =	vmovc v53;
	v57 =	vmul.f32 v50, v50;
	v53 =	vadd.f32 v56, v55;
	v55 =	vperm.xlane v1, v9  }
0x168: {  	v2 =	vadd.f32 v5, v2;
	v9 =	vmov v48;
	v48 =	vmul.f32 v51, v51  }
0x169: {  	v53 =	vadd.f32 v57, v53;
	v57 =	vmul.f32 v52, v52;
	v1 =	vadd.f32 v1, v55  }
0x16a: {  	v8 =	vmul.f32 v0, v36  }
0x16b: {  	v2 =	vadd.f32 v48, v2;
	v53 =	vadd.f32 v57, v53;
	v55 =	vperm.xlane v1, v10  }
0x16c: {  	v36 =	vmov v60;
	v60 =	vmul.f32 v0, v38;
	[tilespmem:s2+$0x120] =	vst v54  }
0x16d: {  	[tilespmem:s2+$0x130] =	vst v8;
	v57 =	vmul.f32 v0, v40;
	v54 =	vadd.f32 v53, v2;
	v1 =	vadd.f32 v1, v55  }
0x16e: {  	v8 =	vmul.f32 v0, v37;
	v37 =	vmov v58;
	[tilespmem:s2+$0x150] =	vst v60  }
0x16f: {  	s11 =	sadd.s32 $0x2, s11;
	v60 =	vmul.f32 v0, v42;
	v40 =	vmovc v3;
	v3 =	vld [tilespmem:$0x1FEC0];
	[tilespmem:s2+$0x170] =	vst v57;
	v57 =	vperm.xlane v54, v11;
	v1 =	vmax.f32 v1, $1.000000020e-24  }
0x170: {  	p0 =	slt.u32 s11, $0x3E;
	v11 =	vmovc v13;
	v13 =	vmovc v15;
	v15 =	vmov v49;
	v49 =	vshra.s32 v1, $0x1;
	v58 =	vmul.f32 $5.000000000e-01, v1;
	v1 =	vld [tilespmem:$0x1FED0]  }
.Ltmp0:
0x171: {  	[tilespmem:s2+$0x140] =	vst v8;
	v8 =	vmul.f32 v0, v39;
	(pc) =	sbr.rel @p0 .LBB2_2-.Ltmp0, $4  }
0x172: {  	v38 =	vmov v61;
	v56 =	vmul.f32 v0, v43;
	[tilespmem:s2+$0x510] =	vst v60  }
0x173: {  	v42 =	vmovc v59;
	v43 =	vmovc v62;
	v39 =	vmov v63;
	v48 =	vmul.f32 v0, v41;
	[tilespmem:s2+$0x160] =	vst v8;
	v41 =	vmov v4  }
0x174: {  	v10 =	vmovc v12;
	v12 =	vmovc v14;
	v14 =	vmov v17;
	v55 =	vmul.f32 v0, v44;
	v2 =	vmul.f32 v0, v45  }
0x175: {  	s12 =	sadd.s32 $0x100, s12;
	s13 =	sadd.s32 $0x200, s13;
	[tilespmem:s2+$0x500] =	vst v48;
	v44 =	vmovc v6;
	v45 =	vmov v7;
	v53 =	vmul.f32 v0, v3;
	v1 =	vmul.f32 v0, v1  }
0x176: {  	v7 =	vld [tilespmem:$0x1FFC0];
	_ =	sdelay $0x1  }
0x177: {  	[tilespmem:s2+$0x520] =	vst v56  }
0x178: {  	v3 =	vadd.f32 v54, v57;
	[tilespmem:s2+$0x530] =	vst v55  }
0x179: {  	v8 =	vld [tilespmem:$0x1FFD0];
	[tilespmem:s2+$0x540] =	vst v2  }
0x17a: {  	v57 =	vsub.s32 $0x5F3759DF, v49;
	v0 =	vmul.f32 v0, v32;
	[tilespmem:s2+$0x550] =	vst v53;
	v4 =	vperm.xlane v3, v7  }
0x17b: {  	v5 =	vmul.f32 v57, v58;
	v58 =	vmul.f32 v46, v15;
	[tilespmem:s2+$0x560] =	vst v1  }
0x17c: {  	[tilespmem:s2+$0x570] =	vst v0;
	v3 =	vadd.f32 v3, v4  }
0x17d: {  	v59 =	vmul.f32 v46, v13;
	v1 =	vmul.f32 v46, v9;
	v9 =	vld [tilespmem:$0x1FFE0];
	[tilespmem:s2+$0x1D0] =	vst v58  }
0x17e: {  	v2 =	vmul.f32 v57, v5;
	v5 =	vld [tilespmem:$0x1FEE0];
	v6 =	vperm.xlane v3, v8  }
0x17f: {  	v60 =	vmul.f32 v46, v14;
	[tilespmem:s2+$0x1E0] =	vst v1  }
0x180: {  	v61 =	vmul.f32 v46, v16;
	v2 =	vsub.f32 $1.500000000e+00, v2;
	v1 =	vld [tilespmem:$0x1FEF0];
	[tilespmem:s2+$0x1F0] =	vst v59;
	v3 =	vadd.f32 v3, v6  }
0x181: {  	v63 =	vmul.f32 v46, v12;
	v32 =	vmul.f32 v46, v10;
	[tilespmem:s2+$0x5A0] =	vst v60  }
0x182: {  	[tilespmem:s2+$0x5B0] =	vst v61;
	v2 =	vmul.f32 v57, v2;
	v0 =	vperm.xlane v3, v9  }
0x183: {  	[tilespmem:s2+$0x5D0] =	vst v63;
	v5 =	vmul.f32 v46, v5  }
0x184: {  	[tilespmem:s2+$0x5E0] =	vst v32;
	v0 =	vadd.f32 v3, v0;
	v3 =	vmul.f32 v2, v47  }
0x185: {  	v1 =	vmul.f32 v46, v1;
	[tilespmem:s2+$0x580] =	vst v5  }
0x186: {  	v0 =	vmax.f32 v0, $1.000000020e-24;
	[tilespmem:s10+$0x5F0] =	vst v3;
	v3 =	vmul.f32 v46, v11  }
0x187: {  	v62 =	vmul.f32 v2, v31;
	[tilespmem:s2+$0x590] =	vst v1;
	v1 =	vshra.s32 v0, $0x1;
	v0 =	vmul.f32 $5.000000000e-01, v0  }
0x188: {  	v1 =	vsub.s32 $0x5F3759DF, v1;
	[tilespmem:s2+$0x5C0] =	vst v3;
	v3 =	vmul.f32 v2, v28  }
0x189: {  	[tilespmem:s10+$0x180] =	vst v62;
	v0 =	vmul.f32 v1, v0  }
0x18a: {  	[tilespmem:s10+$0x190] =	vst v3  }
0x18b: {  	v0 =	vmul.f32 v1, v0;
	v4 =	vld [tilespmem:$0x1FF00];
	_ =	sdelay $0x1  }
0x18c: {  	v0 =	vsub.f32 $1.500000000e+00, v0  }
0x18d: {  	v3 =	vmul.f32 v2, v19  }
0x18e: {  	v0 =	vmul.f32 v1, v0;
	v1 =	vmul.f32 v2, v18  }
0x18f: {  	[tilespmem:s10+$0x1A0] =	vst v3;
	v4 =	vmul.f32 v2, v4  }
0x190: {  	v3 =	vmul.f32 v0, v33;
	[tilespmem:s10+$0x1C0] =	vst v1  }
0x191: {  	v1 =	vmul.f32 v0, v35;
	[tilespmem:s10+$0x1B0] =	vst v4  }
0x192: {  	v35 =	vmul.f32 v0, v43;
	[tilespmem:s10+$0x100] =	vst v3  }
0x193: {  	v3 =	vmul.f32 v0, v34;
	[tilespmem:s10+$0x110] =	vst v1  }
0x194: {  	v1 =	vmul.f32 v0, v36;
	[tilespmem:s10+$0x520] =	vst v35  }
0x195: {  	v34 =	vmul.f32 v0, v40;
	[tilespmem:s10+$0x120] =	vst v3  }
0x196: {  	v36 =	vmul.f32 v0, v50;
	[tilespmem:s10+$0x130] =	vst v1  }
0x197: {  	v3 =	vmul.f32 v0, v37;
	[tilespmem:s10+$0x170] =	vst v34  }
0x198: {  	v1 =	vmul.f32 v0, v38;
	[tilespmem:s10+$0x550] =	vst v36  }
0x199: {  	[tilespmem:s10+$0x140] =	vst v3;
	v3 =	vmul.f32 v0, v39  }
0x19a: {  	[tilespmem:s10+$0x150] =	vst v1;
	v1 =	vmul.f32 v0, v41  }
0x19b: {  	[tilespmem:s10+$0x160] =	vst v3;
	v3 =	vmul.f32 v0, v42  }
0x19c: {  	[tilespmem:s10+$0x500] =	vst v1;
	v1 =	vmul.f32 v0, v44  }
0x19d: {  	[tilespmem:s10+$0x510] =	vst v3;
	v3 =	vmul.f32 v0, v45  }
0x19e: {  	[tilespmem:s10+$0x530] =	vst v1;
	v1 =	vmul.f32 v0, v51  }
0x19f: {  	v0 =	vmul.f32 v0, v52;
	[tilespmem:s10+$0x540] =	vst v3  }
0x1a0: {  	v3 =	vmul.f32 v2, v22;
	[tilespmem:s10+$0x560] =	vst v1  }
0x1a1: {  	v1 =	vmul.f32 v2, v23;
	[tilespmem:s10+$0x570] =	vst v0  }
0x1a2: {  	v0 =	vmul.f32 v2, v24;
	[tilespmem:s10+$0x1D0] =	vst v3  }
0x1a3: {  	v3 =	vmul.f32 v2, v20;
	[tilespmem:s10+$0x1E0] =	vst v1  }
0x1a4: {  	v1 =	vmul.f32 v2, v21;
	[tilespmem:s10+$0x1F0] =	vst v0  }
0x1a5: {  	v0 =	vmul.f32 v2, v25;
	[tilespmem:s10+$0x580] =	vst v3  }
0x1a6: {  	v3 =	vmul.f32 v2, v26;
	[tilespmem:s10+$0x590] =	vst v1  }
0x1a7: {  	v1 =	vmul.f32 v2, v30;
	[tilespmem:s10+$0x5A0] =	vst v0  }
0x1a8: {  	v0 =	vmul.f32 v2, v27;
	[tilespmem:s10+$0x5B0] =	vst v3  }
0x1a9: {  	v2 =	vmul.f32 v2, v29;
	[tilespmem:s10+$0x5C0] =	vst v1  }
0x1aa: {  	[tilespmem:s10+$0x5D0] =	vst v0  }
0x1ab: {  	[tilespmem:s10+$0x5E0] =	vst v2  }
0x1ac: {  	[hbm4b:s5+s3] =	stream.linear.scatter [tilespmem:s24], [sflag:$0x5], $0x4000, $0x38;
	[tilespmem:$0x10100] =	vst v63  }
0x1ad: {  	s13 =	simm.s32 $0x2000;
	s15 =	simm.s32 $0x4000;
	_ =	swait.ge [sflag:s26], $0x4000  }
0x1ae: {  	s2 =	sand.u32 $0x300, s13;
	s10 =	sand.u32 $0x7800, s15;
	[sflag:s26] =	ssyncset.done $0x0  }
0x1af: {  	s2 =	sor.u32 s2, s10;
	[sflag:s26] =	ssyncadd.s32 $0xFFFFC000  }
0x1b0: {  	v3 =	vld [tilespmem:s2+$0x1B0];
	_ =	sdelay $0x2  }
0x1b1: {  	v50 =	vld [tilespmem:s2+$0x180]  }
0x1b2: {  	v51 =	vld [tilespmem:s2+$0x190]  }
0x1b3: {  	v52 =	vld [tilespmem:s2+$0x1A0];
	[tilespmem:$0x1FE60] =	vst v3  }
0x1b4: {  	v16 =	vld [tilespmem:s2+$0x1C0];
	_ =	sdelay $0x4  }
0x1b5: {  	[tilespmem:$0x1FE70] =	vst v16  }
0x1b6: {  	v15 =	vld [tilespmem:s2+$0x1D0]  }
0x1b7: {  	v10 =	vld [tilespmem:s2+$0x1E0]  }
0x1b8: {  	v14 =	vld [tilespmem:s2+$0x1F0]  }
0x1b9: {  	v17 =	vld [tilespmem:s2+$0x580]  }
0x1ba: {  	v18 =	vld [tilespmem:s2+$0x590]  }
0x1bb: {  	v37 =	vld [tilespmem:s2+$0x5A0]  }
0x1bc: {  	v38 =	vld [tilespmem:s2+$0x5B0]  }
0x1bd: {  	v12 =	vld [tilespmem:s2+$0x5C0]  }
0x1be: {  	v13 =	vld [tilespmem:s2+$0x5D0]  }
0x1bf: {  	v11 =	vld [tilespmem:s2+$0x5E0]  }
0x1c0: {  	v44 =	vld [tilespmem:s2+$0x5F0]  }
0x1c1: {  	v62 =	vld [tilespmem:s2+$0x100]  }
0x1c2: {  	v0 =	vmul.f32 v50, v50;
	v1 =	vmul.f32 v52, v52;
	v60 =	vld [tilespmem:s2+$0x110];
	[tilespmem:$0x1FE20] =	vst v15  }
0x1c3: {  	v2 =	vmul.f32 v51, v51;
	v3 =	vmul.f32 v3, v3;
	v54 =	vld [tilespmem:s2+$0x120];
	[tilespmem:$0x1FE30] =	vst v10  }
0x1c4: {  	v58 =	vld [tilespmem:s2+$0x130];
	[tilespmem:$0x1FE40] =	vst v17  }
0x1c5: {  	v0 =	vadd.f32 v1, v0;
	v1 =	vadd.f32 v3, v2;
	v3 =	vmul.f32 v10, v10;
	v10 =	vld [tilespmem:s2+$0x140];
	_ =	sdelay $0x3  }
0x1c6: {  	[tilespmem:$0x1FE50] =	vst v37  }
0x1c7: {  	[tilespmem:$0x1FE80] =	vst v10  }
0x1c8: {  	v2 =	vmul.f32 v15, v15;
	v15 =	vld [tilespmem:s2+$0x150];
	_ =	sdelay $0x4  }
0x1c9: {  	[tilespmem:$0x1FE90] =	vst v15  }
0x1ca: {  	v19 =	vld [tilespmem:s2+$0x160];
	_ =	sdelay $0x4  }
0x1cb: {  	v39 =	vmul.f32 v16, v16;
	[tilespmem:$0x1FEA0] =	vst v19  }
0x1cc: {  	v20 =	vld [tilespmem:s2+$0x170]  }
0x1cd: {  	v0 =	vadd.f32 v39, v0;
	v40 =	vmul.f32 v17, v17  }
0x1ce: {  	v5 =	vmul.f32 v37, v37;
	v1 =	vadd.f32 v2, v1;
	v2 =	vmul.f32 v14, v14  }
0x1cf: {  	v41 =	vmul.f32 v12, v12;
	v42 =	vmul.f32 v62, v62  }
0x1d0: {  	v0 =	vadd.f32 v3, v0;
	v3 =	vmul.f32 v18, v18;
	v1 =	vadd.f32 v2, v1  }
0x1d1: {  	v2 =	vmul.f32 v38, v38;
	v17 =	vmul.f32 v54, v54;
	[tilespmem:$0x1FEB0] =	vst v20  }
0x1d2: {  	v16 =	vmovc v18;
	v1 =	vadd.f32 v3, v1;
	v3 =	vmul.f32 v60, v60;
	v18 =	vmul.f32 v58, v58;
	v56 =	vld [tilespmem:s2+$0x500]  }
0x1d3: {  	v0 =	vadd.f32 v40, v0;
	v4 =	vadd.f32 v17, v42;
	v43 =	vmul.f32 v10, v10;
	v61 =	vld [tilespmem:s2+$0x510]  }
0x1d4: {  	v17 =	vadd.f32 v2, v1;
	v1 =	vadd.f32 v18, v3;
	v3 =	vmul.f32 v15, v15;
	v63 =	vld [tilespmem:s2+$0x520]  }
0x1d5: {  	v18 =	vmul.f32 v13, v13;
	v4 =	vadd.f32 v43, v4;
	v45 =	vmul.f32 v19, v19;
	v55 =	vld [tilespmem:s2+$0x530]  }
0x1d6: {  	v0 =	vadd.f32 v5, v0;
	v3 =	vadd.f32 v3, v1;
	v20 =	vmul.f32 v20, v20;
	v57 =	vld [tilespmem:s2+$0x540]  }
0x1d7: {  	v47 =	vadd.f32 v18, v17;
	v18 =	vmul.f32 v44, v44;
	v4 =	vadd.f32 v45, v4;
	v53 =	vld [tilespmem:s2+$0x550]  }
0x1d8: {  	v59 =	vld [tilespmem:s2+$0x560];
	v3 =	vadd.f32 v20, v3;
	v46 =	vmul.f32 v56, v56;
	v17 =	vmul.f32 v61, v61  }
0x1d9: {  	v0 =	vadd.f32 v41, v0;
	v19 =	vmul.f32 v11, v11;
	v32 =	vld [tilespmem:s2+$0x570];
	v49 =	vmul.f32 v63, v63  }
0x1da: {  	v10 =	vld [tilespmem:$0x1FFF0];
	v4 =	vadd.f32 v46, v4;
	v3 =	vadd.f32 v17, v3;
	v17 =	vmul.f32 v55, v55  }
0x1db: {  	v6 =	vadd.f32 v18, v47;
	v0 =	vadd.f32 v19, v0;
	v35 =	vmul.f32 v57, v57  }
0x1dc: {  	v4 =	vadd.f32 v49, v4;
	v3 =	vadd.f32 v17, v3;
	v17 =	vmul.f32 v53, v53  }
0x1dd: {  	v0 =	vadd.f32 v6, v0;
	v36 =	vmul.f32 v59, v59  }
0x1de: {  	s16 =	simm.s32 $0x2100;
	s11 =	simm.s32 $0x4200;
	v37 =	vmul.f32 v32, v32;
	v4 =	vadd.f32 v35, v4;
	v3 =	vadd.f32 v17, v3  }
0x1df: {  	s11 =	sand.u32 $0x7800, s11;
	s10 =	sand.u32 $0x300, s16;
	v17 =	vperm.xlane v0, v10  }
0x1e0: {  	s10 =	sor.u32 s10, s11;
	v4 =	vadd.f32 v36, v4;
	v3 =	vadd.f32 v37, v3  }
0x1e1: {  	v31 =	vld [tilespmem:s10+$0x180];
	v0 =	vadd.f32 v0, v17  }
0x1e2: {  	v28 =	vld [tilespmem:s10+$0x190];
	v3 =	vadd.f32 v3, v4  }
0x1e3: {  	v48 =	vmov v38;
	v18 =	vld [tilespmem:s10+$0x1A0];
	v38 =	vperm.xlane v0, v7  }
0x1e4: {  	v19 =	vld [tilespmem:s10+$0x1B0];
	v39 =	vperm.xlane v3, v10  }
0x1e5: {  	v22 =	vld [tilespmem:s10+$0x1D0];
	v0 =	vadd.f32 v0, v38  }
0x1e6: {  	v23 =	vld [tilespmem:s10+$0x1E0];
	v3 =	vadd.f32 v3, v39  }
0x1e7: {  	v24 =	vld [tilespmem:s10+$0x1F0];
	v4 =	vperm.xlane v0, v8  }
0x1e8: {  	v40 =	vmul.f32 v31, v31;
	v17 =	vld [tilespmem:s10+$0x1C0];
	v5 =	vperm.xlane v3, v7  }
0x1e9: {  	v21 =	vld [tilespmem:s10+$0x590];
	v41 =	vmul.f32 v28, v28;
	v25 =	vmul.f32 v18, v18;
	v0 =	vadd.f32 v0, v4  }
0x1ea: {  	v20 =	vld [tilespmem:s10+$0x580];
	v26 =	vmul.f32 v19, v19;
	v27 =	vmul.f32 v22, v22;
	v3 =	vadd.f32 v3, v5  }
0x1eb: {  	v45 =	vmul.f32 v23, v23;
	v4 =	vperm.xlane v0, v9  }
0x1ec: {  	v30 =	vld [tilespmem:s10+$0x5C0];
	v47 =	vmul.f32 v24, v24;
	v6 =	vadd.f32 v26, v41;
	v5 =	vperm.xlane v3, v8  }
0x1ed: {  	v26 =	vld [tilespmem:s10+$0x5B0];
	v42 =	vmul.f32 v17, v17;
	v0 =	vadd.f32 v0, v4;
	v4 =	vadd.f32 v25, v40  }
0x1ee: {  	v46 =	vadd.f32 v27, v6;
	v6 =	vmul.f32 v21, v21;
	v25 =	vld [tilespmem:s10+$0x5A0];
	v3 =	vadd.f32 v3, v5  }
0x1ef: {  	v33 =	vld [tilespmem:s10+$0x100];
	v35 =	vmul.f32 v20, v20;
	v0 =	vmax.f32 v0, $1.000000020e-24;
	v4 =	vadd.f32 v42, v4  }
0x1f0: {  	v27 =	vld [tilespmem:s10+$0x5D0];
	v5 =	vadd.f32 v47, v46;
	v43 =	vshra.s32 v0, $0x1;
	v29 =	vperm.xlane v3, v9  }
0x1f1: {  	v34 =	vld [tilespmem:s10+$0x120];
	v0 =	vmul.f32 $5.000000000e-01, v0;
	v4 =	vadd.f32 v45, v4;
	v42 =	vsub.s32 $0x5F3759DF, v43  }
0x1f2: {  	v47 =	vld [tilespmem:s10+$0x5F0];
	v5 =	vadd.f32 v6, v5;
	v43 =	vmul.f32 v26, v26;
	v3 =	vadd.f32 v3, v29  }
0x1f3: {  	v46 =	vmul.f32 v30, v30;
	v49 =	vmul.f32 v25, v25;
	v29 =	vld [tilespmem:s10+$0x5E0];
	v4 =	vadd.f32 v35, v4  }
0x1f4: {  	v36 =	vld [tilespmem:s10+$0x130];
	v39 =	vmul.f32 v42, v0;
	v5 =	vadd.f32 v43, v5;
	v3 =	vmax.f32 v3, $1.000000020e-24  }
0x1f5: {  	v37 =	vld [tilespmem:s10+$0x140];
	v4 =	vadd.f32 v49, v4;
	v49 =	vmul.f32 v27, v27;
	v45 =	vshra.s32 v3, $0x1  }
0x1f6: {  	v35 =	vld [tilespmem:s10+$0x110];
	v39 =	vmul.f32 v42, v39;
	v3 =	vmul.f32 $5.000000000e-01, v3;
	v0 =	vsub.s32 $0x5F3759DF, v45  }
0x1f7: {  	v38 =	vld [tilespmem:s10+$0x150];
	v4 =	vadd.f32 v46, v4;
	v5 =	vadd.f32 v49, v5;
	v46 =	vmul.f32 v47, v47  }
0x1f8: {  	v43 =	vsub.f32 $1.500000000e+00, v39;
	v39 =	vld [tilespmem:s10+$0x160];
	v45 =	vmul.f32 v29, v29;
	v3 =	vmul.f32 v0, v3  }
0x1f9: {  	v41 =	vmul.f32 v33, v33;
	v5 =	vadd.f32 v46, v5;
	v46 =	vmul.f32 v34, v34  }
0x1fa: {  	v1 =	vmul.f32 v37, v37;
	v4 =	vadd.f32 v45, v4;
	v3 =	vmul.f32 v0, v3  }
0x1fb: {  	v49 =	vmul.f32 v36, v36;
	v6 =	vmul.f32 v35, v35;
	v2 =	vadd.f32 v46, v41  }
0x1fc: {  	v46 =	vmul.f32 v42, v43;
	v4 =	vadd.f32 v5, v4;
	v3 =	vsub.f32 $1.500000000e+00, v3  }
0x1fd: {  	v5 =	vadd.f32 v49, v6;
	v49 =	vmul.f32 v38, v38;
	v6 =	vmul.f32 v39, v39  }
0x1fe: {  	v45 =	vadd.f32 v1, v2;
	v15 =	vmul.f32 v46, v50;
	v2 =	vperm.xlane v4, v10  }
0x1ff: {  	v0 =	vmul.f32 v0, v3;
	v49 =	vadd.f32 v49, v5;
	v5 =	vmul.f32 v46, v44  }
0x200: {  	v41 =	vld [tilespmem:s10+$0x500];
	[tilespmem:s2+$0x180] =	vst v15;
	v3 =	vadd.f32 v4, v2;
	v4 =	vadd.f32 v6, v45;
	v6 =	vmul.f32 v46, v51  }
0x201: {  	[tilespmem:s2+$0x5F0] =	vst v5  }
0x202: {  	v5 =	vmul.f32 v46, v52;
	v52 =	vld [tilespmem:$0x1FE60];
	[tilespmem:s2+$0x190] =	vst v6  }
0x203: {  	v6 =	vld [tilespmem:$0x1FE70]  }
0x204: {  	v40 =	vld [tilespmem:s10+$0x170]  }
0x205: {  	v2 =	vmul.f32 v41, v41  }
0x206: {  	v42 =	vld [tilespmem:s10+$0x510];
	[tilespmem:s2+$0x1A0] =	vst v5;
	v5 =	vmul.f32 v0, v62  }
0x207: {  	v43 =	vld [tilespmem:s10+$0x520];
	v2 =	vadd.f32 v2, v4;
	v4 =	vmul.f32 v46, v52  }
0x208: {  	v50 =	vld [tilespmem:s10+$0x550];
	[tilespmem:s2+$0x100] =	vst v5;
	v6 =	vmul.f32 v46, v6  }
0x209: {  	v1 =	vmul.f32 v40, v40;
	v44 =	vld [tilespmem:s10+$0x530];
	[tilespmem:s2+$0x1B0] =	vst v4;
	v4 =	vmul.f32 v0, v60  }
0x20a: {  	v45 =	vld [tilespmem:s10+$0x540];
	[tilespmem:s2+$0x1C0] =	vst v6;
	v6 =	vmul.f32 v0, v54  }
0x20b: {  	v1 =	vadd.f32 v1, v49;
	v49 =	vmul.f32 v42, v42;
	v51 =	vld [tilespmem:s10+$0x560];
	v54 =	vmul.f32 v0, v58;
	[tilespmem:s2+$0x110] =	vst v4  }
0x20c: {  	v52 =	vld [tilespmem:s10+$0x570];
	[tilespmem:s2+$0x120] =	vst v6  }
0x20d: {  	v1 =	vadd.f32 v49, v1;
	v49 =	vmul.f32 v43, v43;
	v6 =	vld [tilespmem:$0x1FE80];
	[tilespmem:s2+$0x130] =	vst v54  }
0x20e: {  	v62 =	vmul.f32 v44, v44;
	v54 =	vld [tilespmem:$0x1FE90]  }
0x20f: {  	v7 =	vperm.xlane v3, v7;
	v2 =	vadd.f32 v49, v2;
	v60 =	vmul.f32 v45, v45  }
0x210: {  	v1 =	vadd.f32 v62, v1;
	v62 =	vmul.f32 v50, v50  }
0x211: {  	v3 =	vadd.f32 v3, v7;
	v2 =	vadd.f32 v60, v2;
	v60 =	vmul.f32 v51, v51  }
0x212: {  	v1 =	vadd.f32 v62, v1;
	v62 =	vmul.f32 v52, v52;
	v6 =	vmul.f32 v0, v6  }
0x213: {  	v58 =	vperm.xlane v3, v8;
	v4 =	vmul.f32 v0, v54  }
0x214: {  	v2 =	vadd.f32 v60, v2;
	v1 =	vadd.f32 v62, v1;
	[tilespmem:s2+$0x140] =	vst v6  }
0x215: {  	v3 =	vadd.f32 v3, v58;
	v5 =	vld [tilespmem:$0x1FEA0];
	[tilespmem:s2+$0x150] =	vst v4  }
0x216: {  	v54 =	vadd.f32 v1, v2;
	v1 =	vld [tilespmem:$0x1FEB0]  }
0x217: {  	v58 =	vperm.xlane v3, v9  }
0x218: {  	v60 =	vmul.f32 v0, v56  }
0x219: {  	v55 =	vmul.f32 v0, v55;
	v62 =	vmul.f32 v0, v61;
	v3 =	vadd.f32 v3, v58  }
0x21a: {  	v56 =	vmul.f32 v0, v63;
	[tilespmem:s2+$0x500] =	vst v60;
	v5 =	vmul.f32 v0, v5  }
0x21b: {  	v3 =	vmax.f32 v3, $1.000000020e-24;
	v2 =	vmul.f32 v0, v57;
	[tilespmem:s2+$0x510] =	vst v62;
	v1 =	vmul.f32 v0, v1  }
0x21c: {  	v58 =	vmul.f32 $5.000000000e-01, v3;
	v57 =	vperm.xlane v54, v10;
	[tilespmem:s2+$0x160] =	vst v5  }
0x21d: {  	s12 =	simm.s32 $0x2200;
	s13 =	simm.s32 $0x4400;
	s11 =	simm.s32 $0x42;
	v49 =	vshra.s32 v3, $0x1;
	[tilespmem:s2+$0x170] =	vst v1;
	v1 =	vmul.f32 v0, v53;
	v53 =	vmul.f32 v0, v59  }
.LBB2_4:
0x21e: {  	v6 =	vld [tilespmem:$0x1FE20]  }
0x21f: {  	[tilespmem:s2+$0x520] =	vst v56;
	v8 =	vld [tilespmem:$0x1FFC0]  }
0x220: {  	[tilespmem:s2+$0x550] =	vst v1;
	v59 =	vld [tilespmem:$0x1FE40]  }
0x221: {  	v0 =	vmul.f32 v0, v32;
	v9 =	vmov v51;
	[tilespmem:s2+$0x540] =	vst v2;
	v2 =	vld [tilespmem:$0x1FE30]  }
0x222: {  	s15 =	sand.u32 $0x7800, s13;
	s16 =	sand.u32 $0x300, s12;
	v4 =	vsub.s32 $0x5F3759DF, v49;
	[tilespmem:$0x1FE10] =	vst v9;
	v9 =	vld [tilespmem:$0x1FFD0]  }
0x223: {  	s15 =	sor.u32 s16, s15;
	v5 =	vmul.f32 v4, v58;
	[tilespmem:s2+$0x570] =	vst v0;
	v0 =	vld [tilespmem:$0x1FE50]  }
0x224: {  	v49 =	vmovc v50;
	v10 =	vmov v22;
	v1 =	vmul.f32 v46, v14;
	v60 =	vmul.f32 v46, v48;
	[tilespmem:s2+$0x530] =	vst v55;
	v50 =	vld [tilespmem:s15+$0x180]  }
0x225: {  	v61 =	vmul.f32 v46, v12;
	v3 =	vadd.f32 v54, v57;
	[tilespmem:$0x1FE20] =	vst v10;
	v51 =	vld [tilespmem:s15+$0x190];
	v5 =	vmul.f32 v4, v5  }
0x226: {  	v32 =	vmovc v52;
	v62 =	vmov v25;
	[tilespmem:s2+$0x560] =	vst v53;
	v54 =	vmul.f32 v46, v16;
	v55 =	vld [tilespmem:s15+$0x1B0];
	v6 =	vmul.f32 v46, v6  }
0x227: {  	v52 =	vld [tilespmem:s15+$0x1A0];
	[tilespmem:$0x1FE50] =	vst v62;
	v10 =	vmovc v20;
	v22 =	vperm.xlane v3, v8;
	v53 =	vmul.f32 v46, v59;
	v5 =	vsub.f32 $1.500000000e+00, v5  }
0x228: {  	v57 =	vld [tilespmem:s15+$0x1C0];
	[tilespmem:$0x1FE40] =	vst v10;
	v2 =	vmul.f32 v46, v2;
	v0 =	vmul.f32 v46, v0  }
0x229: {  	v10 =	vld [tilespmem:$0x1FFE0];
	v3 =	vadd.f32 v3, v22;
	[tilespmem:s2+$0x1D0] =	vst v6;
	v4 =	vmul.f32 v4, v5;
	v63 =	vmul.f32 v50, v50  }
0x22a: {  	v25 =	vmul.f32 v51, v51;
	v22 =	vld [tilespmem:s15+$0x1D0];
	[tilespmem:s2+$0x1E0] =	vst v2;
	v2 =	vmul.f32 v46, v13  }
0x22b: {  	v7 =	vmovc v23;
	v13 =	vmov v27;
	v27 =	vmul.f32 v55, v55;
	v20 =	vperm.xlane v3, v9;
	v23 =	vld [tilespmem:s15+$0x1E0];
	[tilespmem:s2+$0x1F0] =	vst v1  }
0x22c: {  	v15 =	vmovc v24;
	v48 =	vmov v26;
	[tilespmem:s2+$0x580] =	vst v53;
	v1 =	vmul.f32 v46, v11;
	v26 =	vmul.f32 v4, v47;
	v24 =	vld [tilespmem:s15+$0x1F0]  }
0x22d: {  	v46 =	vmov v4;
	v47 =	vmul.f32 v52, v52;
	v3 =	vadd.f32 v3, v20;
	v20 =	vld [tilespmem:s15+$0x580];
	[tilespmem:s2+$0x590] =	vst v54  }
0x22e: {  	v12 =	vmov v29;
	v16 =	vmov v21;
	v59 =	vmul.f32 v46, v28;
	[tilespmem:s10+$0x5F0] =	vst v26;
	v21 =	vld [tilespmem:s15+$0x590]  }
0x22f: {  	v29 =	vmul.f32 v57, v57;
	v53 =	vadd.f32 v27, v25;
	v4 =	vadd.f32 v47, v63;
	v25 =	vld [tilespmem:s15+$0x5A0];
	[tilespmem:s2+$0x5A0] =	vst v0  }
0x230: {  	v14 =	vmovc v30;
	v28 =	vmov v51;
	v51 =	vld [tilespmem:s15+$0x100];
	[tilespmem:s10+$0x190] =	vst v59;
	v30 =	vperm.xlane v3, v10;
	v27 =	vmul.f32 v22, v22  }
0x231: {  	v54 =	vmul.f32 v46, v31;
	v26 =	vld [tilespmem:s15+$0x5B0];
	[tilespmem:s2+$0x5B0] =	vst v60;
	v4 =	vadd.f32 v29, v4;
	v0 =	vmul.f32 v23, v23  }
0x232: {  	v3 =	vadd.f32 v3, v30;
	v5 =	vadd.f32 v27, v53;
	v29 =	vmul.f32 v24, v24;
	v30 =	vld [tilespmem:s15+$0x5C0];
	[tilespmem:s2+$0x5C0] =	vst v61  }
0x233: {  	[tilespmem:s10+$0x180] =	vst v54;
	v58 =	vmul.f32 v20, v20;
	v27 =	vld [tilespmem:s15+$0x5D0];
	v0 =	vadd.f32 v0, v4  }
0x234: {  	v3 =	vmax.f32 v3, $1.000000020e-24;
	v60 =	vadd.f32 v29, v5;
	v61 =	vmul.f32 v21, v21;
	v29 =	vld [tilespmem:s15+$0x5E0];
	[tilespmem:s2+$0x5D0] =	vst v2  }
0x235: {  	v59 =	vmul.f32 v46, v18;
	v2 =	vmul.f32 v25, v25;
	v47 =	vld [tilespmem:s15+$0x5F0];
	v62 =	vshra.s32 v3, $0x1;
	[tilespmem:s2+$0x5E0] =	vst v1;
	s2 =	smov.u32 s10;
	s10 =	smov.u32 s15  }
0x236: {  	v0 =	vadd.f32 v58, v0;
	v63 =	vmul.f32 v26, v26;
	v4 =	vadd.f32 v61, v60;
	v1 =	vld [tilespmem:s10+$0x110]  }
0x237: {  	v31 =	vmovc v50;
	v3 =	vmul.f32 $5.000000000e-01, v3;
	v50 =	vsub.s32 $0x5F3759DF, v62;
	v54 =	vld [tilespmem:s10+$0x120];
	v58 =	vmul.f32 v30, v30  }
0x238: {  	v5 =	vld [tilespmem:s10+$0x130];
	v0 =	vadd.f32 v2, v0;
	v2 =	vadd.f32 v63, v4;
	v60 =	vmul.f32 v27, v27  }
0x239: {  	v53 =	vld [tilespmem:s10+$0x140];
	v3 =	vmul.f32 v50, v3;
	v61 =	vmul.f32 v29, v29  }
0x23a: {  	v11 =	vld [tilespmem:$0x1FFF0];
	v0 =	vadd.f32 v58, v0;
	v2 =	vadd.f32 v60, v2;
	v62 =	vmul.f32 v47, v47  }
0x23b: {  	v18 =	vmov v52;
	v52 =	vmul.f32 v46, v19;
	v56 =	vld [tilespmem:s10+$0x150];
	v3 =	vmul.f32 v50, v3  }
0x23c: {  	v6 =	vmul.f32 v51, v51;
	[tilespmem:s2+$0x1A0] =	vst v59;
	v59 =	vld [tilespmem:s10+$0x160];
	v0 =	vadd.f32 v61, v0;
	v2 =	vadd.f32 v62, v2  }
0x23d: {  	v60 =	vld [tilespmem:s10+$0x170];
	v58 =	vmul.f32 v1, v1;
	v4 =	vmul.f32 v54, v54;
	v3 =	vsub.f32 $1.500000000e+00, v3  }
0x23e: {  	v19 =	vmovc v55;
	v55 =	vmul.f32 v5, v5;
	v61 =	vld [tilespmem:s10+$0x500];
	v63 =	vmul.f32 v53, v53;
	v2 =	vadd.f32 v2, v0  }
0x23f: {  	v62 =	vmul.f32 v46, v17;
	v17 =	vmovc v57;
	v57 =	vld [tilespmem:s10+$0x510];
	v4 =	vadd.f32 v4, v6;
	v0 =	vmul.f32 v50, v3  }
0x240: {  	[tilespmem:s2+$0x1B0] =	vst v52;
	v3 =	vadd.f32 v55, v58;
	v50 =	vmul.f32 v56, v56;
	v58 =	vld [tilespmem:s10+$0x520];
	v52 =	vperm.xlane v2, v11  }
0x241: {  	v6 =	vmul.f32 v59, v59;
	[tilespmem:s2+$0x1C0] =	vst v62;
	v62 =	vld [tilespmem:s10+$0x530];
	v4 =	vadd.f32 v63, v4;
	v55 =	vmul.f32 v0, v33  }
0x242: {  	v63 =	vld [tilespmem:s10+$0x540];
	v33 =	vmovc v51;
	v3 =	vadd.f32 v50, v3;
	v51 =	vmul.f32 v60, v60;
	v2 =	vadd.f32 v2, v52  }
0x243: {  	[tilespmem:$0x1FE30] =	vst v7;
	v50 =	vld [tilespmem:s10+$0x550];
	v4 =	vadd.f32 v6, v4;
	v6 =	vmul.f32 v61, v61  }
0x244: {  	v7 =	vmul.f32 v57, v57;
	[tilespmem:s2+$0x100] =	vst v55;
	v3 =	vadd.f32 v51, v3;
	v51 =	vld [tilespmem:s10+$0x560];
	v8 =	vperm.xlane v2, v8  }
0x245: {  	v55 =	vmul.f32 v0, v35;
	v35 =	vmovc v1;
	v52 =	vld [tilespmem:s10+$0x570];
	v1 =	vadd.f32 v6, v4;
	v4 =	vmul.f32 v58, v58  }
0x246: {  	v3 =	vadd.f32 v7, v3;
	v7 =	vmul.f32 v62, v62;
	v2 =	vadd.f32 v2, v8  }
0x247: {  	[tilespmem:s2+$0x110] =	vst v55;
	v55 =	vmul.f32 v0, v34;
	v1 =	vadd.f32 v4, v1;
	v4 =	vmul.f32 v63, v63  }
0x248: {  	v34 =	vmovc v54;
	v54 =	vmul.f32 v50, v50;
	v3 =	vadd.f32 v7, v3;
	v8 =	vperm.xlane v2, v9  }
0x249: {  	v1 =	vadd.f32 v4, v1;
	v4 =	vmul.f32 v51, v51  }
0x24a: {  	v3 =	vadd.f32 v54, v3;
	v54 =	vmul.f32 v52, v52;
	v2 =	vadd.f32 v2, v8  }
0x24b: {  	[tilespmem:s2+$0x120] =	vst v55;
	v55 =	vmul.f32 v0, v36  }
0x24c: {  	v1 =	vadd.f32 v4, v1;
	v3 =	vadd.f32 v54, v3;
	v6 =	vperm.xlane v2, v10;
	_ =	sdelay $0x1  }
0x24d: {  	[tilespmem:s2+$0x130] =	vst v55;
	v55 =	vmul.f32 v0, v37;
	v54 =	vadd.f32 v3, v1;
	v1 =	vadd.f32 v2, v6  }
0x24e: {  	v36 =	vmov v5;
	v5 =	vmul.f32 v0, v39;
	v7 =	vmul.f32 v0, v40  }
0x24f: {  	s11 =	sadd.s32 $0x2, s11;
	[tilespmem:s2+$0x140] =	vst v55;
	v55 =	vmul.f32 v0, v38;
	v38 =	vmovc v56;
	v56 =	vmul.f32 v0, v43;
	v3 =	vmax.f32 v1, $1.000000020e-24  }
0x250: {  	p0 =	slt.u32 s11, $0x7E;
	v43 =	vmovc v58;
	v1 =	vmul.f32 v0, v49;
	v49 =	vshra.s32 v3, $0x1;
	v58 =	vmul.f32 $5.000000000e-01, v3;
	v3 =	vld [tilespmem:$0x1FE10]  }
.Ltmp1:
0x251: {  	[tilespmem:s2+$0x160] =	vst v5;
	(pc) =	sbr.rel @p0 .LBB2_4-.Ltmp1, $4  }
0x252: {  	v39 =	vmov v59;
	v40 =	vmov v60;
	[tilespmem:s2+$0x170] =	vst v7;
	v4 =	vmul.f32 v0, v41  }
0x253: {  	v37 =	vmovc v53;
	v41 =	vmov v61;
	v8 =	vmul.f32 v0, v42;
	[tilespmem:s2+$0x150] =	vst v55;
	v55 =	vmul.f32 v0, v44  }
0x254: {  	v42 =	vmovc v57;
	[tilespmem:s2+$0x500] =	vst v4;
	v44 =	vmov v62;
	v2 =	vmul.f32 v0, v45;
	v57 =	vperm.xlane v54, v11  }
0x255: {  	s12 =	sadd.s32 $0x100, s12;
	s13 =	sadd.s32 $0x200, s13;
	[tilespmem:s2+$0x510] =	vst v8;
	v11 =	vmovc v12;
	v12 =	vmovc v14;
	v14 =	vmov v15;
	v45 =	vmov v63;
	v53 =	vmul.f32 v0, v3  }
0x256: {  	v7 =	vld [tilespmem:$0x1FFC0];
	_ =	sdelay $0x1  }
0x257: {  	[tilespmem:s2+$0x520] =	vst v56  }
0x258: {  	v3 =	vadd.f32 v54, v57;
	[tilespmem:s2+$0x530] =	vst v55  }
0x259: {  	v8 =	vld [tilespmem:$0x1FFD0]  }
0x25a: {  	v4 =	vperm.xlane v3, v7;
	_ =	sdelay $0x1  }
0x25b: {  	v3 =	vadd.f32 v3, v4;
	_ =	sdelay $0x1  }
0x25c: {  	[tilespmem:s2+$0x540] =	vst v2;
	v6 =	vperm.xlane v3, v8  }
0x25d: {  	[tilespmem:s2+$0x550] =	vst v1  }
0x25e: {  	v1 =	vadd.f32 v3, v6;
	v3 =	vld [tilespmem:$0x1FE20];
	_ =	sdelay $0x2  }
0x25f: {  	v0 =	vmul.f32 v0, v32  }
0x260: {  	v57 =	vsub.s32 $0x5F3759DF, v49;
	[tilespmem:s2+$0x560] =	vst v53  }
0x261: {  	v5 =	vmul.f32 v57, v58;
	v58 =	vld [tilespmem:$0x1FE30];
	[tilespmem:s2+$0x570] =	vst v0;
	v3 =	vmul.f32 v46, v3  }
0x262: {  	v9 =	vld [tilespmem:$0x1FFE0]  }
0x263: {  	[tilespmem:s2+$0x1D0] =	vst v3  }
0x264: {  	v3 =	vld [tilespmem:$0x1FE40];
	_ =	sdelay $0x1  }
0x265: {  	v2 =	vmul.f32 v57, v5  }
0x266: {  	v5 =	vmul.f32 v46, v58;
	v0 =	vperm.xlane v1, v9  }
0x267: {  	v59 =	vmul.f32 v46, v14;
	v2 =	vsub.f32 $1.500000000e+00, v2  }
0x268: {  	[tilespmem:s2+$0x1E0] =	vst v5;
	v0 =	vadd.f32 v1, v0;
	v3 =	vmul.f32 v46, v3  }
0x269: {  	v2 =	vmul.f32 v57, v2;
	[tilespmem:s2+$0x1F0] =	vst v59;
	v1 =	vmul.f32 v46, v16  }
0x26a: {  	v0 =	vmax.f32 v0, $1.000000020e-24;
	[tilespmem:s2+$0x580] =	vst v3  }
0x26b: {  	v4 =	vmul.f32 v2, v47;
	v3 =	vld [tilespmem:$0x1FE50];
	[tilespmem:s2+$0x590] =	vst v1;
	v1 =	vshra.s32 v0, $0x1;
	v0 =	vmul.f32 $5.000000000e-01, v0  }
0x26c: {  	v60 =	vmul.f32 v46, v48;
	v1 =	vsub.s32 $0x5F3759DF, v1  }
0x26d: {  	v61 =	vmul.f32 v46, v12;
	[tilespmem:s10+$0x5F0] =	vst v4;
	v0 =	vmul.f32 v1, v0  }
0x26e: {  	v62 =	vmul.f32 v46, v13;
	[tilespmem:s2+$0x5B0] =	vst v60  }
0x26f: {  	v63 =	vmul.f32 v46, v11;
	[tilespmem:s2+$0x5C0] =	vst v61;
	v0 =	vmul.f32 v1, v0  }
0x270: {  	[tilespmem:s2+$0x5D0] =	vst v62;
	v3 =	vmul.f32 v46, v3  }
0x271: {  	v32 =	vmul.f32 v2, v19;
	[tilespmem:s2+$0x5E0] =	vst v63;
	v0 =	vsub.f32 $1.500000000e+00, v0  }
0x272: {  	[tilespmem:s2+$0x5A0] =	vst v3;
	v3 =	vmul.f32 v2, v31  }
0x273: {  	[tilespmem:s10+$0x1B0] =	vst v32;
	v0 =	vmul.f32 v1, v0;
	v1 =	vmul.f32 v2, v17  }
0x274: {  	[tilespmem:s10+$0x180] =	vst v3;
	v3 =	vmul.f32 v2, v28  }
0x275: {  	[tilespmem:s10+$0x1C0] =	vst v1;
	v1 =	vmul.f32 v0, v35  }
0x276: {  	v35 =	vmul.f32 v0, v43;
	[tilespmem:s10+$0x190] =	vst v3  }
0x277: {  	v3 =	vmul.f32 v2, v18;
	[tilespmem:s10+$0x110] =	vst v1  }
0x278: {  	v1 =	vmul.f32 v0, v36;
	[tilespmem:s10+$0x520] =	vst v35  }
0x279: {  	v36 =	vmul.f32 v0, v50;
	[tilespmem:s10+$0x1A0] =	vst v3  }
0x27a: {  	v3 =	vmul.f32 v0, v33;
	[tilespmem:s10+$0x130] =	vst v1  }
0x27b: {  	v1 =	vmul.f32 v0, v38;
	[tilespmem:s10+$0x550] =	vst v36  }
0x27c: {  	[tilespmem:s10+$0x100] =	vst v3;
	v3 =	vmul.f32 v0, v34  }
0x27d: {  	v34 =	vmul.f32 v0, v40;
	[tilespmem:s10+$0x150] =	vst v1  }
0x27e: {  	v1 =	vmul.f32 v0, v41;
	[tilespmem:s10+$0x120] =	vst v3  }
0x27f: {  	v3 =	vmul.f32 v0, v37;
	[tilespmem:s10+$0x170] =	vst v34  }
0x280: {  	[tilespmem:s10+$0x500] =	vst v1;
	v1 =	vmul.f32 v0, v44  }
0x281: {  	[tilespmem:s10+$0x140] =	vst v3;
	v3 =	vmul.f32 v0, v39  }
0x282: {  	[tilespmem:s10+$0x530] =	vst v1;
	v1 =	vmul.f32 v0, v51  }
0x283: {  	[tilespmem:s10+$0x160] =	vst v3;
	v3 =	vmul.f32 v0, v42  }
0x284: {  	[tilespmem:s10+$0x560] =	vst v1;
	v1 =	vmul.f32 v2, v23  }
0x285: {  	[tilespmem:s10+$0x510] =	vst v3;
	v3 =	vmul.f32 v0, v45  }
0x286: {  	v0 =	vmul.f32 v0, v52;
	[tilespmem:s10+$0x1E0] =	vst v1  }
0x287: {  	v1 =	vmul.f32 v2, v21;
	[tilespmem:s10+$0x540] =	vst v3  }
0x288: {  	v3 =	vmul.f32 v2, v22;
	[tilespmem:s10+$0x570] =	vst v0  }
0x289: {  	v0 =	vmul.f32 v2, v24;
	[tilespmem:s10+$0x590] =	vst v1  }
0x28a: {  	v1 =	vmul.f32 v2, v30;
	[tilespmem:s10+$0x1D0] =	vst v3  }
0x28b: {  	v3 =	vmul.f32 v2, v20;
	[tilespmem:s10+$0x1F0] =	vst v0  }
0x28c: {  	v0 =	vmul.f32 v2, v25;
	[tilespmem:s10+$0x5C0] =	vst v1  }
0x28d: {  	[tilespmem:s10+$0x580] =	vst v3;
	v3 =	vmul.f32 v2, v26  }
0x28e: {  	[tilespmem:s10+$0x5A0] =	vst v0;
	v0 =	vmul.f32 v2, v27  }
0x28f: {  	v2 =	vmul.f32 v2, v29;
	[tilespmem:s10+$0x5B0] =	vst v3  }
0x290: {  	[tilespmem:s10+$0x5D0] =	vst v0  }
0x291: {  	[tilespmem:s10+$0x5E0] =	vst v2  }
0x292: {  	[hbm4b:s6+s3] =	stream.linear.scatter [tilespmem:s20], [sflag:$0x5], $0x4000, $0x38;
	[tilespmem:$0x10100] =	vst v63  }
0x293: {  	s13 =	simm.s32 $0x4000;
	s15 =	simm.s32 $0x8000;
	_ =	swait.ge [sflag:s28], $0x4000  }
0x294: {  	s2 =	sand.u32 $0x300, s13;
	s10 =	sand.u32 $0xF800, s15;
	[sflag:s28] =	ssyncset.done $0x0  }
0x295: {  	s2 =	sor.u32 s2, s10;
	[sflag:s28] =	ssyncadd.s32 $0xFFFFC000  }
0x296: {  	v3 =	vld [tilespmem:s2+$0x1B0];
	_ =	sdelay $0x2  }
0x297: {  	v50 =	vld [tilespmem:s2+$0x180]  }
0x298: {  	v51 =	vld [tilespmem:s2+$0x190]  }
0x299: {  	v52 =	vld [tilespmem:s2+$0x1A0];
	[tilespmem:$0x1FDB0] =	vst v3  }
0x29a: {  	v16 =	vld [tilespmem:s2+$0x1C0];
	_ =	sdelay $0x4  }
0x29b: {  	[tilespmem:$0x1FDC0] =	vst v16  }
0x29c: {  	v15 =	vld [tilespmem:s2+$0x1D0]  }
0x29d: {  	v10 =	vld [tilespmem:s2+$0x1E0]  }
0x29e: {  	v14 =	vld [tilespmem:s2+$0x1F0]  }
0x29f: {  	v17 =	vld [tilespmem:s2+$0x580]  }
0x2a0: {  	v18 =	vld [tilespmem:s2+$0x590]  }
0x2a1: {  	v37 =	vld [tilespmem:s2+$0x5A0]  }
0x2a2: {  	v38 =	vld [tilespmem:s2+$0x5B0]  }
0x2a3: {  	v12 =	vld [tilespmem:s2+$0x5C0]  }
0x2a4: {  	v13 =	vld [tilespmem:s2+$0x5D0]  }
0x2a5: {  	v11 =	vld [tilespmem:s2+$0x5E0]  }
0x2a6: {  	v44 =	vld [tilespmem:s2+$0x5F0]  }
0x2a7: {  	v62 =	vld [tilespmem:s2+$0x100]  }
0x2a8: {  	v0 =	vmul.f32 v50, v50;
	v1 =	vmul.f32 v52, v52;
	v60 =	vld [tilespmem:s2+$0x110];
	[tilespmem:$0x1FD70] =	vst v15  }
0x2a9: {  	v2 =	vmul.f32 v51, v51;
	v3 =	vmul.f32 v3, v3;
	v54 =	vld [tilespmem:s2+$0x120];
	[tilespmem:$0x1FD80] =	vst v10  }
0x2aa: {  	v58 =	vld [tilespmem:s2+$0x130];
	[tilespmem:$0x1FD90] =	vst v17  }
0x2ab: {  	v0 =	vadd.f32 v1, v0;
	v1 =	vadd.f32 v3, v2;
	v3 =	vmul.f32 v10, v10;
	v10 =	vld [tilespmem:s2+$0x140];
	_ =	sdelay $0x3  }
0x2ac: {  	[tilespmem:$0x1FDA0] =	vst v37  }
0x2ad: {  	[tilespmem:$0x1FDD0] =	vst v10  }
0x2ae: {  	v2 =	vmul.f32 v15, v15;
	v15 =	vld [tilespmem:s2+$0x150];
	_ =	sdelay $0x4  }
0x2af: {  	[tilespmem:$0x1FDE0] =	vst v15  }
0x2b0: {  	v19 =	vld [tilespmem:s2+$0x160];
	_ =	sdelay $0x4  }
0x2b1: {  	v39 =	vmul.f32 v16, v16;
	[tilespmem:$0x1FDF0] =	vst v19  }
0x2b2: {  	v20 =	vld [tilespmem:s2+$0x170]  }
0x2b3: {  	v0 =	vadd.f32 v39, v0;
	v40 =	vmul.f32 v17, v17  }
0x2b4: {  	v5 =	vmul.f32 v37, v37;
	v1 =	vadd.f32 v2, v1;
	v2 =	vmul.f32 v14, v14  }
0x2b5: {  	v41 =	vmul.f32 v12, v12;
	v42 =	vmul.f32 v62, v62  }
0x2b6: {  	v0 =	vadd.f32 v3, v0;
	v3 =	vmul.f32 v18, v18;
	v1 =	vadd.f32 v2, v1  }
0x2b7: {  	v2 =	vmul.f32 v38, v38;
	v17 =	vmul.f32 v54, v54;
	[tilespmem:$0x1FE00] =	vst v20  }
0x2b8: {  	v16 =	vmovc v18;
	v1 =	vadd.f32 v3, v1;
	v3 =	vmul.f32 v60, v60;
	v18 =	vmul.f32 v58, v58;
	v56 =	vld [tilespmem:s2+$0x500]  }
0x2b9: {  	v0 =	vadd.f32 v40, v0;
	v4 =	vadd.f32 v17, v42;
	v43 =	vmul.f32 v10, v10;
	v61 =	vld [tilespmem:s2+$0x510]  }
0x2ba: {  	v17 =	vadd.f32 v2, v1;
	v1 =	vadd.f32 v18, v3;
	v3 =	vmul.f32 v15, v15;
	v63 =	vld [tilespmem:s2+$0x520]  }
0x2bb: {  	v18 =	vmul.f32 v13, v13;
	v4 =	vadd.f32 v43, v4;
	v45 =	vmul.f32 v19, v19;
	v55 =	vld [tilespmem:s2+$0x530]  }
0x2bc: {  	v0 =	vadd.f32 v5, v0;
	v3 =	vadd.f32 v3, v1;
	v20 =	vmul.f32 v20, v20;
	v57 =	vld [tilespmem:s2+$0x540]  }
0x2bd: {  	v47 =	vadd.f32 v18, v17;
	v18 =	vmul.f32 v44, v44;
	v4 =	vadd.f32 v45, v4;
	v53 =	vld [tilespmem:s2+$0x550]  }
0x2be: {  	v59 =	vld [tilespmem:s2+$0x560];
	v3 =	vadd.f32 v20, v3;
	v46 =	vmul.f32 v56, v56;
	v17 =	vmul.f32 v61, v61  }
0x2bf: {  	v0 =	vadd.f32 v41, v0;
	v19 =	vmul.f32 v11, v11;
	v32 =	vld [tilespmem:s2+$0x570];
	v49 =	vmul.f32 v63, v63  }
0x2c0: {  	v10 =	vld [tilespmem:$0x1FFF0];
	v4 =	vadd.f32 v46, v4;
	v3 =	vadd.f32 v17, v3;
	v17 =	vmul.f32 v55, v55  }
0x2c1: {  	v6 =	vadd.f32 v18, v47;
	v0 =	vadd.f32 v19, v0;
	v35 =	vmul.f32 v57, v57  }
0x2c2: {  	v4 =	vadd.f32 v49, v4;
	v3 =	vadd.f32 v17, v3;
	v17 =	vmul.f32 v53, v53  }
0x2c3: {  	v0 =	vadd.f32 v6, v0;
	v36 =	vmul.f32 v59, v59  }
0x2c4: {  	s16 =	simm.s32 $0x4100;
	s11 =	simm.s32 $0x8200;
	v37 =	vmul.f32 v32, v32;
	v4 =	vadd.f32 v35, v4;
	v3 =	vadd.f32 v17, v3  }
0x2c5: {  	s11 =	sand.u32 $0xF800, s11;
	s10 =	sand.u32 $0x300, s16;
	v17 =	vperm.xlane v0, v10  }
0x2c6: {  	s10 =	sor.u32 s10, s11;
	v4 =	vadd.f32 v36, v4;
	v3 =	vadd.f32 v37, v3  }
0x2c7: {  	v31 =	vld [tilespmem:s10+$0x180];
	v0 =	vadd.f32 v0, v17  }
0x2c8: {  	v28 =	vld [tilespmem:s10+$0x190];
	v3 =	vadd.f32 v3, v4  }
0x2c9: {  	v48 =	vmov v38;
	v18 =	vld [tilespmem:s10+$0x1A0];
	v38 =	vperm.xlane v0, v7  }
0x2ca: {  	v19 =	vld [tilespmem:s10+$0x1B0];
	v39 =	vperm.xlane v3, v10  }
0x2cb: {  	v22 =	vld [tilespmem:s10+$0x1D0];
	v0 =	vadd.f32 v0, v38  }
0x2cc: {  	v23 =	vld [tilespmem:s10+$0x1E0];
	v3 =	vadd.f32 v3, v39  }
0x2cd: {  	v24 =	vld [tilespmem:s10+$0x1F0];
	v4 =	vperm.xlane v0, v8  }
0x2ce: {  	v40 =	vmul.f32 v31, v31;
	v17 =	vld [tilespmem:s10+$0x1C0];
	v5 =	vperm.xlane v3, v7  }
0x2cf: {  	v21 =	vld [tilespmem:s10+$0x590];
	v41 =	vmul.f32 v28, v28;
	v25 =	vmul.f32 v18, v18;
	v0 =	vadd.f32 v0, v4  }
0x2d0: {  	v20 =	vld [tilespmem:s10+$0x580];
	v26 =	vmul.f32 v19, v19;
	v27 =	vmul.f32 v22, v22;
	v3 =	vadd.f32 v3, v5  }
0x2d1: {  	v45 =	vmul.f32 v23, v23;
	v4 =	vperm.xlane v0, v9  }
0x2d2: {  	v30 =	vld [tilespmem:s10+$0x5C0];
	v47 =	vmul.f32 v24, v24;
	v6 =	vadd.f32 v26, v41;
	v5 =	vperm.xlane v3, v8  }
0x2d3: {  	v26 =	vld [tilespmem:s10+$0x5B0];
	v42 =	vmul.f32 v17, v17;
	v0 =	vadd.f32 v0, v4;
	v4 =	vadd.f32 v25, v40  }
0x2d4: {  	v46 =	vadd.f32 v27, v6;
	v6 =	vmul.f32 v21, v21;
	v25 =	vld [tilespmem:s10+$0x5A0];
	v3 =	vadd.f32 v3, v5  }
0x2d5: {  	v33 =	vld [tilespmem:s10+$0x100];
	v35 =	vmul.f32 v20, v20;
	v0 =	vmax.f32 v0, $1.000000020e-24;
	v4 =	vadd.f32 v42, v4  }
0x2d6: {  	v27 =	vld [tilespmem:s10+$0x5D0];
	v5 =	vadd.f32 v47, v46;
	v43 =	vshra.s32 v0, $0x1;
	v29 =	vperm.xlane v3, v9  }
0x2d7: {  	v34 =	vld [tilespmem:s10+$0x120];
	v0 =	vmul.f32 $5.000000000e-01, v0;
	v4 =	vadd.f32 v45, v4;
	v42 =	vsub.s32 $0x5F3759DF, v43  }
0x2d8: {  	v47 =	vld [tilespmem:s10+$0x5F0];
	v5 =	vadd.f32 v6, v5;
	v43 =	vmul.f32 v26, v26;
	v3 =	vadd.f32 v3, v29  }
0x2d9: {  	v46 =	vmul.f32 v30, v30;
	v49 =	vmul.f32 v25, v25;
	v29 =	vld [tilespmem:s10+$0x5E0];
	v4 =	vadd.f32 v35, v4  }
0x2da: {  	v36 =	vld [tilespmem:s10+$0x130];
	v39 =	vmul.f32 v42, v0;
	v5 =	vadd.f32 v43, v5;
	v3 =	vmax.f32 v3, $1.000000020e-24  }
0x2db: {  	v37 =	vld [tilespmem:s10+$0x140];
	v4 =	vadd.f32 v49, v4;
	v49 =	vmul.f32 v27, v27;
	v45 =	vshra.s32 v3, $0x1  }
0x2dc: {  	v35 =	vld [tilespmem:s10+$0x110];
	v39 =	vmul.f32 v42, v39;
	v3 =	vmul.f32 $5.000000000e-01, v3;
	v0 =	vsub.s32 $0x5F3759DF, v45  }
0x2dd: {  	v38 =	vld [tilespmem:s10+$0x150];
	v4 =	vadd.f32 v46, v4;
	v5 =	vadd.f32 v49, v5;
	v46 =	vmul.f32 v47, v47  }
0x2de: {  	v43 =	vsub.f32 $1.500000000e+00, v39;
	v39 =	vld [tilespmem:s10+$0x160];
	v45 =	vmul.f32 v29, v29;
	v3 =	vmul.f32 v0, v3  }
0x2df: {  	v41 =	vmul.f32 v33, v33;
	v5 =	vadd.f32 v46, v5;
	v46 =	vmul.f32 v34, v34  }
0x2e0: {  	v1 =	vmul.f32 v37, v37;
	v4 =	vadd.f32 v45, v4;
	v3 =	vmul.f32 v0, v3  }
0x2e1: {  	v49 =	vmul.f32 v36, v36;
	v6 =	vmul.f32 v35, v35;
	v2 =	vadd.f32 v46, v41  }
0x2e2: {  	v46 =	vmul.f32 v42, v43;
	v4 =	vadd.f32 v5, v4;
	v3 =	vsub.f32 $1.500000000e+00, v3  }
0x2e3: {  	v5 =	vadd.f32 v49, v6;
	v49 =	vmul.f32 v38, v38;
	v6 =	vmul.f32 v39, v39  }
0x2e4: {  	v45 =	vadd.f32 v1, v2;
	v15 =	vmul.f32 v46, v50;
	v2 =	vperm.xlane v4, v10  }
0x2e5: {  	v0 =	vmul.f32 v0, v3;
	v49 =	vadd.f32 v49, v5;
	v5 =	vmul.f32 v46, v44  }
0x2e6: {  	v41 =	vld [tilespmem:s10+$0x500];
	[tilespmem:s2+$0x180] =	vst v15;
	v3 =	vadd.f32 v4, v2;
	v4 =	vadd.f32 v6, v45;
	v6 =	vmul.f32 v46, v51  }
0x2e7: {  	[tilespmem:s2+$0x5F0] =	vst v5  }
0x2e8: {  	v5 =	vmul.f32 v46, v52;
	v52 =	vld [tilespmem:$0x1FDB0];
	[tilespmem:s2+$0x190] =	vst v6  }
0x2e9: {  	v6 =	vld [tilespmem:$0x1FDC0]  }
0x2ea: {  	v40 =	vld [tilespmem:s10+$0x170]  }
0x2eb: {  	v2 =	vmul.f32 v41, v41  }
0x2ec: {  	v42 =	vld [tilespmem:s10+$0x510];
	[tilespmem:s2+$0x1A0] =	vst v5;
	v5 =	vmul.f32 v0, v62  }
0x2ed: {  	v43 =	vld [tilespmem:s10+$0x520];
	v2 =	vadd.f32 v2, v4;
	v4 =	vmul.f32 v46, v52  }
0x2ee: {  	v50 =	vld [tilespmem:s10+$0x550];
	[tilespmem:s2+$0x100] =	vst v5;
	v6 =	vmul.f32 v46, v6  }
0x2ef: {  	v1 =	vmul.f32 v40, v40;
	v44 =	vld [tilespmem:s10+$0x530];
	[tilespmem:s2+$0x1B0] =	vst v4;
	v4 =	vmul.f32 v0, v60  }
0x2f0: {  	v45 =	vld [tilespmem:s10+$0x540];
	[tilespmem:s2+$0x1C0] =	vst v6;
	v6 =	vmul.f32 v0, v54  }
0x2f1: {  	v1 =	vadd.f32 v1, v49;
	v49 =	vmul.f32 v42, v42;
	v51 =	vld [tilespmem:s10+$0x560];
	v54 =	vmul.f32 v0, v58;
	[tilespmem:s2+$0x110] =	vst v4  }
0x2f2: {  	v52 =	vld [tilespmem:s10+$0x570];
	[tilespmem:s2+$0x120] =	vst v6  }
0x2f3: {  	v1 =	vadd.f32 v49, v1;
	v49 =	vmul.f32 v43, v43;
	v6 =	vld [tilespmem:$0x1FDD0];
	[tilespmem:s2+$0x130] =	vst v54  }
0x2f4: {  	v62 =	vmul.f32 v44, v44;
	v54 =	vld [tilespmem:$0x1FDE0]  }
0x2f5: {  	v7 =	vperm.xlane v3, v7;
	v2 =	vadd.f32 v49, v2;
	v60 =	vmul.f32 v45, v45  }
0x2f6: {  	v1 =	vadd.f32 v62, v1;
	v62 =	vmul.f32 v50, v50  }
0x2f7: {  	v3 =	vadd.f32 v3, v7;
	v2 =	vadd.f32 v60, v2;
	v60 =	vmul.f32 v51, v51  }
0x2f8: {  	v1 =	vadd.f32 v62, v1;
	v62 =	vmul.f32 v52, v52;
	v6 =	vmul.f32 v0, v6  }
0x2f9: {  	v58 =	vperm.xlane v3, v8;
	v4 =	vmul.f32 v0, v54  }
0x2fa: {  	v2 =	vadd.f32 v60, v2;
	v1 =	vadd.f32 v62, v1;
	[tilespmem:s2+$0x140] =	vst v6  }
0x2fb: {  	v3 =	vadd.f32 v3, v58;
	v5 =	vld [tilespmem:$0x1FDF0];
	[tilespmem:s2+$0x150] =	vst v4  }
0x2fc: {  	v54 =	vadd.f32 v1, v2;
	v1 =	vld [tilespmem:$0x1FE00]  }
0x2fd: {  	v58 =	vperm.xlane v3, v9  }
0x2fe: {  	v60 =	vmul.f32 v0, v56  }
0x2ff: {  	v55 =	vmul.f32 v0, v55;
	v62 =	vmul.f32 v0, v61;
	v3 =	vadd.f32 v3, v58  }
0x300: {  	v56 =	vmul.f32 v0, v63;
	[tilespmem:s2+$0x500] =	vst v60;
	v5 =	vmul.f32 v0, v5  }
0x301: {  	v3 =	vmax.f32 v3, $1.000000020e-24;
	v2 =	vmul.f32 v0, v57;
	[tilespmem:s2+$0x510] =	vst v62;
	v1 =	vmul.f32 v0, v1  }
0x302: {  	v58 =	vmul.f32 $5.000000000e-01, v3;
	v57 =	vperm.xlane v54, v10;
	[tilespmem:s2+$0x160] =	vst v5  }
0x303: {  	s12 =	simm.s32 $0x4200;
	s13 =	simm.s32 $0x8400;
	s11 =	simm.s32 $0x82;
	v49 =	vshra.s32 v3, $0x1;
	[tilespmem:s2+$0x170] =	vst v1;
	v1 =	vmul.f32 v0, v53;
	v53 =	vmul.f32 v0, v59  }
.LBB2_6:
0x304: {  	v6 =	vld [tilespmem:$0x1FD70]  }
0x305: {  	[tilespmem:s2+$0x520] =	vst v56;
	v8 =	vld [tilespmem:$0x1FFC0]  }
0x306: {  	[tilespmem:s2+$0x550] =	vst v1;
	v59 =	vld [tilespmem:$0x1FD90]  }
0x307: {  	v0 =	vmul.f32 v0, v32;
	v9 =	vmov v51;
	[tilespmem:s2+$0x540] =	vst v2;
	v2 =	vld [tilespmem:$0x1FD80]  }
0x308: {  	s15 =	sand.u32 $0xF800, s13;
	s16 =	sand.u32 $0x300, s12;
	v4 =	vsub.s32 $0x5F3759DF, v49;
	[tilespmem:$0x1FD60] =	vst v9;
	v9 =	vld [tilespmem:$0x1FFD0]  }
0x309: {  	s15 =	sor.u32 s16, s15;
	v5 =	vmul.f32 v4, v58;
	[tilespmem:s2+$0x570] =	vst v0;
	v0 =	vld [tilespmem:$0x1FDA0]  }
0x30a: {  	v49 =	vmovc v50;
	v10 =	vmov v22;
	v1 =	vmul.f32 v46, v14;
	v60 =	vmul.f32 v46, v48;
	[tilespmem:s2+$0x530] =	vst v55;
	v50 =	vld [tilespmem:s15+$0x180]  }
0x30b: {  	v61 =	vmul.f32 v46, v12;
	v3 =	vadd.f32 v54, v57;
	[tilespmem:$0x1FD70] =	vst v10;
	v51 =	vld [tilespmem:s15+$0x190];
	v5 =	vmul.f32 v4, v5  }
0x30c: {  	v32 =	vmovc v52;
	v62 =	vmov v25;
	[tilespmem:s2+$0x560] =	vst v53;
	v54 =	vmul.f32 v46, v16;
	v55 =	vld [tilespmem:s15+$0x1B0];
	v6 =	vmul.f32 v46, v6  }
0x30d: {  	v52 =	vld [tilespmem:s15+$0x1A0];
	[tilespmem:$0x1FDA0] =	vst v62;
	v10 =	vmovc v20;
	v22 =	vperm.xlane v3, v8;
	v53 =	vmul.f32 v46, v59;
	v5 =	vsub.f32 $1.500000000e+00, v5  }
0x30e: {  	v57 =	vld [tilespmem:s15+$0x1C0];
	[tilespmem:$0x1FD90] =	vst v10;
	v2 =	vmul.f32 v46, v2;
	v0 =	vmul.f32 v46, v0  }
0x30f: {  	v10 =	vld [tilespmem:$0x1FFE0];
	v3 =	vadd.f32 v3, v22;
	[tilespmem:s2+$0x1D0] =	vst v6;
	v4 =	vmul.f32 v4, v5;
	v63 =	vmul.f32 v50, v50  }
0x310: {  	v25 =	vmul.f32 v51, v51;
	v22 =	vld [tilespmem:s15+$0x1D0];
	[tilespmem:s2+$0x1E0] =	vst v2;
	v2 =	vmul.f32 v46, v13  }
0x311: {  	v7 =	vmovc v23;
	v13 =	vmov v27;
	v27 =	vmul.f32 v55, v55;
	v20 =	vperm.xlane v3, v9;
	v23 =	vld [tilespmem:s15+$0x1E0];
	[tilespmem:s2+$0x1F0] =	vst v1  }
0x312: {  	v15 =	vmovc v24;
	v48 =	vmov v26;
	[tilespmem:s2+$0x580] =	vst v53;
	v1 =	vmul.f32 v46, v11;
	v26 =	vmul.f32 v4, v47;
	v24 =	vld [tilespmem:s15+$0x1F0]  }
0x313: {  	v46 =	vmov v4;
	v47 =	vmul.f32 v52, v52;
	v3 =	vadd.f32 v3, v20;
	v20 =	vld [tilespmem:s15+$0x580];
	[tilespmem:s2+$0x590] =	vst v54  }
0x314: {  	v12 =	vmov v29;
	v16 =	vmov v21;
	v59 =	vmul.f32 v46, v28;
	[tilespmem:s10+$0x5F0] =	vst v26;
	v21 =	vld [tilespmem:s15+$0x590]  }
0x315: {  	v29 =	vmul.f32 v57, v57;
	v53 =	vadd.f32 v27, v25;
	v4 =	vadd.f32 v47, v63;
	v25 =	vld [tilespmem:s15+$0x5A0];
	[tilespmem:s2+$0x5A0] =	vst v0  }
0x316: {  	v14 =	vmovc v30;
	v28 =	vmov v51;
	v51 =	vld [tilespmem:s15+$0x100];
	[tilespmem:s10+$0x190] =	vst v59;
	v30 =	vperm.xlane v3, v10;
	v27 =	vmul.f32 v22, v22  }
0x317: {  	v54 =	vmul.f32 v46, v31;
	v26 =	vld [tilespmem:s15+$0x5B0];
	[tilespmem:s2+$0x5B0] =	vst v60;
	v4 =	vadd.f32 v29, v4;
	v0 =	vmul.f32 v23, v23  }
0x318: {  	v3 =	vadd.f32 v3, v30;
	v5 =	vadd.f32 v27, v53;
	v29 =	vmul.f32 v24, v24;
	v30 =	vld [tilespmem:s15+$0x5C0];
	[tilespmem:s2+$0x5C0] =	vst v61  }
0x319: {  	[tilespmem:s10+$0x180] =	vst v54;
	v58 =	vmul.f32 v20, v20;
	v27 =	vld [tilespmem:s15+$0x5D0];
	v0 =	vadd.f32 v0, v4  }
0x31a: {  	v3 =	vmax.f32 v3, $1.000000020e-24;
	v60 =	vadd.f32 v29, v5;
	v61 =	vmul.f32 v21, v21;
	v29 =	vld [tilespmem:s15+$0x5E0];
	[tilespmem:s2+$0x5D0] =	vst v2  }
0x31b: {  	v59 =	vmul.f32 v46, v18;
	v2 =	vmul.f32 v25, v25;
	v47 =	vld [tilespmem:s15+$0x5F0];
	v62 =	vshra.s32 v3, $0x1;
	[tilespmem:s2+$0x5E0] =	vst v1;
	s2 =	smov.u32 s10;
	s10 =	smov.u32 s15  }
0x31c: {  	v0 =	vadd.f32 v58, v0;
	v63 =	vmul.f32 v26, v26;
	v4 =	vadd.f32 v61, v60;
	v1 =	vld [tilespmem:s10+$0x110]  }
0x31d: {  	v31 =	vmovc v50;
	v3 =	vmul.f32 $5.000000000e-01, v3;
	v50 =	vsub.s32 $0x5F3759DF, v62;
	v54 =	vld [tilespmem:s10+$0x120];
	v58 =	vmul.f32 v30, v30  }
0x31e: {  	v5 =	vld [tilespmem:s10+$0x130];
	v0 =	vadd.f32 v2, v0;
	v2 =	vadd.f32 v63, v4;
	v60 =	vmul.f32 v27, v27  }
0x31f: {  	v53 =	vld [tilespmem:s10+$0x140];
	v3 =	vmul.f32 v50, v3;
	v61 =	vmul.f32 v29, v29  }
0x320: {  	v11 =	vld [tilespmem:$0x1FFF0];
	v0 =	vadd.f32 v58, v0;
	v2 =	vadd.f32 v60, v2;
	v62 =	vmul.f32 v47, v47  }
0x321: {  	v18 =	vmov v52;
	v52 =	vmul.f32 v46, v19;
	v56 =	vld [tilespmem:s10+$0x150];
	v3 =	vmul.f32 v50, v3  }
0x322: {  	v6 =	vmul.f32 v51, v51;
	[tilespmem:s2+$0x1A0] =	vst v59;
	v59 =	vld [tilespmem:s10+$0x160];
	v0 =	vadd.f32 v61, v0;
	v2 =	vadd.f32 v62, v2  }
0x323: {  	v60 =	vld [tilespmem:s10+$0x170];
	v58 =	vmul.f32 v1, v1;
	v4 =	vmul.f32 v54, v54;
	v3 =	vsub.f32 $1.500000000e+00, v3  }
0x324: {  	v19 =	vmovc v55;
	v55 =	vmul.f32 v5, v5;
	v61 =	vld [tilespmem:s10+$0x500];
	v63 =	vmul.f32 v53, v53;
	v2 =	vadd.f32 v2, v0  }
0x325: {  	v62 =	vmul.f32 v46, v17;
	v17 =	vmovc v57;
	v57 =	vld [tilespmem:s10+$0x510];
	v4 =	vadd.f32 v4, v6;
	v0 =	vmul.f32 v50, v3  }
0x326: {  	[tilespmem:s2+$0x1B0] =	vst v52;
	v3 =	vadd.f32 v55, v58;
	v50 =	vmul.f32 v56, v56;
	v58 =	vld [tilespmem:s10+$0x520];
	v52 =	vperm.xlane v2, v11  }
0x327: {  	v6 =	vmul.f32 v59, v59;
	[tilespmem:s2+$0x1C0] =	vst v62;
	v62 =	vld [tilespmem:s10+$0x530];
	v4 =	vadd.f32 v63, v4;
	v55 =	vmul.f32 v0, v33  }
0x328: {  	v63 =	vld [tilespmem:s10+$0x540];
	v33 =	vmovc v51;
	v3 =	vadd.f32 v50, v3;
	v51 =	vmul.f32 v60, v60;
	v2 =	vadd.f32 v2, v52  }
0x329: {  	[tilespmem:$0x1FD80] =	vst v7;
	v50 =	vld [tilespmem:s10+$0x550];
	v4 =	vadd.f32 v6, v4;
	v6 =	vmul.f32 v61, v61  }
0x32a: {  	v7 =	vmul.f32 v57, v57;
	[tilespmem:s2+$0x100] =	vst v55;
	v3 =	vadd.f32 v51, v3;
	v51 =	vld [tilespmem:s10+$0x560];
	v8 =	vperm.xlane v2, v8  }
0x32b: {  	v55 =	vmul.f32 v0, v35;
	v35 =	vmovc v1;
	v52 =	vld [tilespmem:s10+$0x570];
	v1 =	vadd.f32 v6, v4;
	v4 =	vmul.f32 v58, v58  }
0x32c: {  	v3 =	vadd.f32 v7, v3;
	v7 =	vmul.f32 v62, v62;
	v2 =	vadd.f32 v2, v8  }
0x32d: {  	[tilespmem:s2+$0x110] =	vst v55;
	v55 =	vmul.f32 v0, v34;
	v1 =	vadd.f32 v4, v1;
	v4 =	vmul.f32 v63, v63  }
0x32e: {  	v34 =	vmovc v54;
	v54 =	vmul.f32 v50, v50;
	v3 =	vadd.f32 v7, v3;
	v8 =	vperm.xlane v2, v9  }
0x32f: {  	v1 =	vadd.f32 v4, v1;
	v4 =	vmul.f32 v51, v51  }
0x330: {  	v3 =	vadd.f32 v54, v3;
	v54 =	vmul.f32 v52, v52;
	v2 =	vadd.f32 v2, v8  }
0x331: {  	[tilespmem:s2+$0x120] =	vst v55;
	v55 =	vmul.f32 v0, v36  }
0x332: {  	v1 =	vadd.f32 v4, v1;
	v3 =	vadd.f32 v54, v3;
	v6 =	vperm.xlane v2, v10;
	_ =	sdelay $0x1  }
0x333: {  	[tilespmem:s2+$0x130] =	vst v55;
	v55 =	vmul.f32 v0, v37;
	v54 =	vadd.f32 v3, v1;
	v1 =	vadd.f32 v2, v6  }
0x334: {  	v36 =	vmov v5;
	v5 =	vmul.f32 v0, v39;
	v7 =	vmul.f32 v0, v40  }
0x335: {  	s11 =	sadd.s32 $0x2, s11;
	[tilespmem:s2+$0x140] =	vst v55;
	v55 =	vmul.f32 v0, v38;
	v38 =	vmovc v56;
	v56 =	vmul.f32 v0, v43;
	v3 =	vmax.f32 v1, $1.000000020e-24  }
0x336: {  	p0 =	slt.u32 s11, $0xBE;
	v43 =	vmovc v58;
	v1 =	vmul.f32 v0, v49;
	v49 =	vshra.s32 v3, $0x1;
	v58 =	vmul.f32 $5.000000000e-01, v3;
	v3 =	vld [tilespmem:$0x1FD60]  }
.Ltmp2:
0x337: {  	[tilespmem:s2+$0x160] =	vst v5;
	(pc) =	sbr.rel @p0 .LBB2_6-.Ltmp2, $4  }
0x338: {  	v39 =	vmov v59;
	v40 =	vmov v60;
	[tilespmem:s2+$0x170] =	vst v7;
	v4 =	vmul.f32 v0, v41  }
0x339: {  	v37 =	vmovc v53;
	v41 =	vmov v61;
	v8 =	vmul.f32 v0, v42;
	[tilespmem:s2+$0x150] =	vst v55;
	v55 =	vmul.f32 v0, v44  }
0x33a: {  	v42 =	vmovc v57;
	[tilespmem:s2+$0x500] =	vst v4;
	v44 =	vmov v62;
	v2 =	vmul.f32 v0, v45;
	v57 =	vperm.xlane v54, v11  }
0x33b: {  	s12 =	sadd.s32 $0x100, s12;
	s13 =	sadd.s32 $0x200, s13;
	[tilespmem:s2+$0x510] =	vst v8;
	v11 =	vmovc v12;
	v12 =	vmovc v14;
	v14 =	vmov v15;
	v45 =	vmov v63;
	v53 =	vmul.f32 v0, v3  }
0x33c: {  	v7 =	vld [tilespmem:$0x1FFC0];
	_ =	sdelay $0x1  }
0x33d: {  	[tilespmem:s2+$0x520] =	vst v56  }
0x33e: {  	v3 =	vadd.f32 v54, v57;
	[tilespmem:s2+$0x530] =	vst v55  }
0x33f: {  	v8 =	vld [tilespmem:$0x1FFD0]  }
0x340: {  	v4 =	vperm.xlane v3, v7;
	_ =	sdelay $0x1  }
0x341: {  	v3 =	vadd.f32 v3, v4;
	_ =	sdelay $0x1  }
0x342: {  	[tilespmem:s2+$0x540] =	vst v2;
	v6 =	vperm.xlane v3, v8  }
0x343: {  	[tilespmem:s2+$0x550] =	vst v1  }
0x344: {  	v1 =	vadd.f32 v3, v6;
	v3 =	vld [tilespmem:$0x1FD70];
	_ =	sdelay $0x2  }
0x345: {  	v0 =	vmul.f32 v0, v32  }
0x346: {  	v57 =	vsub.s32 $0x5F3759DF, v49;
	[tilespmem:s2+$0x560] =	vst v53  }
0x347: {  	v5 =	vmul.f32 v57, v58;
	v58 =	vld [tilespmem:$0x1FD80];
	[tilespmem:s2+$0x570] =	vst v0;
	v3 =	vmul.f32 v46, v3  }
0x348: {  	v9 =	vld [tilespmem:$0x1FFE0]  }
0x349: {  	[tilespmem:s2+$0x1D0] =	vst v3  }
0x34a: {  	v3 =	vld [tilespmem:$0x1FD90];
	_ =	sdelay $0x1  }
0x34b: {  	v2 =	vmul.f32 v57, v5  }
0x34c: {  	v5 =	vmul.f32 v46, v58;
	v0 =	vperm.xlane v1, v9  }
0x34d: {  	v59 =	vmul.f32 v46, v14;
	v2 =	vsub.f32 $1.500000000e+00, v2  }
0x34e: {  	[tilespmem:s2+$0x1E0] =	vst v5;
	v0 =	vadd.f32 v1, v0;
	v3 =	vmul.f32 v46, v3  }
0x34f: {  	v2 =	vmul.f32 v57, v2;
	[tilespmem:s2+$0x1F0] =	vst v59;
	v1 =	vmul.f32 v46, v16  }
0x350: {  	v0 =	vmax.f32 v0, $1.000000020e-24;
	[tilespmem:s2+$0x580] =	vst v3  }
0x351: {  	v4 =	vmul.f32 v2, v47;
	v3 =	vld [tilespmem:$0x1FDA0];
	[tilespmem:s2+$0x590] =	vst v1;
	v1 =	vshra.s32 v0, $0x1;
	v0 =	vmul.f32 $5.000000000e-01, v0  }
0x352: {  	v60 =	vmul.f32 v46, v48;
	v1 =	vsub.s32 $0x5F3759DF, v1  }
0x353: {  	v61 =	vmul.f32 v46, v12;
	[tilespmem:s10+$0x5F0] =	vst v4;
	v0 =	vmul.f32 v1, v0  }
0x354: {  	v62 =	vmul.f32 v46, v13;
	[tilespmem:s2+$0x5B0] =	vst v60  }
0x355: {  	v63 =	vmul.f32 v46, v11;
	[tilespmem:s2+$0x5C0] =	vst v61;
	v0 =	vmul.f32 v1, v0  }
0x356: {  	[tilespmem:s2+$0x5D0] =	vst v62;
	v3 =	vmul.f32 v46, v3  }
0x357: {  	v32 =	vmul.f32 v2, v19;
	[tilespmem:s2+$0x5E0] =	vst v63;
	v0 =	vsub.f32 $1.500000000e+00, v0  }
0x358: {  	[tilespmem:s2+$0x5A0] =	vst v3;
	v3 =	vmul.f32 v2, v31  }
0x359: {  	[tilespmem:s10+$0x1B0] =	vst v32;
	v0 =	vmul.f32 v1, v0;
	v1 =	vmul.f32 v2, v17  }
0x35a: {  	[tilespmem:s10+$0x180] =	vst v3;
	v3 =	vmul.f32 v2, v28  }
0x35b: {  	[tilespmem:s10+$0x1C0] =	vst v1;
	v1 =	vmul.f32 v0, v35  }
0x35c: {  	v35 =	vmul.f32 v0, v43;
	[tilespmem:s10+$0x190] =	vst v3  }
0x35d: {  	v3 =	vmul.f32 v2, v18;
	[tilespmem:s10+$0x110] =	vst v1  }
0x35e: {  	v1 =	vmul.f32 v0, v36;
	[tilespmem:s10+$0x520] =	vst v35  }
0x35f: {  	v36 =	vmul.f32 v0, v50;
	[tilespmem:s10+$0x1A0] =	vst v3  }
0x360: {  	v3 =	vmul.f32 v0, v33;
	[tilespmem:s10+$0x130] =	vst v1  }
0x361: {  	v1 =	vmul.f32 v0, v38;
	[tilespmem:s10+$0x550] =	vst v36  }
0x362: {  	[tilespmem:s10+$0x100] =	vst v3;
	v3 =	vmul.f32 v0, v34  }
0x363: {  	v34 =	vmul.f32 v0, v40;
	[tilespmem:s10+$0x150] =	vst v1  }
0x364: {  	v1 =	vmul.f32 v0, v41;
	[tilespmem:s10+$0x120] =	vst v3  }
0x365: {  	v3 =	vmul.f32 v0, v37;
	[tilespmem:s10+$0x170] =	vst v34  }
0x366: {  	[tilespmem:s10+$0x500] =	vst v1;
	v1 =	vmul.f32 v0, v44  }
0x367: {  	[tilespmem:s10+$0x140] =	vst v3;
	v3 =	vmul.f32 v0, v39  }
0x368: {  	[tilespmem:s10+$0x530] =	vst v1;
	v1 =	vmul.f32 v0, v51  }
0x369: {  	[tilespmem:s10+$0x160] =	vst v3;
	v3 =	vmul.f32 v0, v42  }
0x36a: {  	[tilespmem:s10+$0x560] =	vst v1;
	v1 =	vmul.f32 v2, v23  }
0x36b: {  	[tilespmem:s10+$0x510] =	vst v3;
	v3 =	vmul.f32 v0, v45  }
0x36c: {  	v0 =	vmul.f32 v0, v52;
	[tilespmem:s10+$0x1E0] =	vst v1  }
0x36d: {  	v1 =	vmul.f32 v2, v21;
	[tilespmem:s10+$0x540] =	vst v3  }
0x36e: {  	v3 =	vmul.f32 v2, v22;
	[tilespmem:s10+$0x570] =	vst v0  }
0x36f: {  	v0 =	vmul.f32 v2, v24;
	[tilespmem:s10+$0x590] =	vst v1  }
0x370: {  	v1 =	vmul.f32 v2, v30;
	[tilespmem:s10+$0x1D0] =	vst v3  }
0x371: {  	v3 =	vmul.f32 v2, v20;
	[tilespmem:s10+$0x1F0] =	vst v0  }
0x372: {  	v0 =	vmul.f32 v2, v25;
	[tilespmem:s10+$0x5C0] =	vst v1  }
0x373: {  	[tilespmem:s10+$0x580] =	vst v3;
	v3 =	vmul.f32 v2, v26  }
0x374: {  	[tilespmem:s10+$0x5A0] =	vst v0;
	v0 =	vmul.f32 v2, v27  }
0x375: {  	v2 =	vmul.f32 v2, v29;
	[tilespmem:s10+$0x5B0] =	vst v3  }
0x376: {  	[tilespmem:s10+$0x5D0] =	vst v0  }
0x377: {  	[tilespmem:s10+$0x5E0] =	vst v2  }
0x378: {  	[hbm4b:s7+s3] =	stream.linear.scatter [tilespmem:s30], [sflag:$0x5], $0x4000, $0x38;
	[tilespmem:$0x10100] =	vst v63  }
0x379: {  	s13 =	simm.s32 $0x6000;
	s15 =	simm.s32 $0xC000;
	_ =	swait.ge [sflag:s29], $0x4000  }
0x37a: {  	s2 =	sand.u32 $0x300, s13;
	s10 =	sand.u32 $0xF800, s15;
	[sflag:s29] =	ssyncset.done $0x0  }
0x37b: {  	s2 =	sor.u32 s2, s10;
	[sflag:s29] =	ssyncadd.s32 $0xFFFFC000  }
0x37c: {  	v3 =	vld [tilespmem:s2+$0x1B0];
	_ =	sdelay $0x2  }
0x37d: {  	v50 =	vld [tilespmem:s2+$0x180]  }
0x37e: {  	v51 =	vld [tilespmem:s2+$0x190]  }
0x37f: {  	v52 =	vld [tilespmem:s2+$0x1A0];
	[tilespmem:$0x1FD00] =	vst v3  }
0x380: {  	v16 =	vld [tilespmem:s2+$0x1C0];
	_ =	sdelay $0x4  }
0x381: {  	[tilespmem:$0x1FD10] =	vst v16  }
0x382: {  	v15 =	vld [tilespmem:s2+$0x1D0]  }
0x383: {  	v10 =	vld [tilespmem:s2+$0x1E0]  }
0x384: {  	v14 =	vld [tilespmem:s2+$0x1F0]  }
0x385: {  	v17 =	vld [tilespmem:s2+$0x580]  }
0x386: {  	v18 =	vld [tilespmem:s2+$0x590]  }
0x387: {  	v37 =	vld [tilespmem:s2+$0x5A0]  }
0x388: {  	v38 =	vld [tilespmem:s2+$0x5B0]  }
0x389: {  	v12 =	vld [tilespmem:s2+$0x5C0]  }
0x38a: {  	v13 =	vld [tilespmem:s2+$0x5D0]  }
0x38b: {  	v11 =	vld [tilespmem:s2+$0x5E0]  }
0x38c: {  	v44 =	vld [tilespmem:s2+$0x5F0]  }
0x38d: {  	v62 =	vld [tilespmem:s2+$0x100]  }
0x38e: {  	v0 =	vmul.f32 v50, v50;
	v1 =	vmul.f32 v52, v52;
	v60 =	vld [tilespmem:s2+$0x110];
	[tilespmem:$0x1FCC0] =	vst v15  }
0x38f: {  	v2 =	vmul.f32 v51, v51;
	v3 =	vmul.f32 v3, v3;
	v54 =	vld [tilespmem:s2+$0x120];
	[tilespmem:$0x1FCD0] =	vst v10  }
0x390: {  	v58 =	vld [tilespmem:s2+$0x130];
	[tilespmem:$0x1FCE0] =	vst v17  }
0x391: {  	v0 =	vadd.f32 v1, v0;
	v1 =	vadd.f32 v3, v2;
	v3 =	vmul.f32 v10, v10;
	v10 =	vld [tilespmem:s2+$0x140];
	_ =	sdelay $0x3  }
0x392: {  	[tilespmem:$0x1FCF0] =	vst v37  }
0x393: {  	[tilespmem:$0x1FD20] =	vst v10  }
0x394: {  	v2 =	vmul.f32 v15, v15;
	v15 =	vld [tilespmem:s2+$0x150];
	_ =	sdelay $0x4  }
0x395: {  	[tilespmem:$0x1FD30] =	vst v15  }
0x396: {  	v19 =	vld [tilespmem:s2+$0x160];
	_ =	sdelay $0x4  }
0x397: {  	v39 =	vmul.f32 v16, v16;
	[tilespmem:$0x1FD40] =	vst v19  }
0x398: {  	v20 =	vld [tilespmem:s2+$0x170]  }
0x399: {  	v0 =	vadd.f32 v39, v0;
	v40 =	vmul.f32 v17, v17  }
0x39a: {  	v5 =	vmul.f32 v37, v37;
	v1 =	vadd.f32 v2, v1;
	v2 =	vmul.f32 v14, v14  }
0x39b: {  	v41 =	vmul.f32 v12, v12;
	v42 =	vmul.f32 v62, v62  }
0x39c: {  	v0 =	vadd.f32 v3, v0;
	v3 =	vmul.f32 v18, v18;
	v1 =	vadd.f32 v2, v1  }
0x39d: {  	v2 =	vmul.f32 v38, v38;
	v17 =	vmul.f32 v54, v54;
	[tilespmem:$0x1FD50] =	vst v20  }
0x39e: {  	v16 =	vmovc v18;
	v1 =	vadd.f32 v3, v1;
	v3 =	vmul.f32 v60, v60;
	v18 =	vmul.f32 v58, v58;
	v56 =	vld [tilespmem:s2+$0x500]  }
0x39f: {  	v0 =	vadd.f32 v40, v0;
	v4 =	vadd.f32 v17, v42;
	v43 =	vmul.f32 v10, v10;
	v61 =	vld [tilespmem:s2+$0x510]  }
0x3a0: {  	v17 =	vadd.f32 v2, v1;
	v1 =	vadd.f32 v18, v3;
	v3 =	vmul.f32 v15, v15;
	v63 =	vld [tilespmem:s2+$0x520]  }
0x3a1: {  	v18 =	vmul.f32 v13, v13;
	v4 =	vadd.f32 v43, v4;
	v45 =	vmul.f32 v19, v19;
	v55 =	vld [tilespmem:s2+$0x530]  }
0x3a2: {  	v0 =	vadd.f32 v5, v0;
	v3 =	vadd.f32 v3, v1;
	v20 =	vmul.f32 v20, v20;
	v57 =	vld [tilespmem:s2+$0x540]  }
0x3a3: {  	v47 =	vadd.f32 v18, v17;
	v18 =	vmul.f32 v44, v44;
	v4 =	vadd.f32 v45, v4;
	v53 =	vld [tilespmem:s2+$0x550]  }
0x3a4: {  	v59 =	vld [tilespmem:s2+$0x560];
	v3 =	vadd.f32 v20, v3;
	v46 =	vmul.f32 v56, v56;
	v17 =	vmul.f32 v61, v61  }
0x3a5: {  	v0 =	vadd.f32 v41, v0;
	v19 =	vmul.f32 v11, v11;
	v32 =	vld [tilespmem:s2+$0x570];
	v49 =	vmul.f32 v63, v63  }
0x3a6: {  	v10 =	vld [tilespmem:$0x1FFF0];
	v4 =	vadd.f32 v46, v4;
	v3 =	vadd.f32 v17, v3;
	v17 =	vmul.f32 v55, v55  }
0x3a7: {  	v6 =	vadd.f32 v18, v47;
	v0 =	vadd.f32 v19, v0;
	v35 =	vmul.f32 v57, v57  }
0x3a8: {  	v4 =	vadd.f32 v49, v4;
	v3 =	vadd.f32 v17, v3;
	v17 =	vmul.f32 v53, v53  }
0x3a9: {  	v0 =	vadd.f32 v6, v0;
	v36 =	vmul.f32 v59, v59  }
0x3aa: {  	s16 =	simm.s32 $0x6100;
	s11 =	simm.s32 $0xC200;
	v37 =	vmul.f32 v32, v32;
	v4 =	vadd.f32 v35, v4;
	v3 =	vadd.f32 v17, v3  }
0x3ab: {  	s11 =	sand.u32 $0xF800, s11;
	s10 =	sand.u32 $0x300, s16;
	v17 =	vperm.xlane v0, v10  }
0x3ac: {  	s10 =	sor.u32 s10, s11;
	v4 =	vadd.f32 v36, v4;
	v3 =	vadd.f32 v37, v3  }
0x3ad: {  	v31 =	vld [tilespmem:s10+$0x180];
	v0 =	vadd.f32 v0, v17  }
0x3ae: {  	v28 =	vld [tilespmem:s10+$0x190];
	v3 =	vadd.f32 v3, v4  }
0x3af: {  	v48 =	vmov v38;
	v18 =	vld [tilespmem:s10+$0x1A0];
	v38 =	vperm.xlane v0, v7  }
0x3b0: {  	v19 =	vld [tilespmem:s10+$0x1B0];
	v39 =	vperm.xlane v3, v10  }
0x3b1: {  	v22 =	vld [tilespmem:s10+$0x1D0];
	v0 =	vadd.f32 v0, v38  }
0x3b2: {  	v23 =	vld [tilespmem:s10+$0x1E0];
	v3 =	vadd.f32 v3, v39  }
0x3b3: {  	v24 =	vld [tilespmem:s10+$0x1F0];
	v4 =	vperm.xlane v0, v8  }
0x3b4: {  	v40 =	vmul.f32 v31, v31;
	v17 =	vld [tilespmem:s10+$0x1C0];
	v5 =	vperm.xlane v3, v7  }
0x3b5: {  	v21 =	vld [tilespmem:s10+$0x590];
	v41 =	vmul.f32 v28, v28;
	v25 =	vmul.f32 v18, v18;
	v0 =	vadd.f32 v0, v4  }
0x3b6: {  	v20 =	vld [tilespmem:s10+$0x580];
	v26 =	vmul.f32 v19, v19;
	v27 =	vmul.f32 v22, v22;
	v3 =	vadd.f32 v3, v5  }
0x3b7: {  	v45 =	vmul.f32 v23, v23;
	v4 =	vperm.xlane v0, v9  }
0x3b8: {  	v30 =	vld [tilespmem:s10+$0x5C0];
	v47 =	vmul.f32 v24, v24;
	v6 =	vadd.f32 v26, v41;
	v5 =	vperm.xlane v3, v8  }
0x3b9: {  	v26 =	vld [tilespmem:s10+$0x5B0];
	v42 =	vmul.f32 v17, v17;
	v0 =	vadd.f32 v0, v4;
	v4 =	vadd.f32 v25, v40  }
0x3ba: {  	v46 =	vadd.f32 v27, v6;
	v6 =	vmul.f32 v21, v21;
	v25 =	vld [tilespmem:s10+$0x5A0];
	v3 =	vadd.f32 v3, v5  }
0x3bb: {  	v33 =	vld [tilespmem:s10+$0x100];
	v35 =	vmul.f32 v20, v20;
	v0 =	vmax.f32 v0, $1.000000020e-24;
	v4 =	vadd.f32 v42, v4  }
0x3bc: {  	v27 =	vld [tilespmem:s10+$0x5D0];
	v5 =	vadd.f32 v47, v46;
	v43 =	vshra.s32 v0, $0x1;
	v29 =	vperm.xlane v3, v9  }
0x3bd: {  	v34 =	vld [tilespmem:s10+$0x120];
	v0 =	vmul.f32 $5.000000000e-01, v0;
	v4 =	vadd.f32 v45, v4;
	v42 =	vsub.s32 $0x5F3759DF, v43  }
0x3be: {  	v47 =	vld [tilespmem:s10+$0x5F0];
	v5 =	vadd.f32 v6, v5;
	v43 =	vmul.f32 v26, v26;
	v3 =	vadd.f32 v3, v29  }
0x3bf: {  	v46 =	vmul.f32 v30, v30;
	v49 =	vmul.f32 v25, v25;
	v29 =	vld [tilespmem:s10+$0x5E0];
	v4 =	vadd.f32 v35, v4  }
0x3c0: {  	v36 =	vld [tilespmem:s10+$0x130];
	v39 =	vmul.f32 v42, v0;
	v5 =	vadd.f32 v43, v5;
	v3 =	vmax.f32 v3, $1.000000020e-24  }
0x3c1: {  	v37 =	vld [tilespmem:s10+$0x140];
	v4 =	vadd.f32 v49, v4;
	v49 =	vmul.f32 v27, v27;
	v45 =	vshra.s32 v3, $0x1  }
0x3c2: {  	v35 =	vld [tilespmem:s10+$0x110];
	v39 =	vmul.f32 v42, v39;
	v3 =	vmul.f32 $5.000000000e-01, v3;
	v0 =	vsub.s32 $0x5F3759DF, v45  }
0x3c3: {  	v38 =	vld [tilespmem:s10+$0x150];
	v4 =	vadd.f32 v46, v4;
	v5 =	vadd.f32 v49, v5;
	v46 =	vmul.f32 v47, v47  }
0x3c4: {  	v43 =	vsub.f32 $1.500000000e+00, v39;
	v39 =	vld [tilespmem:s10+$0x160];
	v45 =	vmul.f32 v29, v29;
	v3 =	vmul.f32 v0, v3  }
0x3c5: {  	v41 =	vmul.f32 v33, v33;
	v5 =	vadd.f32 v46, v5;
	v46 =	vmul.f32 v34, v34  }
0x3c6: {  	v1 =	vmul.f32 v37, v37;
	v4 =	vadd.f32 v45, v4;
	v3 =	vmul.f32 v0, v3  }
0x3c7: {  	v49 =	vmul.f32 v36, v36;
	v6 =	vmul.f32 v35, v35;
	v2 =	vadd.f32 v46, v41  }
0x3c8: {  	v46 =	vmul.f32 v42, v43;
	v4 =	vadd.f32 v5, v4;
	v3 =	vsub.f32 $1.500000000e+00, v3  }
0x3c9: {  	v5 =	vadd.f32 v49, v6;
	v49 =	vmul.f32 v38, v38;
	v6 =	vmul.f32 v39, v39  }
0x3ca: {  	v45 =	vadd.f32 v1, v2;
	v15 =	vmul.f32 v46, v50;
	v2 =	vperm.xlane v4, v10  }
0x3cb: {  	v0 =	vmul.f32 v0, v3;
	v49 =	vadd.f32 v49, v5;
	v5 =	vmul.f32 v46, v44  }
0x3cc: {  	v41 =	vld [tilespmem:s10+$0x500];
	[tilespmem:s2+$0x180] =	vst v15;
	v3 =	vadd.f32 v4, v2;
	v4 =	vadd.f32 v6, v45;
	v6 =	vmul.f32 v46, v51  }
0x3cd: {  	[tilespmem:s2+$0x5F0] =	vst v5  }
0x3ce: {  	v5 =	vmul.f32 v46, v52;
	v52 =	vld [tilespmem:$0x1FD00];
	[tilespmem:s2+$0x190] =	vst v6  }
0x3cf: {  	v6 =	vld [tilespmem:$0x1FD10]  }
0x3d0: {  	v40 =	vld [tilespmem:s10+$0x170]  }
0x3d1: {  	v2 =	vmul.f32 v41, v41  }
0x3d2: {  	v42 =	vld [tilespmem:s10+$0x510];
	[tilespmem:s2+$0x1A0] =	vst v5;
	v5 =	vmul.f32 v0, v62  }
0x3d3: {  	v43 =	vld [tilespmem:s10+$0x520];
	v2 =	vadd.f32 v2, v4;
	v4 =	vmul.f32 v46, v52  }
0x3d4: {  	v50 =	vld [tilespmem:s10+$0x550];
	[tilespmem:s2+$0x100] =	vst v5;
	v6 =	vmul.f32 v46, v6  }
0x3d5: {  	v1 =	vmul.f32 v40, v40;
	v44 =	vld [tilespmem:s10+$0x530];
	[tilespmem:s2+$0x1B0] =	vst v4;
	v4 =	vmul.f32 v0, v60  }
0x3d6: {  	v45 =	vld [tilespmem:s10+$0x540];
	[tilespmem:s2+$0x1C0] =	vst v6;
	v6 =	vmul.f32 v0, v54  }
0x3d7: {  	v1 =	vadd.f32 v1, v49;
	v49 =	vmul.f32 v42, v42;
	v51 =	vld [tilespmem:s10+$0x560];
	v54 =	vmul.f32 v0, v58;
	[tilespmem:s2+$0x110] =	vst v4  }
0x3d8: {  	v52 =	vld [tilespmem:s10+$0x570];
	[tilespmem:s2+$0x120] =	vst v6  }
0x3d9: {  	v1 =	vadd.f32 v49, v1;
	v49 =	vmul.f32 v43, v43;
	v6 =	vld [tilespmem:$0x1FD20];
	[tilespmem:s2+$0x130] =	vst v54  }
0x3da: {  	v62 =	vmul.f32 v44, v44;
	v54 =	vld [tilespmem:$0x1FD30]  }
0x3db: {  	v7 =	vperm.xlane v3, v7;
	v2 =	vadd.f32 v49, v2;
	v60 =	vmul.f32 v45, v45  }
0x3dc: {  	v1 =	vadd.f32 v62, v1;
	v62 =	vmul.f32 v50, v50  }
0x3dd: {  	v3 =	vadd.f32 v3, v7;
	v2 =	vadd.f32 v60, v2;
	v60 =	vmul.f32 v51, v51  }
0x3de: {  	v1 =	vadd.f32 v62, v1;
	v62 =	vmul.f32 v52, v52;
	v6 =	vmul.f32 v0, v6  }
0x3df: {  	v58 =	vperm.xlane v3, v8;
	v4 =	vmul.f32 v0, v54  }
0x3e0: {  	v2 =	vadd.f32 v60, v2;
	v1 =	vadd.f32 v62, v1;
	[tilespmem:s2+$0x140] =	vst v6  }
0x3e1: {  	v3 =	vadd.f32 v3, v58;
	v5 =	vld [tilespmem:$0x1FD40];
	[tilespmem:s2+$0x150] =	vst v4  }
0x3e2: {  	v54 =	vadd.f32 v1, v2;
	v1 =	vld [tilespmem:$0x1FD50]  }
0x3e3: {  	v58 =	vperm.xlane v3, v9  }
0x3e4: {  	v60 =	vmul.f32 v0, v56  }
0x3e5: {  	v55 =	vmul.f32 v0, v55;
	v62 =	vmul.f32 v0, v61;
	v3 =	vadd.f32 v3, v58  }
0x3e6: {  	v56 =	vmul.f32 v0, v63;
	[tilespmem:s2+$0x500] =	vst v60;
	v5 =	vmul.f32 v0, v5  }
0x3e7: {  	v3 =	vmax.f32 v3, $1.000000020e-24;
	v2 =	vmul.f32 v0, v57;
	[tilespmem:s2+$0x510] =	vst v62;
	v1 =	vmul.f32 v0, v1  }
0x3e8: {  	v58 =	vmul.f32 $5.000000000e-01, v3;
	v57 =	vperm.xlane v54, v10;
	[tilespmem:s2+$0x160] =	vst v5  }
0x3e9: {  	s12 =	simm.s32 $0x6200;
	s13 =	simm.s32 $0xC400;
	s11 =	simm.s32 $0xC2;
	v49 =	vshra.s32 v3, $0x1;
	[tilespmem:s2+$0x170] =	vst v1;
	v1 =	vmul.f32 v0, v53;
	v53 =	vmul.f32 v0, v59  }
.LBB2_8:
0x3ea: {  	v6 =	vld [tilespmem:$0x1FCC0]  }
0x3eb: {  	[tilespmem:s2+$0x520] =	vst v56;
	v8 =	vld [tilespmem:$0x1FFC0]  }
0x3ec: {  	[tilespmem:s2+$0x550] =	vst v1;
	v59 =	vld [tilespmem:$0x1FCE0]  }
0x3ed: {  	v0 =	vmul.f32 v0, v32;
	v9 =	vmov v51;
	[tilespmem:s2+$0x540] =	vst v2;
	v2 =	vld [tilespmem:$0x1FCD0]  }
0x3ee: {  	s15 =	sand.u32 $0xF800, s13;
	s16 =	sand.u32 $0x300, s12;
	v4 =	vsub.s32 $0x5F3759DF, v49;
	[tilespmem:$0x1FCB0] =	vst v9;
	v9 =	vld [tilespmem:$0x1FFD0]  }
0x3ef: {  	s15 =	sor.u32 s16, s15;
	v5 =	vmul.f32 v4, v58;
	[tilespmem:s2+$0x570] =	vst v0;
	v0 =	vld [tilespmem:$0x1FCF0]  }
0x3f0: {  	v49 =	vmovc v50;
	v10 =	vmov v22;
	v1 =	vmul.f32 v46, v14;
	v60 =	vmul.f32 v46, v48;
	[tilespmem:s2+$0x530] =	vst v55;
	v50 =	vld [tilespmem:s15+$0x180]  }
0x3f1: {  	v61 =	vmul.f32 v46, v12;
	v3 =	vadd.f32 v54, v57;
	[tilespmem:$0x1FCC0] =	vst v10;
	v51 =	vld [tilespmem:s15+$0x190];
	v5 =	vmul.f32 v4, v5  }
0x3f2: {  	v32 =	vmovc v52;
	v62 =	vmov v25;
	[tilespmem:s2+$0x560] =	vst v53;
	v54 =	vmul.f32 v46, v16;
	v55 =	vld [tilespmem:s15+$0x1B0];
	v6 =	vmul.f32 v46, v6  }
0x3f3: {  	v52 =	vld [tilespmem:s15+$0x1A0];
	[tilespmem:$0x1FCF0] =	vst v62;
	v10 =	vmovc v20;
	v22 =	vperm.xlane v3, v8;
	v53 =	vmul.f32 v46, v59;
	v5 =	vsub.f32 $1.500000000e+00, v5  }
0x3f4: {  	v57 =	vld [tilespmem:s15+$0x1C0];
	[tilespmem:$0x1FCE0] =	vst v10;
	v2 =	vmul.f32 v46, v2;
	v0 =	vmul.f32 v46, v0  }
0x3f5: {  	v10 =	vld [tilespmem:$0x1FFE0];
	v3 =	vadd.f32 v3, v22;
	[tilespmem:s2+$0x1D0] =	vst v6;
	v4 =	vmul.f32 v4, v5;
	v63 =	vmul.f32 v50, v50  }
0x3f6: {  	v25 =	vmul.f32 v51, v51;
	v22 =	vld [tilespmem:s15+$0x1D0];
	[tilespmem:s2+$0x1E0] =	vst v2;
	v2 =	vmul.f32 v46, v13  }
0x3f7: {  	v7 =	vmovc v23;
	v13 =	vmov v27;
	v27 =	vmul.f32 v55, v55;
	v20 =	vperm.xlane v3, v9;
	v23 =	vld [tilespmem:s15+$0x1E0];
	[tilespmem:s2+$0x1F0] =	vst v1  }
0x3f8: {  	v15 =	vmovc v24;
	v48 =	vmov v26;
	[tilespmem:s2+$0x580] =	vst v53;
	v1 =	vmul.f32 v46, v11;
	v26 =	vmul.f32 v4, v47;
	v24 =	vld [tilespmem:s15+$0x1F0]  }
0x3f9: {  	v46 =	vmov v4;
	v47 =	vmul.f32 v52, v52;
	v3 =	vadd.f32 v3, v20;
	v20 =	vld [tilespmem:s15+$0x580];
	[tilespmem:s2+$0x590] =	vst v54  }
0x3fa: {  	v12 =	vmov v29;
	v16 =	vmov v21;
	v59 =	vmul.f32 v46, v28;
	[tilespmem:s10+$0x5F0] =	vst v26;
	v21 =	vld [tilespmem:s15+$0x590]  }
0x3fb: {  	v29 =	vmul.f32 v57, v57;
	v53 =	vadd.f32 v27, v25;
	v4 =	vadd.f32 v47, v63;
	v25 =	vld [tilespmem:s15+$0x5A0];
	[tilespmem:s2+$0x5A0] =	vst v0  }
0x3fc: {  	v14 =	vmovc v30;
	v28 =	vmov v51;
	v51 =	vld [tilespmem:s15+$0x100];
	[tilespmem:s10+$0x190] =	vst v59;
	v30 =	vperm.xlane v3, v10;
	v27 =	vmul.f32 v22, v22  }
0x3fd: {  	v54 =	vmul.f32 v46, v31;
	v26 =	vld [tilespmem:s15+$0x5B0];
	[tilespmem:s2+$0x5B0] =	vst v60;
	v4 =	vadd.f32 v29, v4;
	v0 =	vmul.f32 v23, v23  }
0x3fe: {  	v3 =	vadd.f32 v3, v30;
	v5 =	vadd.f32 v27, v53;
	v29 =	vmul.f32 v24, v24;
	v30 =	vld [tilespmem:s15+$0x5C0];
	[tilespmem:s2+$0x5C0] =	vst v61  }
0x3ff: {  	[tilespmem:s10+$0x180] =	vst v54;
	v58 =	vmul.f32 v20, v20;
	v27 =	vld [tilespmem:s15+$0x5D0];
	v0 =	vadd.f32 v0, v4  }
0x400: {  	v3 =	vmax.f32 v3, $1.000000020e-24;
	v60 =	vadd.f32 v29, v5;
	v61 =	vmul.f32 v21, v21;
	v29 =	vld [tilespmem:s15+$0x5E0];
	[tilespmem:s2+$0x5D0] =	vst v2  }
0x401: {  	v59 =	vmul.f32 v46, v18;
	v2 =	vmul.f32 v25, v25;
	v47 =	vld [tilespmem:s15+$0x5F0];
	v62 =	vshra.s32 v3, $0x1;
	[tilespmem:s2+$0x5E0] =	vst v1;
	s2 =	smov.u32 s10;
	s10 =	smov.u32 s15  }
0x402: {  	v0 =	vadd.f32 v58, v0;
	v63 =	vmul.f32 v26, v26;
	v4 =	vadd.f32 v61, v60;
	v1 =	vld [tilespmem:s10+$0x110]  }
0x403: {  	v31 =	vmovc v50;
	v3 =	vmul.f32 $5.000000000e-01, v3;
	v50 =	vsub.s32 $0x5F3759DF, v62;
	v54 =	vld [tilespmem:s10+$0x120];
	v58 =	vmul.f32 v30, v30  }
0x404: {  	v5 =	vld [tilespmem:s10+$0x130];
	v0 =	vadd.f32 v2, v0;
	v2 =	vadd.f32 v63, v4;
	v60 =	vmul.f32 v27, v27  }
0x405: {  	v53 =	vld [tilespmem:s10+$0x140];
	v3 =	vmul.f32 v50, v3;
	v61 =	vmul.f32 v29, v29  }
0x406: {  	v11 =	vld [tilespmem:$0x1FFF0];
	v0 =	vadd.f32 v58, v0;
	v2 =	vadd.f32 v60, v2;
	v62 =	vmul.f32 v47, v47  }
0x407: {  	v18 =	vmov v52;
	v52 =	vmul.f32 v46, v19;
	v56 =	vld [tilespmem:s10+$0x150];
	v3 =	vmul.f32 v50, v3  }
0x408: {  	v6 =	vmul.f32 v51, v51;
	[tilespmem:s2+$0x1A0] =	vst v59;
	v59 =	vld [tilespmem:s10+$0x160];
	v0 =	vadd.f32 v61, v0;
	v2 =	vadd.f32 v62, v2  }
0x409: {  	v60 =	vld [tilespmem:s10+$0x170];
	v58 =	vmul.f32 v1, v1;
	v4 =	vmul.f32 v54, v54;
	v3 =	vsub.f32 $1.500000000e+00, v3  }
0x40a: {  	v19 =	vmovc v55;
	v55 =	vmul.f32 v5, v5;
	v61 =	vld [tilespmem:s10+$0x500];
	v63 =	vmul.f32 v53, v53;
	v2 =	vadd.f32 v2, v0  }
0x40b: {  	v62 =	vmul.f32 v46, v17;
	v17 =	vmovc v57;
	v57 =	vld [tilespmem:s10+$0x510];
	v4 =	vadd.f32 v4, v6;
	v0 =	vmul.f32 v50, v3  }
0x40c: {  	[tilespmem:s2+$0x1B0] =	vst v52;
	v3 =	vadd.f32 v55, v58;
	v50 =	vmul.f32 v56, v56;
	v58 =	vld [tilespmem:s10+$0x520];
	v52 =	vperm.xlane v2, v11  }
0x40d: {  	v6 =	vmul.f32 v59, v59;
	[tilespmem:s2+$0x1C0] =	vst v62;
	v62 =	vld [tilespmem:s10+$0x530];
	v4 =	vadd.f32 v63, v4;
	v55 =	vmul.f32 v0, v33  }
0x40e: {  	v63 =	vld [tilespmem:s10+$0x540];
	v33 =	vmovc v51;
	v3 =	vadd.f32 v50, v3;
	v51 =	vmul.f32 v60, v60;
	v2 =	vadd.f32 v2, v52  }
0x40f: {  	[tilespmem:$0x1FCD0] =	vst v7;
	v50 =	vld [tilespmem:s10+$0x550];
	v4 =	vadd.f32 v6, v4;
	v6 =	vmul.f32 v61, v61  }
0x410: {  	v7 =	vmul.f32 v57, v57;
	[tilespmem:s2+$0x100] =	vst v55;
	v3 =	vadd.f32 v51, v3;
	v51 =	vld [tilespmem:s10+$0x560];
	v8 =	vperm.xlane v2, v8  }
0x411: {  	v55 =	vmul.f32 v0, v35;
	v35 =	vmovc v1;
	v52 =	vld [tilespmem:s10+$0x570];
	v1 =	vadd.f32 v6, v4;
	v4 =	vmul.f32 v58, v58  }
0x412: {  	v3 =	vadd.f32 v7, v3;
	v7 =	vmul.f32 v62, v62;
	v2 =	vadd.f32 v2, v8  }
0x413: {  	[tilespmem:s2+$0x110] =	vst v55;
	v55 =	vmul.f32 v0, v34;
	v1 =	vadd.f32 v4, v1;
	v4 =	vmul.f32 v63, v63  }
0x414: {  	v34 =	vmovc v54;
	v54 =	vmul.f32 v50, v50;
	v3 =	vadd.f32 v7, v3;
	v8 =	vperm.xlane v2, v9  }
0x415: {  	v1 =	vadd.f32 v4, v1;
	v4 =	vmul.f32 v51, v51  }
0x416: {  	v3 =	vadd.f32 v54, v3;
	v54 =	vmul.f32 v52, v52;
	v2 =	vadd.f32 v2, v8  }
0x417: {  	[tilespmem:s2+$0x120] =	vst v55;
	v55 =	vmul.f32 v0, v36  }
0x418: {  	v1 =	vadd.f32 v4, v1;
	v3 =	vadd.f32 v54, v3;
	v6 =	vperm.xlane v2, v10;
	_ =	sdelay $0x1  }
0x419: {  	[tilespmem:s2+$0x130] =	vst v55;
	v55 =	vmul.f32 v0, v37;
	v54 =	vadd.f32 v3, v1;
	v1 =	vadd.f32 v2, v6  }
0x41a: {  	v36 =	vmov v5;
	v5 =	vmul.f32 v0, v39;
	v7 =	vmul.f32 v0, v40  }
0x41b: {  	s11 =	sadd.s32 $0x2, s11;
	[tilespmem:s2+$0x140] =	vst v55;
	v55 =	vmul.f32 v0, v38;
	v38 =	vmovc v56;
	v56 =	vmul.f32 v0, v43;
	v3 =	vmax.f32 v1, $1.000000020e-24  }
0x41c: {  	p0 =	slt.u32 s11, $0xFE;
	v43 =	vmovc v58;
	v1 =	vmul.f32 v0, v49;
	v49 =	vshra.s32 v3, $0x1;
	v58 =	vmul.f32 $5.000000000e-01, v3;
	v3 =	vld [tilespmem:$0x1FCB0]  }
.Ltmp3:
0x41d: {  	[tilespmem:s2+$0x160] =	vst v5;
	(pc) =	sbr.rel @p0 .LBB2_8-.Ltmp3, $4  }
0x41e: {  	v39 =	vmov v59;
	v40 =	vmov v60;
	[tilespmem:s2+$0x170] =	vst v7;
	v4 =	vmul.f32 v0, v41  }
0x41f: {  	v37 =	vmovc v53;
	v41 =	vmov v61;
	v8 =	vmul.f32 v0, v42;
	[tilespmem:s2+$0x150] =	vst v55;
	v55 =	vmul.f32 v0, v44  }
0x420: {  	v42 =	vmovc v57;
	[tilespmem:s2+$0x500] =	vst v4;
	v44 =	vmov v62;
	v2 =	vmul.f32 v0, v45;
	v57 =	vperm.xlane v54, v11  }
0x421: {  	s12 =	sadd.s32 $0x100, s12;
	s13 =	sadd.s32 $0x200, s13;
	[tilespmem:s2+$0x510] =	vst v8;
	v11 =	vmovc v12;
	v12 =	vmovc v14;
	v14 =	vmov v15;
	v45 =	vmov v63;
	v53 =	vmul.f32 v0, v3  }
0x422: {  	v4 =	vld [tilespmem:$0x1FFC0];
	_ =	sdelay $0x1  }
0x423: {  	[tilespmem:s2+$0x520] =	vst v56  }
0x424: {  	v3 =	vadd.f32 v54, v57;
	[tilespmem:s2+$0x530] =	vst v55  }
0x425: {  	v6 =	vld [tilespmem:$0x1FFD0];
	[tilespmem:s2+$0x540] =	vst v2  }
0x426: {  	[tilespmem:s2+$0x550] =	vst v1;
	v4 =	vperm.xlane v3, v4  }
0x427: {  	v9 =	vld [tilespmem:$0x1FCC0]  }
0x428: {  	v3 =	vadd.f32 v3, v4;
	_ =	sdelay $0x1  }
0x429: {  	v4 =	vsub.s32 $0x5F3759DF, v49;
	v6 =	vperm.xlane v3, v6  }
0x42a: {  	v0 =	vmul.f32 v0, v32;
	v5 =	vmul.f32 v4, v58  }
0x42b: {  	[tilespmem:s2+$0x560] =	vst v53;
	v63 =	vadd.f32 v3, v6;
	v3 =	vmul.f32 v46, v9  }
0x42c: {  	v62 =	vmul.f32 v4, v5;
	v5 =	vld [tilespmem:$0x1FCD0];
	[tilespmem:s2+$0x570] =	vst v0  }
0x42d: {  	v0 =	vld [tilespmem:$0x1FFE0];
	[tilespmem:s2+$0x1D0] =	vst v3  }
0x42e: {  	v3 =	vld [tilespmem:$0x1FCE0];
	_ =	sdelay $0x2  }
0x42f: {  	v6 =	vmul.f32 v46, v14;
	v2 =	vsub.f32 $1.500000000e+00, v62  }
0x430: {  	v5 =	vmul.f32 v46, v5  }
0x431: {  	v2 =	vmul.f32 v4, v2;
	[tilespmem:s2+$0x1F0] =	vst v6;
	v3 =	vmul.f32 v46, v3  }
0x432: {  	v10 =	vmul.f32 v46, v16;
	[tilespmem:s2+$0x1E0] =	vst v5  }
0x433: {  	v4 =	vmul.f32 v2, v47;
	[tilespmem:s2+$0x580] =	vst v3  }
0x434: {  	v5 =	vmul.f32 v46, v48;
	v3 =	vld [tilespmem:$0x1FCF0];
	[tilespmem:s2+$0x590] =	vst v10  }
0x435: {  	v15 =	vmul.f32 v2, v31;
	[tilespmem:s10+$0x5F0] =	vst v4  }
0x436: {  	v16 =	vmul.f32 v2, v28;
	[tilespmem:s2+$0x5B0] =	vst v5  }
0x437: {  	v28 =	vmul.f32 v2, v18;
	[tilespmem:s10+$0x180] =	vst v15  }
0x438: {  	v31 =	vmul.f32 v2, v17;
	[tilespmem:s10+$0x190] =	vst v16  }
0x439: {  	v0 =	vperm.xlane v63, v0;
	v55 =	vmul.f32 v2, v22;
	[tilespmem:s10+$0x1A0] =	vst v28  }
0x43a: {  	v56 =	vmul.f32 v2, v23;
	[tilespmem:s10+$0x1C0] =	vst v31  }
0x43b: {  	v57 =	vmul.f32 v2, v24;
	v0 =	vadd.f32 v63, v0;
	[tilespmem:s10+$0x1D0] =	vst v55  }
0x43c: {  	v58 =	vmul.f32 v2, v20;
	[tilespmem:s10+$0x1E0] =	vst v56  }
0x43d: {  	v59 =	vmul.f32 v2, v21;
	v0 =	vmax.f32 v0, $1.000000020e-24;
	[tilespmem:s10+$0x1F0] =	vst v57  }
0x43e: {  	v60 =	vmul.f32 v2, v25;
	v14 =	vshra.s32 v0, $0x1;
	v0 =	vmul.f32 $5.000000000e-01, v0;
	[tilespmem:s10+$0x580] =	vst v58  }
0x43f: {  	v61 =	vmul.f32 v2, v26;
	v1 =	vsub.s32 $0x5F3759DF, v14;
	[tilespmem:s10+$0x590] =	vst v59  }
0x440: {  	v62 =	vmul.f32 v2, v30;
	[tilespmem:s10+$0x5A0] =	vst v60;
	v0 =	vmul.f32 v1, v0  }
0x441: {  	v4 =	vmul.f32 v46, v12;
	[tilespmem:s10+$0x5B0] =	vst v61  }
0x442: {  	v63 =	vmul.f32 v2, v27;
	[tilespmem:s10+$0x5C0] =	vst v62;
	v0 =	vmul.f32 v1, v0  }
0x443: {  	[tilespmem:s2+$0x5C0] =	vst v4;
	v4 =	vmul.f32 v46, v11  }
0x444: {  	v5 =	vmul.f32 v46, v13;
	[tilespmem:s10+$0x5D0] =	vst v63;
	v0 =	vsub.f32 $1.500000000e+00, v0  }
0x445: {  	[tilespmem:s2+$0x5E0] =	vst v4;
	v4 =	vmul.f32 v2, v19  }
0x446: {  	[tilespmem:s2+$0x5D0] =	vst v5;
	v2 =	vmul.f32 v2, v29;
	v0 =	vmul.f32 v1, v0  }
0x447: {  	v3 =	vmul.f32 v46, v3;
	[tilespmem:s10+$0x1B0] =	vst v4  }
0x448: {  	[tilespmem:s10+$0x5E0] =	vst v2;
	v32 =	vmul.f32 v0, v33  }
0x449: {  	[tilespmem:s2+$0x5A0] =	vst v3;
	v33 =	vmul.f32 v0, v35  }
0x44a: {  	v35 =	vmul.f32 v0, v34;
	[tilespmem:s10+$0x100] =	vst v32  }
0x44b: {  	v36 =	vmul.f32 v0, v36;
	[tilespmem:s10+$0x110] =	vst v33  }
0x44c: {  	v37 =	vmul.f32 v0, v37;
	[tilespmem:s10+$0x120] =	vst v35  }
0x44d: {  	v38 =	vmul.f32 v0, v38;
	[tilespmem:s10+$0x130] =	vst v36  }
0x44e: {  	v46 =	vmul.f32 v0, v39;
	[tilespmem:s10+$0x140] =	vst v37  }
0x44f: {  	v4 =	vmul.f32 v0, v40;
	[tilespmem:s10+$0x150] =	vst v38  }
0x450: {  	v47 =	vmul.f32 v0, v41;
	[tilespmem:s10+$0x160] =	vst v46  }
0x451: {  	v48 =	vmul.f32 v0, v42;
	[tilespmem:s10+$0x170] =	vst v4  }
0x452: {  	v49 =	vmul.f32 v0, v44;
	[tilespmem:s10+$0x500] =	vst v47  }
0x453: {  	v53 =	vmul.f32 v0, v45;
	[tilespmem:s10+$0x510] =	vst v48  }
0x454: {  	v4 =	vmul.f32 v0, v43;
	[tilespmem:s10+$0x530] =	vst v49  }
0x455: {  	v54 =	vmul.f32 v0, v51;
	[tilespmem:s10+$0x540] =	vst v53  }
0x456: {  	[tilespmem:s10+$0x520] =	vst v4;
	v4 =	vmul.f32 v0, v50  }
0x457: {  	[tilespmem:s10+$0x560] =	vst v54;
	v0 =	vmul.f32 v0, v52  }
0x458: {  	[tilespmem:s10+$0x550] =	vst v4  }
0x459: {  	[tilespmem:s10+$0x570] =	vst v0  }
0x45a: {  	[hbm4b:s8+s3] =	stream.linear.scatter [tilespmem:s14], [sflag:$0x5], $0x4000, $0x38;
	[tilespmem:$0x10100] =	vst v63  }
0x45b: {  	_ =	swait.ge [sflag:s31], $0x4000  }
0x45c: {  	[sflag:s31] =	ssyncset.done $0x0  }
0x45d: {  	[sflag:s31] =	ssyncadd.s32 $0xFFFFC000  }
0x45e: {  	_ =	swait.ge [sflag:s31], $0x4000  }
0x45f: {  	[sflag:s31] =	ssyncset.done $0x0  }
0x460: {  	s0 =	sadd.s32 $0x1, s0;
	[sflag:s31] =	ssyncadd.s32 $0xFFFFC000  }
0x461: {  	p0 =	sne.s32 s0, s9;
	_ =	swait.ge [sflag:s31], $0x4000  }
.Ltmp4:
0x462: {  	[sflag:s31] =	ssyncset.done $0x0;
	(pc) =	sbr.rel @p0 .LBB2_1-.Ltmp4, $4  }
0x463: {  	[sflag:s31] =	ssyncadd.s32 $0xFFFFC000  }
0x464: {  	_ =	swait.ge [sflag:s31], $0x4000  }
0x465: {  	[sflag:s31] =	ssyncset.done $0x0  }
0x466: {  	v7 =	vld [tilespmem:$0x1FFF0];
	[sflag:s31] =	ssyncadd.s32 $0xFFFFC000  }
0x467: {  	_ =	sfence.sel $0x180000  }
0x468: {  	[bflag:$0x0] =	sbarrier.arrive $0xFFFF  }
0x469: {  	_ =	strace $0x90000047  }
0x46a: {  	s0 =	stileid.u32;
	[bflag:$0x2] =	sbarrier.arrive $0xFFFF  }
0x46b: {  	p0 =	sne.s32 s0, $0x0;
	s0 =	rddreg [dreg:$0x3]  }
0x46c: {  	s0 =	sadd.s32 @!p0 $0x100000, s0  }
0x46d: {  	[sflag:s0] =	ssyncadd.tile.s32 @!p0 $0x1;
	_ =	shalt  }
.Lfunc_end2:
_tile_overlayer_lowered:
.L_overlay_start_2:
0x46e: {  	(tag) =	ssettag $0x2  }
0x46f: {  	s0 =	rddreg [dreg:$0x0];
	s2 =	stileid.u32  }
0x470: {  	s1 =	rddreg [dreg:$0x1];
	p0 =	sne.s32 s2, $0x0  }
0x471: {  	s3 =	rddreg [dreg:$0x2];
	[bflag:$0x3] =	sbarrier.arrive $0xFFFF;
	s2 =	simm.s32 @!p0 $0x1C06  }
0x472: {  	[timem:s3], [sflag:s2] =	dma.local @!p0 [hbm:s0], s1  }
0x473: {  	s0 =	simm.s32 @!p0 $0x6  }
0x474: {  	_ =	swait.ge @!p0 [sflag:s0], s1  }
0x475: {  	s1 =	ssub.s32 @!p0 $0x0, s1;
	[sflag:s0] =	ssyncset.done @!p0 $0x0  }
0x476: {  	[sflag:s0] =	ssyncadd.s32 @!p0 s1  }
0x477: {  	[bflag:$0x3] =	sbarrier.arrive $0xFFFF  }
0x478: {  	_ =	shalt  }

</sc_bundles>
